<compile_context>
chip_gen: v7x
topology: tpu7x:2x2x1
jax: 0.10.2.dev20260603
libtpu: 0.0.44.dev20260713+nightly
codegen_flags: <defaults>
</compile_context>

<pallas_src>
import functools

import jax
import jax.numpy as jnp
from jax import lax
from jax.experimental import pallas as pl
from jax.experimental.pallas import tpu as pltpu
from jax.experimental.pallas import tpu_sc as plsc

N = 10000
E = 50000
D_IN = 32
D_EDGE = 32
H = 64
F1 = 128

NC = 2
NS = 16
NW = NC * NS

SUB = 112
NSUB = 14
CHUNK = NSUB * SUB
E_PAD = NW * CHUNK
BE = 1024

N_PAD = 10240
TILE_N = N_PAD // NS
BN = 1000



def _edge_body(ea_ref, xs_ref, w1t_ref, b1_ref, wbigt_ref, bmt_ref, out_ref, *, d_in):
    ea = ea_ref[...]
    xs = xs_ref[...].T
    h = jnp.dot(w1t_ref[...], ea, preferred_element_type=jnp.float32)
    h = jnp.maximum(h + b1_ref[...], 0.0)
    y = (h[:, None, :] * xs[None, :, :]).reshape(64 * d_in, BE)
    m = jnp.dot(wbigt_ref[...], y, preferred_element_type=jnp.float32)
    m = m + jnp.dot(bmt_ref[...], xs, preferred_element_type=jnp.float32)
    out_ref[...] = m.T


def _edge_call(ea, xs, w1t, b1c, wbigt, bmt, d_in):
    grid = (E_PAD // BE,)
    return pl.pallas_call(
        functools.partial(_edge_body, d_in=d_in),
        grid=grid,
        in_specs=[
            pl.BlockSpec((D_EDGE, BE), lambda i: (0, i)),
            pl.BlockSpec((BE, d_in), lambda i: (i, 0)),
            pl.BlockSpec((64, D_EDGE), lambda i: (0, 0)),
            pl.BlockSpec((64, 1), lambda i: (0, 0)),
            pl.BlockSpec((64, 64 * d_in), lambda i: (0, 0)),
            pl.BlockSpec((64, d_in), lambda i: (0, 0)),
        ],
        out_specs=pl.BlockSpec((BE, 64), lambda i: (i, 0)),
        out_shape=jax.ShapeDtypeStruct((E_PAD, 64), jnp.float32),
    )(ea, xs, w1t, b1c, wbigt, bmt)



def _elu(v):
    return jnp.where(v > 0.0, v, jnp.exp(jnp.minimum(v, 0.0)) - 1.0)


def _node1_body(s0, c0, x, root, b, out):
    cnt = jnp.max(c0[...], axis=1, keepdims=True)
    mean = s0[...] / jnp.maximum(cnt, 1.0)
    v = mean + jnp.dot(x[...], root[...], preferred_element_type=jnp.float32) + b[...]
    out[...] = _elu(v)


def _node1_call(s0, c0, x, root1, b1r):
    grid = (N // BN,)
    f = pl.BlockSpec((BN, 64), lambda i: (i, 0))
    g = pl.BlockSpec((BN, 16), lambda i: (i, 0))
    return pl.pallas_call(
        _node1_body,
        grid=grid,
        in_specs=[f, g,
                  pl.BlockSpec((BN, D_IN), lambda i: (i, 0)),
                  pl.BlockSpec((D_IN, 64), lambda i: (0, 0)),
                  pl.BlockSpec((1, 64), lambda i: (0, 0))],
        out_specs=f,
        out_shape=jax.ShapeDtypeStruct((N, 64), jnp.float32),
    )(s0, c0, x, root1, b1r)


def _node2_body(s0, c0, h, root, b, wf, bf, out):
    cnt = jnp.max(c0[...], axis=1, keepdims=True)
    mean = s0[...] / jnp.maximum(cnt, 1.0)
    v = mean + jnp.dot(h[...], root[...], preferred_element_type=jnp.float32) + b[...]
    t = _elu(v)
    u = jnp.dot(t, wf[...], preferred_element_type=jnp.float32) + bf[...]
    out[...] = _elu(u)


def _node2_call(s0, c0, h1, root2, b2r, wf, bfr):
    grid = (N // BN,)
    f = pl.BlockSpec((BN, 64), lambda i: (i, 0))
    g = pl.BlockSpec((BN, 16), lambda i: (i, 0))
    return pl.pallas_call(
        _node2_body,
        grid=grid,
        in_specs=[f, g, f,
                  pl.BlockSpec((64, 64), lambda i: (0, 0)),
                  pl.BlockSpec((1, 64), lambda i: (0, 0)),
                  pl.BlockSpec((64, F1), lambda i: (0, 0)),
                  pl.BlockSpec((1, F1), lambda i: (0, 0))],
        out_specs=pl.BlockSpec((BN, F1), lambda i: (i, 0)),
        out_shape=jax.ShapeDtypeStruct((N, F1), jnp.float32),
    )(s0, c0, h1, root2, b2r, wf, bfr)



@functools.lru_cache(maxsize=None)
def _make_gather(d):
    mesh = plsc.VectorSubcoreMesh(core_axis_name="c", subcore_axis_name="s",
                                  num_cores=NC, num_subcores=NS)

    @functools.partial(
        pl.kernel,
        out_type=pltpu.HBM((E_PAD, d), jnp.float32),
        mesh=mesh,
        compiler_params=pltpu.CompilerParams(use_tc_tiling_on_sc=False),
        scratch_types=[
            pltpu.VMEM((CHUNK,), jnp.int32),
            pltpu.VMEM((CHUNK, d), jnp.float32),
            pltpu.SemaphoreType.DMA,
            pltpu.SemaphoreType.DMA,
        ],
    )
    def gather_k(tab_hbm, idx_hbm, out_hbm, idx_v, rows_v, gsem, wsem):
        c = lax.axis_index("c")
        s = lax.axis_index("s")
        wid = s * NC + c
        base = wid * CHUNK
        pltpu.sync_copy(idx_hbm.at[pl.ds(base, CHUNK)], idx_v)
        npipe = 4
        sub = CHUNK // npipe
        gets = [
            pltpu.async_copy(tab_hbm.at[idx_v.at[pl.ds(j * sub, sub)]],
                             rows_v.at[pl.ds(j * sub, sub)], gsem)
            for j in range(npipe)
        ]
        puts = []
        for j in range(npipe):
            gets[j].wait()
            puts.append(pltpu.async_copy(
                rows_v.at[pl.ds(j * sub, sub)],
                out_hbm.at[pl.ds(base + j * sub, sub)], wsem))
        for p in puts:
            p.wait()

    return gather_k


NSUB_SC = E_PAD // NS // SUB
QTR = NSUB_SC // 4


@functools.lru_cache(maxsize=None)
def _make_scatter(with_cnt):
    mesh = plsc.VectorSubcoreMesh(core_axis_name="c", subcore_axis_name="s",
                                  num_cores=1, num_subcores=NS)
    out_type = [pltpu.HBM((N_PAD, 64), jnp.float32)]
    scratch = [
        pltpu.VMEM((NSUB_SC, SUB), jnp.int32),
        pltpu.VMEM((QTR, SUB, 64), jnp.float32),
        pltpu.VMEM_SHARED((N_PAD, 64), jnp.float32),
    ]
    if with_cnt:
        out_type.append(pltpu.HBM((N_PAD, 16), jnp.float32))
        scratch.append(pltpu.VMEM((SUB, 16), jnp.float32))
        scratch.append(pltpu.VMEM_SHARED((N_PAD, 16), jnp.float32))

    @functools.partial(pl.kernel, out_type=out_type, mesh=mesh,
                       compiler_params=pltpu.CompilerParams(
                           use_tc_tiling_on_sc=False),
                       scratch_types=scratch)
    def scatter_k(msg_hbm, idx_hbm, zeros_hbm, zeros16_hbm, ones_hbm, *refs):
        if with_cnt:
            out_hbm, cnt_hbm, idx_v, msg_v, acc, ones_v, cacc = refs
        else:
            out_hbm, idx_v, msg_v, acc = refs
        s = lax.axis_index("s")
        pltpu.sync_copy(zeros_hbm, acc.at[pl.ds(s * TILE_N, TILE_N)])
        if with_cnt:
            pltpu.sync_copy(zeros16_hbm, cacc.at[pl.ds(s * TILE_N, TILE_N)])
            pltpu.sync_copy(ones_hbm, ones_v)
        pltpu.sync_copy(idx_hbm.at[s], idx_v)
        plsc.subcore_barrier()
        for q in range(4):
            pltpu.sync_copy(msg_hbm.at[pl.ds(s * NSUB_SC + q * QTR, QTR)],
                            msg_v)

            @pl.loop(0, QTR)
            def _scatter_one(j):
                pltpu.sync_copy(msg_v.at[j],
                                acc.at[idx_v.at[q * QTR + j]], add=True)
                if with_cnt:
                    pltpu.sync_copy(ones_v,
                                    cacc.at[idx_v.at[q * QTR + j]],
                                    add=True)
        plsc.subcore_barrier()
        pltpu.sync_copy(acc.at[pl.ds(s * TILE_N, TILE_N)],
                        out_hbm.at[pl.ds(s * TILE_N, TILE_N)])
        if with_cnt:
            pltpu.sync_copy(cacc.at[pl.ds(s * TILE_N, TILE_N)],
                            cnt_hbm.at[pl.ds(s * TILE_N, TILE_N)])

    return scatter_k



def kernel(x, edge_index, edge_attr, W1a, b1a, W2a, b2a, root1, bias1,
           W1b, b1b, W2b, b2b, root2, bias2, Wf, bf):
    src = edge_index[0].astype(jnp.int32)
    dst = edge_index[1].astype(jnp.int32)
    src2 = jnp.concatenate([src, jnp.zeros((E_PAD - E,), jnp.int32)])
    dst_sc = jnp.concatenate(
        [dst, jnp.full((E_PAD - E,), N, jnp.int32)]).reshape(NS, NSUB_SC, SUB)
    ea_t = jnp.pad(edge_attr, ((0, E_PAD - E), (0, 0))).T
    zeros64 = jnp.zeros((TILE_N, 64), jnp.float32)
    zeros16 = jnp.zeros((TILE_N, 16), jnp.float32)
    ones16 = jnp.ones((SUB, 16), jnp.float32)

    w1t_a = W1a.T
    b1c_a = b1a.reshape(64, 1)
    wbigt_a = W2a.reshape(64 * D_IN, H).T
    bmt_a = b2a.reshape(D_IN, H).T
    w1t_b = W1b.T
    b1c_b = b1b.reshape(64, 1)
    wbigt_b = W2b.reshape(64 * H, H).T
    bmt_b = b2b.reshape(H, H).T

    xs = _make_gather(D_IN)(x, src2)
    msg = _edge_call(ea_t, xs, w1t_a, b1c_a, wbigt_a, bmt_a, D_IN)
    msg3 = msg.reshape(NS * NSUB_SC, SUB, 64)
    sums1, cnts = _make_scatter(True)(msg3, dst_sc, zeros64, zeros16, ones16)
    h1 = _node1_call(sums1, cnts, x, root1, bias1.reshape(1, 64))

    hs = _make_gather(H)(h1, src2)
    msg2 = _edge_call(ea_t, hs, w1t_b, b1c_b, wbigt_b, bmt_b, H)
    msg3b = msg2.reshape(NS * NSUB_SC, SUB, 64)
    sums2, _ = _make_scatter(True)(msg3b, dst_sc, zeros64, zeros16, ones16)
    out = _node2_call(sums2, cnts, h1, root2, bias2.reshape(1, 64),
                      Wf, bf.reshape(1, F1))
    return out

# --- scband reference (transcript-rebuilt; emitter-appended) ---
"""Pipeline reference for scband-nnconv-net-81939386073494 (READ-ONLY COPY).

The authoritative reference and input builder live on the scoring server;
editing this copy changes nothing except your own understanding.
"""

import jax, jax.numpy as jnp
import numpy as np

N = 10000
E = 50000
D_IN = 32
D_EDGE = 32
H = 64
F1 = 128


def _edge_nn(e, W1, b1, W2, b2):
    h = jax.nn.relu(e @ W1 + b1)
    return h @ W2 + b2


def _nnconv(x, src, dst, edge_attr, W1, b1, W2, b2, root, bias, in_c, out_c):
    # NNConv: per-edge weight matrix from edge MLP, message = x_src @ W(e), aggr='mean'
    w = _edge_nn(edge_attr, W1, b1, W2, b2).reshape(-1, in_c, out_c)
    msg = jnp.einsum('ei,eio->eo', x[src], w)
    n = x.shape[0]
    s = jax.ops.segment_sum(msg, dst, num_segments=n)
    cnt = jax.ops.segment_sum(jnp.ones(dst.shape[0], jnp.float32), dst, num_segments=n)
    mean = s / jnp.clip(cnt, 1.0)[:, None]
    return mean + x @ root + bias


def setup_inputs(seed: int = 0):
    key = jax.random.key(seed)
    ks = jax.random.split(key, 20)
    inp = {}
    inp['x'] = jax.random.normal(ks[0], (N, D_IN), dtype=jnp.float32)
    inp['edge_index'] = jax.random.randint(ks[1], (2, E), 0, N, dtype=jnp.int32).astype(jnp.int64)
    inp['edge_attr'] = jax.random.normal(ks[2], (E, D_EDGE), dtype=jnp.float32)
    inp['W1a'] = jax.random.normal(ks[3], (D_EDGE, 64), dtype=jnp.float32) * 0.05
    inp['b1a'] = jnp.zeros((64,), jnp.float32)
    inp['W2a'] = jax.random.normal(ks[4], (64, D_IN * H), dtype=jnp.float32) * 0.05
    inp['b2a'] = jnp.zeros((D_IN * H,), jnp.float32)
    inp['root1'] = jax.random.normal(ks[5], (D_IN, H), dtype=jnp.float32) * 0.05
    inp['bias1'] = jnp.zeros((H,), jnp.float32)
    inp['W1b'] = jax.random.normal(ks[6], (D_EDGE, 64), dtype=jnp.float32) * 0.05
    inp['b1b'] = jnp.zeros((64,), jnp.float32)
    inp['W2b'] = jax.random.normal(ks[7], (64, H * H), dtype=jnp.float32) * 0.05
    inp['b2b'] = jnp.zeros((H * H,), jnp.float32)
    inp['root2'] = jax.random.normal(ks[8], (H, H), dtype=jnp.float32) * 0.05
    inp['bias2'] = jnp.zeros((H,), jnp.float32)
    inp['Wf'] = jax.random.normal(ks[9], (H, F1), dtype=jnp.float32) * 0.05
    inp['bf'] = jnp.zeros((F1,), jnp.float32)
    return inp


def reference(x, edge_index, edge_attr, W1a, b1a, W2a, b2a, root1, bias1, W1b, b1b, W2b, b2b, root2, bias2, Wf, bf):
    src = edge_index[0]
    dst = edge_index[1]
    h = jax.nn.elu(_nnconv(x, src, dst, edge_attr, W1a, b1a, W2a, b2a, root1, bias1, D_IN, H))
    h = jax.nn.elu(_nnconv(h, src, dst, edge_attr, W1b, b1b, W2b, b2b, root2, bias2, H, H))
    h = jax.nn.elu(h @ Wf + bf)
    # F.dropout with training=False is identity (eval mode)
    return h

if __name__ == "__main__":
    import jax
    _d = setup_inputs()
    print(jax.jit(kernel)(*tuple(_d.values())))

</pallas_src>

<mosaic_0001>
#map = affine_map<(d0, d1) -> (0, 0)>
#map1 = affine_map<(d0, d1) -> (0)>
module attributes {stable_mosaic.version = 14 : i64} {
  func.func @gather_k(%arg0: i32, %arg1: i32, %arg2: memref<10000x64xf32, #tpu.memory_space<hbm>>, %arg3: memref<50176xi32, #tpu.memory_space<hbm>>, %arg4: memref<50176x64xf32, #tpu.memory_space<hbm>>, %arg5: memref<1568xi32, #tpu.memory_space<vmem>>, %arg6: memref<1568x64xf32, #tpu.memory_space<vmem>>, %arg7: memref<!tpu.dma_semaphore, #tpu.memory_space<semaphore_mem>>, %arg8: memref<!tpu.dma_semaphore, #tpu.memory_space<semaphore_mem>>) attributes {dimension_semantics = [#tpu.dimension_semantics<core_parallel>, #tpu.dimension_semantics<subcore_parallel>], iteration_bounds = array<i64: 2, 16>, scalar_prefetch = 0 : i64, scratch_operands = 4 : i64, tpu.core_type = #tpu.core_type<sc_vector_subcore>, window_params = [{transform_indices = #map}, {transform_indices = #map1}, {transform_indices = #map}]} {
    %mul3A = arith.constant 2 : i32
    %mul3A_0 = arith.muli %arg1, %mul3A : i32
    %add3A = arith.addi %mul3A_0, %arg0 : i32
    %mul3A_1 = arith.constant 1568 : i32
    %mul3A_2 = arith.muli %add3A, %mul3A_1 : i32
    "tpu.region"() ({
      %run_scoped3A = tpu.sem_alloc : memref<!tpu.dma_semaphore, #tpu.memory_space<semaphore_mem>>
      %dma_start3A_153 = tpu.memref_slice %arg3[%mul3A_2] : memref<50176xi32, #tpu.memory_space<hbm>> -> memref<1568xi32, #tpu.memory_space<hbm>>
      %dma_start3A_154 = tpu.memref_slice %arg3[%mul3A_2] : memref<50176xi32, #tpu.memory_space<hbm>> -> memref<1568xi32, #tpu.memory_space<hbm>>
      tpu.enqueue_dma source(%dma_start3A_154 : memref<1568xi32, #tpu.memory_space<hbm>>) target(%arg5 : memref<1568xi32, #tpu.memory_space<vmem>>) target_semaphore(%run_scoped3A : memref<!tpu.dma_semaphore, #tpu.memory_space<semaphore_mem>>)
      %dma_wait3A_155 = tpu.memref_slice %arg3[%mul3A_2] : memref<50176xi32, #tpu.memory_space<hbm>> -> memref<1568xi32, #tpu.memory_space<hbm>>
      %dma_wait3A_156 = tpu.memref_slice %arg3[%mul3A_2] : memref<50176xi32, #tpu.memory_space<hbm>> -> memref<1568xi32, #tpu.memory_space<hbm>>
      tpu.wait_dma2 semaphore(%run_scoped3A : memref<!tpu.dma_semaphore, #tpu.memory_space<semaphore_mem>>) src(%dma_wait3A_156 : memref<1568xi32, #tpu.memory_space<hbm>>) dst(%arg5 : memref<1568xi32, #tpu.memory_space<vmem>>)
      tpu.yield
    }) : () -> ()
    %dma_start3A = arith.constant 0 : i32
    %dma_start3A_3 = arith.constant 0 : i32
    %dma_start3A_4 = tpu.memref_slice %arg6[%dma_start3A, %dma_start3A_3] : memref<1568x64xf32, #tpu.memory_space<vmem>> -> memref<392x64xf32, #tpu.memory_space<vmem>>
    %dma_start3A_5 = arith.constant 0 : i32
    %dma_start3A_6 = tpu.memref_slice %arg5[%dma_start3A_5] : memref<1568xi32, #tpu.memory_space<vmem>> -> memref<392xi32, #tpu.memory_space<vmem>>
    %dma_start3A_7 = arith.constant 0 : i32
    %dma_start3A_8 = arith.constant 0 : i32
    %dma_start3A_9 = tpu.memref_slice %arg2[%dma_start3A_7, %dma_start3A_8] : memref<10000x64xf32, #tpu.memory_space<hbm>> -> memref<10000x64xf32, #tpu.memory_space<hbm>>
    tpu.enqueue_indirect_dma source(%dma_start3A_9 : memref<10000x64xf32, #tpu.memory_space<hbm>>) target(%dma_start3A_4 : memref<392x64xf32, #tpu.memory_space<vmem>>) offsets(%dma_start3A_6 : memref<392xi32, #tpu.memory_space<vmem>>) semaphore(%arg7 : memref<!tpu.dma_semaphore, #tpu.memory_space<semaphore_mem>>)
    %dma_start3A_10 = arith.constant 392 : i32
    %dma_start3A_11 = arith.constant 0 : i32
    %dma_start3A_12 = tpu.memref_slice %arg6[%dma_start3A_10, %dma_start3A_11] : memref<1568x64xf32, #tpu.memory_space<vmem>> -> memref<392x64xf32, #tpu.memory_space<vmem>>
    %dma_start3A_13 = arith.constant 392 : i32
    %dma_start3A_14 = tpu.memref_slice %arg5[%dma_start3A_13] : memref<1568xi32, #tpu.memory_space<vmem>> -> memref<392xi32, #tpu.memory_space<vmem>>
    %dma_start3A_15 = arith.constant 0 : i32
    %dma_start3A_16 = arith.constant 0 : i32
    %dma_start3A_17 = tpu.memref_slice %arg2[%dma_start3A_15, %dma_start3A_16] : memref<10000x64xf32, #tpu.memory_space<hbm>> -> memref<10000x64xf32, #tpu.memory_space<hbm>>
    tpu.enqueue_indirect_dma source(%dma_start3A_17 : memref<10000x64xf32, #tpu.memory_space<hbm>>) target(%dma_start3A_12 : memref<392x64xf32, #tpu.memory_space<vmem>>) offsets(%dma_start3A_14 : memref<392xi32, #tpu.memory_space<vmem>>) semaphore(%arg7 : memref<!tpu.dma_semaphore, #tpu.memory_space<semaphore_mem>>)
    %dma_start3A_18 = arith.constant 784 : i32
    %dma_start3A_19 = arith.constant 0 : i32
    %dma_start3A_20 = tpu.memref_slice %arg6[%dma_start3A_18, %dma_start3A_19] : memref<1568x64xf32, #tpu.memory_space<vmem>> -> memref<392x64xf32, #tpu.memory_space<vmem>>
    %dma_start3A_21 = arith.constant 784 : i32
    %dma_start3A_22 = tpu.memref_slice %arg5[%dma_start3A_21] : memref<1568xi32, #tpu.memory_space<vmem>> -> memref<392xi32, #tpu.memory_space<vmem>>
    %dma_start3A_23 = arith.constant 0 : i32
    %dma_start3A_24 = arith.constant 0 : i32
    %dma_start3A_25 = tpu.memref_slice %arg2[%dma_start3A_23, %dma_start3A_24] : memref<10000x64xf32, #tpu.memory_space<hbm>> -> memref<10000x64xf32, #tpu.memory_space<hbm>>
    tpu.enqueue_indirect_dma source(%dma_start3A_25 : memref<10000x64xf32, #tpu.memory_space<hbm>>) target(%dma_start3A_20 : memref<392x64xf32, #tpu.memory_space<vmem>>) offsets(%dma_start3A_22 : memref<392xi32, #tpu.memory_space<vmem>>) semaphore(%arg7 : memref<!tpu.dma_semaphore, #tpu.memory_space<semaphore_mem>>)
    %dma_start3A_26 = arith.constant 1176 : i32
    %dma_start3A_27 = arith.constant 0 : i32
    %dma_start3A_28 = tpu.memref_slice %arg6[%dma_start3A_26, %dma_start3A_27] : memref<1568x64xf32, #tpu.memory_space<vmem>> -> memref<392x64xf32, #tpu.memory_space<vmem>>
    %dma_start3A_29 = arith.constant 1176 : i32
    %dma_start3A_30 = tpu.memref_slice %arg5[%dma_start3A_29] : memref<1568xi32, #tpu.memory_space<vmem>> -> memref<392xi32, #tpu.memory_space<vmem>>
    %dma_start3A_31 = arith.constant 0 : i32
    %dma_start3A_32 = arith.constant 0 : i32
    %dma_start3A_33 = tpu.memref_slice %arg2[%dma_start3A_31, %dma_start3A_32] : memref<10000x64xf32, #tpu.memory_space<hbm>> -> memref<10000x64xf32, #tpu.memory_space<hbm>>
    tpu.enqueue_indirect_dma source(%dma_start3A_33 : memref<10000x64xf32, #tpu.memory_space<hbm>>) target(%dma_start3A_28 : memref<392x64xf32, #tpu.memory_space<vmem>>) offsets(%dma_start3A_30 : memref<392xi32, #tpu.memory_space<vmem>>) semaphore(%arg7 : memref<!tpu.dma_semaphore, #tpu.memory_space<semaphore_mem>>)
    %dma_wait3A = arith.constant 0 : i32
    %dma_wait3A_34 = arith.constant 0 : i32
    %dma_wait3A_35 = tpu.memref_slice %arg6[%dma_wait3A, %dma_wait3A_34] : memref<1568x64xf32, #tpu.memory_space<vmem>> -> memref<392x64xf32, #tpu.memory_space<vmem>>
    %dma_wait3A_36 = arith.constant 0 : i32
    %dma_wait3A_37 = tpu.memref_slice %arg5[%dma_wait3A_36] : memref<1568xi32, #tpu.memory_space<vmem>> -> memref<392xi32, #tpu.memory_space<vmem>>
    %dma_wait3A_38 = arith.constant 0 : i32
    %dma_wait3A_39 = arith.constant 0 : i32
    %dma_wait3A_40 = tpu.memref_slice %arg2[%dma_wait3A_38, %dma_wait3A_39] : memref<10000x64xf32, #tpu.memory_space<hbm>> -> memref<10000x64xf32, #tpu.memory_space<hbm>>
    tpu.wait_indirect_dma semaphore(%arg7 : memref<!tpu.dma_semaphore, #tpu.memory_space<semaphore_mem>>) src(%dma_wait3A_40 : memref<10000x64xf32, #tpu.memory_space<hbm>>) dst(%dma_wait3A_35 : memref<392x64xf32, #tpu.memory_space<vmem>>)
    %add3A_41 = arith.constant 0 : i32
    %add3A_42 = arith.addi %mul3A_2, %add3A_41 : i32
    %dma_start3A_43 = arith.constant 0 : i32
    %dma_start3A_44 = arith.constant 0 : i32
    %dma_start3A_45 = tpu.memref_slice %arg6[%dma_start3A_43, %dma_start3A_44] : memref<1568x64xf32, #tpu.memory_space<vmem>> -> memref<392x64xf32, #tpu.memory_space<vmem>>
    %dma_start3A_46 = arith.constant 0 : i32
    %dma_start3A_47 = tpu.memref_slice %arg4[%add3A_42, %dma_start3A_46] : memref<50176x64xf32, #tpu.memory_space<hbm>> -> memref<392x64xf32, #tpu.memory_space<hbm>>
    %dma_start3A_48 = arith.constant 0 : i32
    %dma_start3A_49 = tpu.memref_slice %arg4[%add3A_42, %dma_start3A_48] : memref<50176x64xf32, #tpu.memory_space<hbm>> -> memref<392x64xf32, #tpu.memory_space<hbm>>
    %dma_start3A_50 = arith.constant 0 : i32
    %dma_start3A_51 = arith.constant 0 : i32
    %dma_start3A_52 = tpu.memref_slice %arg6[%dma_start3A_50, %dma_start3A_51] : memref<1568x64xf32, #tpu.memory_space<vmem>> -> memref<392x64xf32, #tpu.memory_space<vmem>>
    tpu.enqueue_dma source(%dma_start3A_52 : memref<392x64xf32, #tpu.memory_space<vmem>>) target(%dma_start3A_49 : memref<392x64xf32, #tpu.memory_space<hbm>>) target_semaphore(%arg8 : memref<!tpu.dma_semaphore, #tpu.memory_space<semaphore_mem>>)
    %dma_wait3A_53 = arith.constant 392 : i32
    %dma_wait3A_54 = arith.constant 0 : i32
    %dma_wait3A_55 = tpu.memref_slice %arg6[%dma_wait3A_53, %dma_wait3A_54] : memref<1568x64xf32, #tpu.memory_space<vmem>> -> memref<392x64xf32, #tpu.memory_space<vmem>>
    %dma_wait3A_56 = arith.constant 392 : i32
    %dma_wait3A_57 = tpu.memref_slice %arg5[%dma_wait3A_56] : memref<1568xi32, #tpu.memory_space<vmem>> -> memref<392xi32, #tpu.memory_space<vmem>>
    %dma_wait3A_58 = arith.constant 0 : i32
    %dma_wait3A_59 = arith.constant 0 : i32
    %dma_wait3A_60 = tpu.memref_slice %arg2[%dma_wait3A_58, %dma_wait3A_59] : memref<10000x64xf32, #tpu.memory_space<hbm>> -> memref<10000x64xf32, #tpu.memory_space<hbm>>
    tpu.wait_indirect_dma semaphore(%arg7 : memref<!tpu.dma_semaphore, #tpu.memory_space<semaphore_mem>>) src(%dma_wait3A_60 : memref<10000x64xf32, #tpu.memory_space<hbm>>) dst(%dma_wait3A_55 : memref<392x64xf32, #tpu.memory_space<vmem>>)
    %add3A_61 = arith.constant 392 : i32
    %add3A_62 = arith.addi %mul3A_2, %add3A_61 : i32
    %dma_start3A_63 = arith.constant 392 : i32
    %dma_start3A_64 = arith.constant 0 : i32
    %dma_start3A_65 = tpu.memref_slice %arg6[%dma_start3A_63, %dma_start3A_64] : memref<1568x64xf32, #tpu.memory_space<vmem>> -> memref<392x64xf32, #tpu.memory_space<vmem>>
    %dma_start3A_66 = arith.constant 0 : i32
    %dma_start3A_67 = tpu.memref_slice %arg4[%add3A_62, %dma_start3A_66] : memref<50176x64xf32, #tpu.memory_space<hbm>> -> memref<392x64xf32, #tpu.memory_space<hbm>>
    %dma_start3A_68 = arith.constant 0 : i32
    %dma_start3A_69 = tpu.memref_slice %arg4[%add3A_62, %dma_start3A_68] : memref<50176x64xf32, #tpu.memory_space<hbm>> -> memref<392x64xf32, #tpu.memory_space<hbm>>
    %dma_start3A_70 = arith.constant 392 : i32
    %dma_start3A_71 = arith.constant 0 : i32
    %dma_start3A_72 = tpu.memref_slice %arg6[%dma_start3A_70, %dma_start3A_71] : memref<1568x64xf32, #tpu.memory_space<vmem>> -> memref<392x64xf32, #tpu.memory_space<vmem>>
    tpu.enqueue_dma source(%dma_start3A_72 : memref<392x64xf32, #tpu.memory_space<vmem>>) target(%dma_start3A_69 : memref<392x64xf32, #tpu.memory_space<hbm>>) target_semaphore(%arg8 : memref<!tpu.dma_semaphore, #tpu.memory_space<semaphore_mem>>)
    %dma_wait3A_73 = arith.constant 784 : i32
    %dma_wait3A_74 = arith.constant 0 : i32
    %dma_wait3A_75 = tpu.memref_slice %arg6[%dma_wait3A_73, %dma_wait3A_74] : memref<1568x64xf32, #tpu.memory_space<vmem>> -> memref<392x64xf32, #tpu.memory_space<vmem>>
    %dma_wait3A_76 = arith.constant 784 : i32
    %dma_wait3A_77 = tpu.memref_slice %arg5[%dma_wait3A_76] : memref<1568xi32, #tpu.memory_space<vmem>> -> memref<392xi32, #tpu.memory_space<vmem>>
    %dma_wait3A_78 = arith.constant 0 : i32
    %dma_wait3A_79 = arith.constant 0 : i32
    %dma_wait3A_80 = tpu.memref_slice %arg2[%dma_wait3A_78, %dma_wait3A_79] : memref<10000x64xf32, #tpu.memory_space<hbm>> -> memref<10000x64xf32, #tpu.memory_space<hbm>>
    tpu.wait_indirect_dma semaphore(%arg7 : memref<!tpu.dma_semaphore, #tpu.memory_space<semaphore_mem>>) src(%dma_wait3A_80 : memref<10000x64xf32, #tpu.memory_space<hbm>>) dst(%dma_wait3A_75 : memref<392x64xf32, #tpu.memory_space<vmem>>)
    %add3A_81 = arith.constant 784 : i32
    %add3A_82 = arith.addi %mul3A_2, %add3A_81 : i32
    %dma_start3A_83 = arith.constant 784 : i32
    %dma_start3A_84 = arith.constant 0 : i32
    %dma_start3A_85 = tpu.memref_slice %arg6[%dma_start3A_83, %dma_start3A_84] : memref<1568x64xf32, #tpu.memory_space<vmem>> -> memref<392x64xf32, #tpu.memory_space<vmem>>
    %dma_start3A_86 = arith.constant 0 : i32
    %dma_start3A_87 = tpu.memref_slice %arg4[%add3A_82, %dma_start3A_86] : memref<50176x64xf32, #tpu.memory_space<hbm>> -> memref<392x64xf32, #tpu.memory_space<hbm>>
    %dma_start3A_88 = arith.constant 0 : i32
    %dma_start3A_89 = tpu.memref_slice %arg4[%add3A_82, %dma_start3A_88] : memref<50176x64xf32, #tpu.memory_space<hbm>> -> memref<392x64xf32, #tpu.memory_space<hbm>>
    %dma_start3A_90 = arith.constant 784 : i32
    %dma_start3A_91 = arith.constant 0 : i32
    %dma_start3A_92 = tpu.memref_slice %arg6[%dma_start3A_90, %dma_start3A_91] : memref<1568x64xf32, #tpu.memory_space<vmem>> -> memref<392x64xf32, #tpu.memory_space<vmem>>
    tpu.enqueue_dma source(%dma_start3A_92 : memref<392x64xf32, #tpu.memory_space<vmem>>) target(%dma_start3A_89 : memref<392x64xf32, #tpu.memory_space<hbm>>) target_semaphore(%arg8 : memref<!tpu.dma_semaphore, #tpu.memory_space<semaphore_mem>>)
    %dma_wait3A_93 = arith.constant 1176 : i32
    %dma_wait3A_94 = arith.constant 0 : i32
    %dma_wait3A_95 = tpu.memref_slice %arg6[%dma_wait3A_93, %dma_wait3A_94] : memref<1568x64xf32, #tpu.memory_space<vmem>> -> memref<392x64xf32, #tpu.memory_space<vmem>>
    %dma_wait3A_96 = arith.constant 1176 : i32
    %dma_wait3A_97 = tpu.memref_slice %arg5[%dma_wait3A_96] : memref<1568xi32, #tpu.memory_space<vmem>> -> memref<392xi32, #tpu.memory_space<vmem>>
    %dma_wait3A_98 = arith.constant 0 : i32
    %dma_wait3A_99 = arith.constant 0 : i32
    %dma_wait3A_100 = tpu.memref_slice %arg2[%dma_wait3A_98, %dma_wait3A_99] : memref<10000x64xf32, #tpu.memory_space<hbm>> -> memref<10000x64xf32, #tpu.memory_space<hbm>>
    tpu.wait_indirect_dma semaphore(%arg7 : memref<!tpu.dma_semaphore, #tpu.memory_space<semaphore_mem>>) src(%dma_wait3A_100 : memref<10000x64xf32, #tpu.memory_space<hbm>>) dst(%dma_wait3A_95 : memref<392x64xf32, #tpu.memory_space<vmem>>)
    %add3A_101 = arith.constant 1176 : i32
    %add3A_102 = arith.addi %mul3A_2, %add3A_101 : i32
    %dma_start3A_103 = arith.constant 1176 : i32
    %dma_start3A_104 = arith.constant 0 : i32
    %dma_start3A_105 = tpu.memref_slice %arg6[%dma_start3A_103, %dma_start3A_104] : memref<1568x64xf32, #tpu.memory_space<vmem>> -> memref<392x64xf32, #tpu.memory_space<vmem>>
    %dma_start3A_106 = arith.constant 0 : i32
    %dma_start3A_107 = tpu.memref_slice %arg4[%add3A_102, %dma_start3A_106] : memref<50176x64xf32, #tpu.memory_space<hbm>> -> memref<392x64xf32, #tpu.memory_space<hbm>>
    %dma_start3A_108 = arith.constant 0 : i32
    %dma_start3A_109 = tpu.memref_slice %arg4[%add3A_102, %dma_start3A_108] : memref<50176x64xf32, #tpu.memory_space<hbm>> -> memref<392x64xf32, #tpu.memory_space<hbm>>
    %dma_start3A_110 = arith.constant 1176 : i32
    %dma_start3A_111 = arith.constant 0 : i32
    %dma_start3A_112 = tpu.memref_slice %arg6[%dma_start3A_110, %dma_start3A_111] : memref<1568x64xf32, #tpu.memory_space<vmem>> -> memref<392x64xf32, #tpu.memory_space<vmem>>
    tpu.enqueue_dma source(%dma_start3A_112 : memref<392x64xf32, #tpu.memory_space<vmem>>) target(%dma_start3A_109 : memref<392x64xf32, #tpu.memory_space<hbm>>) target_semaphore(%arg8 : memref<!tpu.dma_semaphore, #tpu.memory_space<semaphore_mem>>)
    %dma_wait3A_113 = arith.constant 0 : i32
    %dma_wait3A_114 = arith.constant 0 : i32
    %dma_wait3A_115 = tpu.memref_slice %arg6[%dma_wait3A_113, %dma_wait3A_114] : memref<1568x64xf32, #tpu.memory_space<vmem>> -> memref<392x64xf32, #tpu.memory_space<vmem>>
    %dma_wait3A_116 = arith.constant 0 : i32
    %dma_wait3A_117 = tpu.memref_slice %arg4[%add3A_42, %dma_wait3A_116] : memref<50176x64xf32, #tpu.memory_space<hbm>> -> memref<392x64xf32, #tpu.memory_space<hbm>>
    %dma_wait3A_118 = arith.constant 0 : i32
    %dma_wait3A_119 = tpu.memref_slice %arg4[%add3A_42, %dma_wait3A_118] : memref<50176x64xf32, #tpu.memory_space<hbm>> -> memref<392x64xf32, #tpu.memory_space<hbm>>
    %dma_wait3A_120 = arith.constant 0 : i32
    %dma_wait3A_121 = arith.constant 0 : i32
    %dma_wait3A_122 = tpu.memref_slice %arg6[%dma_wait3A_120, %dma_wait3A_121] : memref<1568x64xf32, #tpu.memory_space<vmem>> -> memref<392x64xf32, #tpu.memory_space<vmem>>
    tpu.wait_dma2 semaphore(%arg8 : memref<!tpu.dma_semaphore, #tpu.memory_space<semaphore_mem>>) src(%dma_wait3A_122 : memref<392x64xf32, #tpu.memory_space<vmem>>) dst(%dma_wait3A_119 : memref<392x64xf32, #tpu.memory_space<hbm>>)
    %dma_wait3A_123 = arith.constant 392 : i32
    %dma_wait3A_124 = arith.constant 0 : i32
    %dma_wait3A_125 = tpu.memref_slice %arg6[%dma_wait3A_123, %dma_wait3A_124] : memref<1568x64xf32, #tpu.memory_space<vmem>> -> memref<392x64xf32, #tpu.memory_space<vmem>>
    %dma_wait3A_126 = arith.constant 0 : i32
    %dma_wait3A_127 = tpu.memref_slice %arg4[%add3A_62, %dma_wait3A_126] : memref<50176x64xf32, #tpu.memory_space<hbm>> -> memref<392x64xf32, #tpu.memory_space<hbm>>
    %dma_wait3A_128 = arith.constant 0 : i32
    %dma_wait3A_129 = tpu.memref_slice %arg4[%add3A_62, %dma_wait3A_128] : memref<50176x64xf32, #tpu.memory_space<hbm>> -> memref<392x64xf32, #tpu.memory_space<hbm>>
    %dma_wait3A_130 = arith.constant 392 : i32
    %dma_wait3A_131 = arith.constant 0 : i32
    %dma_wait3A_132 = tpu.memref_slice %arg6[%dma_wait3A_130, %dma_wait3A_131] : memref<1568x64xf32, #tpu.memory_space<vmem>> -> memref<392x64xf32, #tpu.memory_space<vmem>>
    tpu.wait_dma2 semaphore(%arg8 : memref<!tpu.dma_semaphore, #tpu.memory_space<semaphore_mem>>) src(%dma_wait3A_132 : memref<392x64xf32, #tpu.memory_space<vmem>>) dst(%dma_wait3A_129 : memref<392x64xf32, #tpu.memory_space<hbm>>)
    %dma_wait3A_133 = arith.constant 784 : i32
    %dma_wait3A_134 = arith.constant 0 : i32
    %dma_wait3A_135 = tpu.memref_slice %arg6[%dma_wait3A_133, %dma_wait3A_134] : memref<1568x64xf32, #tpu.memory_space<vmem>> -> memref<392x64xf32, #tpu.memory_space<vmem>>
    %dma_wait3A_136 = arith.constant 0 : i32
    %dma_wait3A_137 = tpu.memref_slice %arg4[%add3A_82, %dma_wait3A_136] : memref<50176x64xf32, #tpu.memory_space<hbm>> -> memref<392x64xf32, #tpu.memory_space<hbm>>
    %dma_wait3A_138 = arith.constant 0 : i32
    %dma_wait3A_139 = tpu.memref_slice %arg4[%add3A_82, %dma_wait3A_138] : memref<50176x64xf32, #tpu.memory_space<hbm>> -> memref<392x64xf32, #tpu.memory_space<hbm>>
    %dma_wait3A_140 = arith.constant 784 : i32
    %dma_wait3A_141 = arith.constant 0 : i32
    %dma_wait3A_142 = tpu.memref_slice %arg6[%dma_wait3A_140, %dma_wait3A_141] : memref<1568x64xf32, #tpu.memory_space<vmem>> -> memref<392x64xf32, #tpu.memory_space<vmem>>
    tpu.wait_dma2 semaphore(%arg8 : memref<!tpu.dma_semaphore, #tpu.memory_space<semaphore_mem>>) src(%dma_wait3A_142 : memref<392x64xf32, #tpu.memory_space<vmem>>) dst(%dma_wait3A_139 : memref<392x64xf32, #tpu.memory_space<hbm>>)
    %dma_wait3A_143 = arith.constant 1176 : i32
    %dma_wait3A_144 = arith.constant 0 : i32
    %dma_wait3A_145 = tpu.memref_slice %arg6[%dma_wait3A_143, %dma_wait3A_144] : memref<1568x64xf32, #tpu.memory_space<vmem>> -> memref<392x64xf32, #tpu.memory_space<vmem>>
    %dma_wait3A_146 = arith.constant 0 : i32
    %dma_wait3A_147 = tpu.memref_slice %arg4[%add3A_102, %dma_wait3A_146] : memref<50176x64xf32, #tpu.memory_space<hbm>> -> memref<392x64xf32, #tpu.memory_space<hbm>>
    %dma_wait3A_148 = arith.constant 0 : i32
    %dma_wait3A_149 = tpu.memref_slice %arg4[%add3A_102, %dma_wait3A_148] : memref<50176x64xf32, #tpu.memory_space<hbm>> -> memref<392x64xf32, #tpu.memory_space<hbm>>
    %dma_wait3A_150 = arith.constant 1176 : i32
    %dma_wait3A_151 = arith.constant 0 : i32
    %dma_wait3A_152 = tpu.memref_slice %arg6[%dma_wait3A_150, %dma_wait3A_151] : memref<1568x64xf32, #tpu.memory_space<vmem>> -> memref<392x64xf32, #tpu.memory_space<vmem>>
    tpu.wait_dma2 semaphore(%arg8 : memref<!tpu.dma_semaphore, #tpu.memory_space<semaphore_mem>>) src(%dma_wait3A_152 : memref<392x64xf32, #tpu.memory_space<vmem>>) dst(%dma_wait3A_149 : memref<392x64xf32, #tpu.memory_space<hbm>>)
    return
  }
}

#map = affine_map<(d0, d1) -> (0, 0)>
#map1 = affine_map<(d0, d1) -> (0)>
module attributes {stable_mosaic.version = 14 : i64} {
  func.func @gather_k(%arg0: i32, %arg1: i32, %arg2: memref<10000x32xf32, #tpu.memory_space<hbm>>, %arg3: memref<50176xi32, #tpu.memory_space<hbm>>, %arg4: memref<50176x32xf32, #tpu.memory_space<hbm>>, %arg5: memref<1568xi32, #tpu.memory_space<vmem>>, %arg6: memref<1568x32xf32, #tpu.memory_space<vmem>>, %arg7: memref<!tpu.dma_semaphore, #tpu.memory_space<semaphore_mem>>, %arg8: memref<!tpu.dma_semaphore, #tpu.memory_space<semaphore_mem>>) attributes {dimension_semantics = [#tpu.dimension_semantics<core_parallel>, #tpu.dimension_semantics<subcore_parallel>], iteration_bounds = array<i64: 2, 16>, scalar_prefetch = 0 : i64, scratch_operands = 4 : i64, tpu.core_type = #tpu.core_type<sc_vector_subcore>, window_params = [{transform_indices = #map}, {transform_indices = #map1}, {transform_indices = #map}]} {
    %mul3A = arith.constant 2 : i32
    %mul3A_0 = arith.muli %arg1, %mul3A : i32
    %add3A = arith.addi %mul3A_0, %arg0 : i32
    %mul3A_1 = arith.constant 1568 : i32
    %mul3A_2 = arith.muli %add3A, %mul3A_1 : i32
    "tpu.region"() ({
      %run_scoped3A = tpu.sem_alloc : memref<!tpu.dma_semaphore, #tpu.memory_space<semaphore_mem>>
      %dma_start3A_153 = tpu.memref_slice %arg3[%mul3A_2] : memref<50176xi32, #tpu.memory_space<hbm>> -> memref<1568xi32, #tpu.memory_space<hbm>>
      %dma_start3A_154 = tpu.memref_slice %arg3[%mul3A_2] : memref<50176xi32, #tpu.memory_space<hbm>> -> memref<1568xi32, #tpu.memory_space<hbm>>
      tpu.enqueue_dma source(%dma_start3A_154 : memref<1568xi32, #tpu.memory_space<hbm>>) target(%arg5 : memref<1568xi32, #tpu.memory_space<vmem>>) target_semaphore(%run_scoped3A : memref<!tpu.dma_semaphore, #tpu.memory_space<semaphore_mem>>)
      %dma_wait3A_155 = tpu.memref_slice %arg3[%mul3A_2] : memref<50176xi32, #tpu.memory_space<hbm>> -> memref<1568xi32, #tpu.memory_space<hbm>>
      %dma_wait3A_156 = tpu.memref_slice %arg3[%mul3A_2] : memref<50176xi32, #tpu.memory_space<hbm>> -> memref<1568xi32, #tpu.memory_space<hbm>>
      tpu.wait_dma2 semaphore(%run_scoped3A : memref<!tpu.dma_semaphore, #tpu.memory_space<semaphore_mem>>) src(%dma_wait3A_156 : memref<1568xi32, #tpu.memory_space<hbm>>) dst(%arg5 : memref<1568xi32, #tpu.memory_space<vmem>>)
      tpu.yield
    }) : () -> ()
    %dma_start3A = arith.constant 0 : i32
    %dma_start3A_3 = arith.constant 0 : i32
    %dma_start3A_4 = tpu.memref_slice %arg6[%dma_start3A, %dma_start3A_3] : memref<1568x32xf32, #tpu.memory_space<vmem>> -> memref<392x32xf32, #tpu.memory_space<vmem>>
    %dma_start3A_5 = arith.constant 0 : i32
    %dma_start3A_6 = tpu.memref_slice %arg5[%dma_start3A_5] : memref<1568xi32, #tpu.memory_space<vmem>> -> memref<392xi32, #tpu.memory_space<vmem>>
    %dma_start3A_7 = arith.constant 0 : i32
    %dma_start3A_8 = arith.constant 0 : i32
    %dma_start3A_9 = tpu.memref_slice %arg2[%dma_start3A_7, %dma_start3A_8] : memref<10000x32xf32, #tpu.memory_space<hbm>> -> memref<10000x32xf32, #tpu.memory_space<hbm>>
    tpu.enqueue_indirect_dma source(%dma_start3A_9 : memref<10000x32xf32, #tpu.memory_space<hbm>>) target(%dma_start3A_4 : memref<392x32xf32, #tpu.memory_space<vmem>>) offsets(%dma_start3A_6 : memref<392xi32, #tpu.memory_space<vmem>>) semaphore(%arg7 : memref<!tpu.dma_semaphore, #tpu.memory_space<semaphore_mem>>)
    %dma_start3A_10 = arith.constant 392 : i32
    %dma_start3A_11 = arith.constant 0 : i32
    %dma_start3A_12 = tpu.memref_slice %arg6[%dma_start3A_10, %dma_start3A_11] : memref<1568x32xf32, #tpu.memory_space<vmem>> -> memref<392x32xf32, #tpu.memory_space<vmem>>
    %dma_start3A_13 = arith.constant 392 : i32
    %dma_start3A_14 = tpu.memref_slice %arg5[%dma_start3A_13] : memref<1568xi32, #tpu.memory_space<vmem>> -> memref<392xi32, #tpu.memory_space<vmem>>
    %dma_start3A_15 = arith.constant 0 : i32
    %dma_start3A_16 = arith.constant 0 : i32
    %dma_start3A_17 = tpu.memref_slice %arg2[%dma_start3A_15, %dma_start3A_16] : memref<10000x32xf32, #tpu.memory_space<hbm>> -> memref<10000x32xf32, #tpu.memory_space<hbm>>
    tpu.enqueue_indirect_dma source(%dma_start3A_17 : memref<10000x32xf32, #tpu.memory_space<hbm>>) target(%dma_start3A_12 : memref<392x32xf32, #tpu.memory_space<vmem>>) offsets(%dma_start3A_14 : memref<392xi32, #tpu.memory_space<vmem>>) semaphore(%arg7 : memref<!tpu.dma_semaphore, #tpu.memory_space<semaphore_mem>>)
    %dma_start3A_18 = arith.constant 784 : i32
    %dma_start3A_19 = arith.constant 0 : i32
    %dma_start3A_20 = tpu.memref_slice %arg6[%dma_start3A_18, %dma_start3A_19] : memref<1568x32xf32, #tpu.memory_space<vmem>> -> memref<392x32xf32, #tpu.memory_space<vmem>>
    %dma_start3A_21 = arith.constant 784 : i32
    %dma_start3A_22 = tpu.memref_slice %arg5[%dma_start3A_21] : memref<1568xi32, #tpu.memory_space<vmem>> -> memref<392xi32, #tpu.memory_space<vmem>>
    %dma_start3A_23 = arith.constant 0 : i32
    %dma_start3A_24 = arith.constant 0 : i32
    %dma_start3A_25 = tpu.memref_slice %arg2[%dma_start3A_23, %dma_start3A_24] : memref<10000x32xf32, #tpu.memory_space<hbm>> -> memref<10000x32xf32, #tpu.memory_space<hbm>>
    tpu.enqueue_indirect_dma source(%dma_start3A_25 : memref<10000x32xf32, #tpu.memory_space<hbm>>) target(%dma_start3A_20 : memref<392x32xf32, #tpu.memory_space<vmem>>) offsets(%dma_start3A_22 : memref<392xi32, #tpu.memory_space<vmem>>) semaphore(%arg7 : memref<!tpu.dma_semaphore, #tpu.memory_space<semaphore_mem>>)
    %dma_start3A_26 = arith.constant 1176 : i32
    %dma_start3A_27 = arith.constant 0 : i32
    %dma_start3A_28 = tpu.memref_slice %arg6[%dma_start3A_26, %dma_start3A_27] : memref<1568x32xf32, #tpu.memory_space<vmem>> -> memref<392x32xf32, #tpu.memory_space<vmem>>
    %dma_start3A_29 = arith.constant 1176 : i32
    %dma_start3A_30 = tpu.memref_slice %arg5[%dma_start3A_29] : memref<1568xi32, #tpu.memory_space<vmem>> -> memref<392xi32, #tpu.memory_space<vmem>>
    %dma_start3A_31 = arith.constant 0 : i32
    %dma_start3A_32 = arith.constant 0 : i32
    %dma_start3A_33 = tpu.memref_slice %arg2[%dma_start3A_31, %dma_start3A_32] : memref<10000x32xf32, #tpu.memory_space<hbm>> -> memref<10000x32xf32, #tpu.memory_space<hbm>>
    tpu.enqueue_indirect_dma source(%dma_start3A_33 : memref<10000x32xf32, #tpu.memory_space<hbm>>) target(%dma_start3A_28 : memref<392x32xf32, #tpu.memory_space<vmem>>) offsets(%dma_start3A_30 : memref<392xi32, #tpu.memory_space<vmem>>) semaphore(%arg7 : memref<!tpu.dma_semaphore, #tpu.memory_space<semaphore_mem>>)
    %dma_wait3A = arith.constant 0 : i32
    %dma_wait3A_34 = arith.constant 0 : i32
    %dma_wait3A_35 = tpu.memref_slice %arg6[%dma_wait3A, %dma_wait3A_34] : memref<1568x32xf32, #tpu.memory_space<vmem>> -> memref<392x32xf32, #tpu.memory_space<vmem>>
    %dma_wait3A_36 = arith.constant 0 : i32
    %dma_wait3A_37 = tpu.memref_slice %arg5[%dma_wait3A_36] : memref<1568xi32, #tpu.memory_space<vmem>> -> memref<392xi32, #tpu.memory_space<vmem>>
    %dma_wait3A_38 = arith.constant 0 : i32
    %dma_wait3A_39 = arith.constant 0 : i32
    %dma_wait3A_40 = tpu.memref_slice %arg2[%dma_wait3A_38, %dma_wait3A_39] : memref<10000x32xf32, #tpu.memory_space<hbm>> -> memref<10000x32xf32, #tpu.memory_space<hbm>>
    tpu.wait_indirect_dma semaphore(%arg7 : memref<!tpu.dma_semaphore, #tpu.memory_space<semaphore_mem>>) src(%dma_wait3A_40 : memref<10000x32xf32, #tpu.memory_space<hbm>>) dst(%dma_wait3A_35 : memref<392x32xf32, #tpu.memory_space<vmem>>)
    %add3A_41 = arith.constant 0 : i32
    %add3A_42 = arith.addi %mul3A_2, %add3A_41 : i32
    %dma_start3A_43 = arith.constant 0 : i32
    %dma_start3A_44 = arith.constant 0 : i32
    %dma_start3A_45 = tpu.memref_slice %arg6[%dma_start3A_43, %dma_start3A_44] : memref<1568x32xf32, #tpu.memory_space<vmem>> -> memref<392x32xf32, #tpu.memory_space<vmem>>
    %dma_start3A_46 = arith.constant 0 : i32
    %dma_start3A_47 = tpu.memref_slice %arg4[%add3A_42, %dma_start3A_46] : memref<50176x32xf32, #tpu.memory_space<hbm>> -> memref<392x32xf32, #tpu.memory_space<hbm>>
    %dma_start3A_48 = arith.constant 0 : i32
    %dma_start3A_49 = tpu.memref_slice %arg4[%add3A_42, %dma_start3A_48] : memref<50176x32xf32, #tpu.memory_space<hbm>> -> memref<392x32xf32, #tpu.memory_space<hbm>>
    %dma_start3A_50 = arith.constant 0 : i32
    %dma_start3A_51 = arith.constant 0 : i32
    %dma_start3A_52 = tpu.memref_slice %arg6[%dma_start3A_50, %dma_start3A_51] : memref<1568x32xf32, #tpu.memory_space<vmem>> -> memref<392x32xf32, #tpu.memory_space<vmem>>
    tpu.enqueue_dma source(%dma_start3A_52 : memref<392x32xf32, #tpu.memory_space<vmem>>) target(%dma_start3A_49 : memref<392x32xf32, #tpu.memory_space<hbm>>) target_semaphore(%arg8 : memref<!tpu.dma_semaphore, #tpu.memory_space<semaphore_mem>>)
    %dma_wait3A_53 = arith.constant 392 : i32
    %dma_wait3A_54 = arith.constant 0 : i32
    %dma_wait3A_55 = tpu.memref_slice %arg6[%dma_wait3A_53, %dma_wait3A_54] : memref<1568x32xf32, #tpu.memory_space<vmem>> -> memref<392x32xf32, #tpu.memory_space<vmem>>
    %dma_wait3A_56 = arith.constant 392 : i32
    %dma_wait3A_57 = tpu.memref_slice %arg5[%dma_wait3A_56] : memref<1568xi32, #tpu.memory_space<vmem>> -> memref<392xi32, #tpu.memory_space<vmem>>
    %dma_wait3A_58 = arith.constant 0 : i32
    %dma_wait3A_59 = arith.constant 0 : i32
    %dma_wait3A_60 = tpu.memref_slice %arg2[%dma_wait3A_58, %dma_wait3A_59] : memref<10000x32xf32, #tpu.memory_space<hbm>> -> memref<10000x32xf32, #tpu.memory_space<hbm>>
    tpu.wait_indirect_dma semaphore(%arg7 : memref<!tpu.dma_semaphore, #tpu.memory_space<semaphore_mem>>) src(%dma_wait3A_60 : memref<10000x32xf32, #tpu.memory_space<hbm>>) dst(%dma_wait3A_55 : memref<392x32xf32, #tpu.memory_space<vmem>>)
    %add3A_61 = arith.constant 392 : i32
    %add3A_62 = arith.addi %mul3A_2, %add3A_61 : i32
    %dma_start3A_63 = arith.constant 392 : i32
    %dma_start3A_64 = arith.constant 0 : i32
    %dma_start3A_65 = tpu.memref_slice %arg6[%dma_start3A_63, %dma_start3A_64] : memref<1568x32xf32, #tpu.memory_space<vmem>> -> memref<392x32xf32, #tpu.memory_space<vmem>>
    %dma_start3A_66 = arith.constant 0 : i32
    %dma_start3A_67 = tpu.memref_slice %arg4[%add3A_62, %dma_start3A_66] : memref<50176x32xf32, #tpu.memory_space<hbm>> -> memref<392x32xf32, #tpu.memory_space<hbm>>
    %dma_start3A_68 = arith.constant 0 : i32
    %dma_start3A_69 = tpu.memref_slice %arg4[%add3A_62, %dma_start3A_68] : memref<50176x32xf32, #tpu.memory_space<hbm>> -> memref<392x32xf32, #tpu.memory_space<hbm>>
    %dma_start3A_70 = arith.constant 392 : i32
    %dma_start3A_71 = arith.constant 0 : i32
    %dma_start3A_72 = tpu.memref_slice %arg6[%dma_start3A_70, %dma_start3A_71] : memref<1568x32xf32, #tpu.memory_space<vmem>> -> memref<392x32xf32, #tpu.memory_space<vmem>>
    tpu.enqueue_dma source(%dma_start3A_72 : memref<392x32xf32, #tpu.memory_space<vmem>>) target(%dma_start3A_69 : memref<392x32xf32, #tpu.memory_space<hbm>>) target_semaphore(%arg8 : memref<!tpu.dma_semaphore, #tpu.memory_space<semaphore_mem>>)
    %dma_wait3A_73 = arith.constant 784 : i32
    %dma_wait3A_74 = arith.constant 0 : i32
    %dma_wait3A_75 = tpu.memref_slice %arg6[%dma_wait3A_73, %dma_wait3A_74] : memref<1568x32xf32, #tpu.memory_space<vmem>> -> memref<392x32xf32, #tpu.memory_space<vmem>>
    %dma_wait3A_76 = arith.constant 784 : i32
    %dma_wait3A_77 = tpu.memref_slice %arg5[%dma_wait3A_76] : memref<1568xi32, #tpu.memory_space<vmem>> -> memref<392xi32, #tpu.memory_space<vmem>>
    %dma_wait3A_78 = arith.constant 0 : i32
    %dma_wait3A_79 = arith.constant 0 : i32
    %dma_wait3A_80 = tpu.memref_slice %arg2[%dma_wait3A_78, %dma_wait3A_79] : memref<10000x32xf32, #tpu.memory_space<hbm>> -> memref<10000x32xf32, #tpu.memory_space<hbm>>
    tpu.wait_indirect_dma semaphore(%arg7 : memref<!tpu.dma_semaphore, #tpu.memory_space<semaphore_mem>>) src(%dma_wait3A_80 : memref<10000x32xf32, #tpu.memory_space<hbm>>) dst(%dma_wait3A_75 : memref<392x32xf32, #tpu.memory_space<vmem>>)
    %add3A_81 = arith.constant 784 : i32
    %add3A_82 = arith.addi %mul3A_2, %add3A_81 : i32
    %dma_start3A_83 = arith.constant 784 : i32
    %dma_start3A_84 = arith.constant 0 : i32
    %dma_start3A_85 = tpu.memref_slice %arg6[%dma_start3A_83, %dma_start3A_84] : memref<1568x32xf32, #tpu.memory_space<vmem>> -> memref<392x32xf32, #tpu.memory_space<vmem>>
    %dma_start3A_86 = arith.constant 0 : i32
    %dma_start3A_87 = tpu.memref_slice %arg4[%add3A_82, %dma_start3A_86] : memref<50176x32xf32, #tpu.memory_space<hbm>> -> memref<392x32xf32, #tpu.memory_space<hbm>>
    %dma_start3A_88 = arith.constant 0 : i32
    %dma_start3A_89 = tpu.memref_slice %arg4[%add3A_82, %dma_start3A_88] : memref<50176x32xf32, #tpu.memory_space<hbm>> -> memref<392x32xf32, #tpu.memory_space<hbm>>
    %dma_start3A_90 = arith.constant 784 : i32
    %dma_start3A_91 = arith.constant 0 : i32
    %dma_start3A_92 = tpu.memref_slice %arg6[%dma_start3A_90, %dma_start3A_91] : memref<1568x32xf32, #tpu.memory_space<vmem>> -> memref<392x32xf32, #tpu.memory_space<vmem>>
    tpu.enqueue_dma source(%dma_start3A_92 : memref<392x32xf32, #tpu.memory_space<vmem>>) target(%dma_start3A_89 : memref<392x32xf32, #tpu.memory_space<hbm>>) target_semaphore(%arg8 : memref<!tpu.dma_semaphore, #tpu.memory_space<semaphore_mem>>)
    %dma_wait3A_93 = arith.constant 1176 : i32
    %dma_wait3A_94 = arith.constant 0 : i32
    %dma_wait3A_95 = tpu.memref_slice %arg6[%dma_wait3A_93, %dma_wait3A_94] : memref<1568x32xf32, #tpu.memory_space<vmem>> -> memref<392x32xf32, #tpu.memory_space<vmem>>
    %dma_wait3A_96 = arith.constant 1176 : i32
    %dma_wait3A_97 = tpu.memref_slice %arg5[%dma_wait3A_96] : memref<1568xi32, #tpu.memory_space<vmem>> -> memref<392xi32, #tpu.memory_space<vmem>>
    %dma_wait3A_98 = arith.constant 0 : i32
    %dma_wait3A_99 = arith.constant 0 : i32
    %dma_wait3A_100 = tpu.memref_slice %arg2[%dma_wait3A_98, %dma_wait3A_99] : memref<10000x32xf32, #tpu.memory_space<hbm>> -> memref<10000x32xf32, #tpu.memory_space<hbm>>
    tpu.wait_indirect_dma semaphore(%arg7 : memref<!tpu.dma_semaphore, #tpu.memory_space<semaphore_mem>>) src(%dma_wait3A_100 : memref<10000x32xf32, #tpu.memory_space<hbm>>) dst(%dma_wait3A_95 : memref<392x32xf32, #tpu.memory_space<vmem>>)
    %add3A_101 = arith.constant 1176 : i32
    %add3A_102 = arith.addi %mul3A_2, %add3A_101 : i32
    %dma_start3A_103 = arith.constant 1176 : i32
    %dma_start3A_104 = arith.constant 0 : i32
    %dma_start3A_105 = tpu.memref_slice %arg6[%dma_start3A_103, %dma_start3A_104] : memref<1568x32xf32, #tpu.memory_space<vmem>> -> memref<392x32xf32, #tpu.memory_space<vmem>>
    %dma_start3A_106 = arith.constant 0 : i32
    %dma_start3A_107 = tpu.memref_slice %arg4[%add3A_102, %dma_start3A_106] : memref<50176x32xf32, #tpu.memory_space<hbm>> -> memref<392x32xf32, #tpu.memory_space<hbm>>
    %dma_start3A_108 = arith.constant 0 : i32
    %dma_start3A_109 = tpu.memref_slice %arg4[%add3A_102, %dma_start3A_108] : memref<50176x32xf32, #tpu.memory_space<hbm>> -> memref<392x32xf32, #tpu.memory_space<hbm>>
    %dma_start3A_110 = arith.constant 1176 : i32
    %dma_start3A_111 = arith.constant 0 : i32
    %dma_start3A_112 = tpu.memref_slice %arg6[%dma_start3A_110, %dma_start3A_111] : memref<1568x32xf32, #tpu.memory_space<vmem>> -> memref<392x32xf32, #tpu.memory_space<vmem>>
    tpu.enqueue_dma source(%dma_start3A_112 : memref<392x32xf32, #tpu.memory_space<vmem>>) target(%dma_start3A_109 : memref<392x32xf32, #tpu.memory_space<hbm>>) target_semaphore(%arg8 : memref<!tpu.dma_semaphore, #tpu.memory_space<semaphore_mem>>)
    %dma_wait3A_113 = arith.constant 0 : i32
    %dma_wait3A_114 = arith.constant 0 : i32
    %dma_wait3A_115 = tpu.memref_slice %arg6[%dma_wait3A_113, %dma_wait3A_114] : memref<1568x32xf32, #tpu.memory_space<vmem>> -> memref<392x32xf32, #tpu.memory_space<vmem>>
    %dma_wait3A_116 = arith.constant 0 : i32
    %dma_wait3A_117 = tpu.memref_slice %arg4[%add3A_42, %dma_wait3A_116] : memref<50176x32xf32, #tpu.memory_space<hbm>> -> memref<392x32xf32, #tpu.memory_space<hbm>>
    %dma_wait3A_118 = arith.constant 0 : i32
    %dma_wait3A_119 = tpu.memref_slice %arg4[%add3A_42, %dma_wait3A_118] : memref<50176x32xf32, #tpu.memory_space<hbm>> -> memref<392x32xf32, #tpu.memory_space<hbm>>
    %dma_wait3A_120 = arith.constant 0 : i32
    %dma_wait3A_121 = arith.constant 0 : i32
    %dma_wait3A_122 = tpu.memref_slice %arg6[%dma_wait3A_120, %dma_wait3A_121] : memref<1568x32xf32, #tpu.memory_space<vmem>> -> memref<392x32xf32, #tpu.memory_space<vmem>>
    tpu.wait_dma2 semaphore(%arg8 : memref<!tpu.dma_semaphore, #tpu.memory_space<semaphore_mem>>) src(%dma_wait3A_122 : memref<392x32xf32, #tpu.memory_space<vmem>>) dst(%dma_wait3A_119 : memref<392x32xf32, #tpu.memory_space<hbm>>)
    %dma_wait3A_123 = arith.constant 392 : i32
    %dma_wait3A_124 = arith.constant 0 : i32
    %dma_wait3A_125 = tpu.memref_slice %arg6[%dma_wait3A_123, %dma_wait3A_124] : memref<1568x32xf32, #tpu.memory_space<vmem>> -> memref<392x32xf32, #tpu.memory_space<vmem>>
    %dma_wait3A_126 = arith.constant 0 : i32
    %dma_wait3A_127 = tpu.memref_slice %arg4[%add3A_62, %dma_wait3A_126] : memref<50176x32xf32, #tpu.memory_space<hbm>> -> memref<392x32xf32, #tpu.memory_space<hbm>>
    %dma_wait3A_128 = arith.constant 0 : i32
    %dma_wait3A_129 = tpu.memref_slice %arg4[%add3A_62, %dma_wait3A_128] : memref<50176x32xf32, #tpu.memory_space<hbm>> -> memref<392x32xf32, #tpu.memory_space<hbm>>
    %dma_wait3A_130 = arith.constant 392 : i32
    %dma_wait3A_131 = arith.constant 0 : i32
    %dma_wait3A_132 = tpu.memref_slice %arg6[%dma_wait3A_130, %dma_wait3A_131] : memref<1568x32xf32, #tpu.memory_space<vmem>> -> memref<392x32xf32, #tpu.memory_space<vmem>>
    tpu.wait_dma2 semaphore(%arg8 : memref<!tpu.dma_semaphore, #tpu.memory_space<semaphore_mem>>) src(%dma_wait3A_132 : memref<392x32xf32, #tpu.memory_space<vmem>>) dst(%dma_wait3A_129 : memref<392x32xf32, #tpu.memory_space<hbm>>)
    %dma_wait3A_133 = arith.constant 784 : i32
    %dma_wait3A_134 = arith.constant 0 : i32
    %dma_wait3A_135 = tpu.memref_slice %arg6[%dma_wait3A_133, %dma_wait3A_134] : memref<1568x32xf32, #tpu.memory_space<vmem>> -> memref<392x32xf32, #tpu.memory_space<vmem>>
    %dma_wait3A_136 = arith.constant 0 : i32
    %dma_wait3A_137 = tpu.memref_slice %arg4[%add3A_82, %dma_wait3A_136] : memref<50176x32xf32, #tpu.memory_space<hbm>> -> memref<392x32xf32, #tpu.memory_space<hbm>>
    %dma_wait3A_138 = arith.constant 0 : i32
    %dma_wait3A_139 = tpu.memref_slice %arg4[%add3A_82, %dma_wait3A_138] : memref<50176x32xf32, #tpu.memory_space<hbm>> -> memref<392x32xf32, #tpu.memory_space<hbm>>
    %dma_wait3A_140 = arith.constant 784 : i32
    %dma_wait3A_141 = arith.constant 0 : i32
    %dma_wait3A_142 = tpu.memref_slice %arg6[%dma_wait3A_140, %dma_wait3A_141] : memref<1568x32xf32, #tpu.memory_space<vmem>> -> memref<392x32xf32, #tpu.memory_space<vmem>>
    tpu.wait_dma2 semaphore(%arg8 : memref<!tpu.dma_semaphore, #tpu.memory_space<semaphore_mem>>) src(%dma_wait3A_142 : memref<392x32xf32, #tpu.memory_space<vmem>>) dst(%dma_wait3A_139 : memref<392x32xf32, #tpu.memory_space<hbm>>)
    %dma_wait3A_143 = arith.constant 1176 : i32
    %dma_wait3A_144 = arith.constant 0 : i32
    %dma_wait3A_145 = tpu.memref_slice %arg6[%dma_wait3A_143, %dma_wait3A_144] : memref<1568x32xf32, #tpu.memory_space<vmem>> -> memref<392x32xf32, #tpu.memory_space<vmem>>
    %dma_wait3A_146 = arith.constant 0 : i32
    %dma_wait3A_147 = tpu.memref_slice %arg4[%add3A_102, %dma_wait3A_146] : memref<50176x32xf32, #tpu.memory_space<hbm>> -> memref<392x32xf32, #tpu.memory_space<hbm>>
    %dma_wait3A_148 = arith.constant 0 : i32
    %dma_wait3A_149 = tpu.memref_slice %arg4[%add3A_102, %dma_wait3A_148] : memref<50176x32xf32, #tpu.memory_space<hbm>> -> memref<392x32xf32, #tpu.memory_space<hbm>>
    %dma_wait3A_150 = arith.constant 1176 : i32
    %dma_wait3A_151 = arith.constant 0 : i32
    %dma_wait3A_152 = tpu.memref_slice %arg6[%dma_wait3A_150, %dma_wait3A_151] : memref<1568x32xf32, #tpu.memory_space<vmem>> -> memref<392x32xf32, #tpu.memory_space<vmem>>
    tpu.wait_dma2 semaphore(%arg8 : memref<!tpu.dma_semaphore, #tpu.memory_space<semaphore_mem>>) src(%dma_wait3A_152 : memref<392x32xf32, #tpu.memory_space<vmem>>) dst(%dma_wait3A_149 : memref<392x32xf32, #tpu.memory_space<hbm>>)
    return
  }
}

#map = affine_map<(d0, d1) -> (0, 0, 0)>
#map1 = affine_map<(d0, d1) -> (0, 0)>
module attributes {stable_mosaic.version = 14 : i64} {
  func.func @scatter_k(%arg0: i32, %arg1: i32, %arg2: memref<448x112x64xf32, #tpu.memory_space<hbm>>, %arg3: memref<16x28x112xi32, #tpu.memory_space<hbm>>, %arg4: memref<640x64xf32, #tpu.memory_space<hbm>>, %arg5: memref<640x16xf32, #tpu.memory_space<hbm>>, %arg6: memref<112x16xf32, #tpu.memory_space<hbm>>, %arg7: memref<10240x64xf32, #tpu.memory_space<hbm>>, %arg8: memref<10240x16xf32, #tpu.memory_space<hbm>>, %arg9: memref<28x112xi32, #tpu.memory_space<vmem>>, %arg10: memref<7x112x64xf32, #tpu.memory_space<vmem>>, %arg11: memref<10240x64xf32, #tpu.memory_space<vmem_shared>>, %arg12: memref<112x16xf32, #tpu.memory_space<vmem>>, %arg13: memref<10240x16xf32, #tpu.memory_space<vmem_shared>>) attributes {dimension_semantics = [#tpu.dimension_semantics<core_parallel>, #tpu.dimension_semantics<subcore_parallel>], iteration_bounds = array<i64: 1, 16>, scalar_prefetch = 0 : i64, scratch_operands = 5 : i64, tpu.core_type = #tpu.core_type<sc_vector_subcore>, window_params = [{transform_indices = #map}, {transform_indices = #map}, {transform_indices = #map1}, {transform_indices = #map1}, {transform_indices = #map1}, {transform_indices = #map1}, {transform_indices = #map1}]} {
    %mul3A = arith.constant 640 : i32
    %mul3A_0 = arith.muli %arg1, %mul3A : i32
    "tpu.region"() ({
      %run_scoped3A = tpu.sem_alloc : memref<!tpu.dma_semaphore, #tpu.memory_space<semaphore_mem>>
      %dma_start3A = arith.constant 0 : i32
      %dma_start3A_46 = tpu.memref_slice %arg11[%mul3A_0, %dma_start3A] : memref<10240x64xf32, #tpu.memory_space<vmem_shared>> -> memref<640x64xf32, #tpu.memory_space<vmem_shared>>
      tpu.enqueue_dma source(%arg4 : memref<640x64xf32, #tpu.memory_space<hbm>>) target(%dma_start3A_46 : memref<640x64xf32, #tpu.memory_space<vmem_shared>>) target_semaphore(%run_scoped3A : memref<!tpu.dma_semaphore, #tpu.memory_space<semaphore_mem>>)
      %dma_wait3A = arith.constant 0 : i32
      %dma_wait3A_47 = tpu.memref_slice %arg11[%mul3A_0, %dma_wait3A] : memref<10240x64xf32, #tpu.memory_space<vmem_shared>> -> memref<640x64xf32, #tpu.memory_space<vmem_shared>>
      tpu.wait_dma2 semaphore(%run_scoped3A : memref<!tpu.dma_semaphore, #tpu.memory_space<semaphore_mem>>) src(%arg4 : memref<640x64xf32, #tpu.memory_space<hbm>>) dst(%dma_wait3A_47 : memref<640x64xf32, #tpu.memory_space<vmem_shared>>)
      tpu.yield
    }) : () -> ()
    %mul3A_1 = arith.constant 640 : i32
    %mul3A_2 = arith.muli %arg1, %mul3A_1 : i32
    "tpu.region"() ({
      %run_scoped3A = tpu.sem_alloc : memref<!tpu.dma_semaphore, #tpu.memory_space<semaphore_mem>>
      %dma_start3A = arith.constant 0 : i32
      %dma_start3A_46 = tpu.memref_slice %arg13[%mul3A_2, %dma_start3A] : memref<10240x16xf32, #tpu.memory_space<vmem_shared>> -> memref<640x16xf32, #tpu.memory_space<vmem_shared>>
      tpu.enqueue_dma source(%arg5 : memref<640x16xf32, #tpu.memory_space<hbm>>) target(%dma_start3A_46 : memref<640x16xf32, #tpu.memory_space<vmem_shared>>) target_semaphore(%run_scoped3A : memref<!tpu.dma_semaphore, #tpu.memory_space<semaphore_mem>>)
      %dma_wait3A = arith.constant 0 : i32
      %dma_wait3A_47 = tpu.memref_slice %arg13[%mul3A_2, %dma_wait3A] : memref<10240x16xf32, #tpu.memory_space<vmem_shared>> -> memref<640x16xf32, #tpu.memory_space<vmem_shared>>
      tpu.wait_dma2 semaphore(%run_scoped3A : memref<!tpu.dma_semaphore, #tpu.memory_space<semaphore_mem>>) src(%arg5 : memref<640x16xf32, #tpu.memory_space<hbm>>) dst(%dma_wait3A_47 : memref<640x16xf32, #tpu.memory_space<vmem_shared>>)
      tpu.yield
    }) : () -> ()
    "tpu.region"() ({
      %run_scoped3A = tpu.sem_alloc : memref<!tpu.dma_semaphore, #tpu.memory_space<semaphore_mem>>
      tpu.enqueue_dma source(%arg6 : memref<112x16xf32, #tpu.memory_space<hbm>>) target(%arg12 : memref<112x16xf32, #tpu.memory_space<vmem>>) target_semaphore(%run_scoped3A : memref<!tpu.dma_semaphore, #tpu.memory_space<semaphore_mem>>)
      tpu.wait_dma2 semaphore(%run_scoped3A : memref<!tpu.dma_semaphore, #tpu.memory_space<semaphore_mem>>) src(%arg6 : memref<112x16xf32, #tpu.memory_space<hbm>>) dst(%arg12 : memref<112x16xf32, #tpu.memory_space<vmem>>)
      tpu.yield
    }) : () -> ()
    "tpu.region"() ({
      %run_scoped3A = tpu.sem_alloc : memref<!tpu.dma_semaphore, #tpu.memory_space<semaphore_mem>>
      %dma_start3A = arith.constant 0 : i32
      %dma_start3A_46 = arith.constant 0 : i32
      %dma_start3A_47 = tpu.memref_slice %arg3[%arg1, %dma_start3A, %dma_start3A_46] : memref<16x28x112xi32, #tpu.memory_space<hbm>> -> memref<1x28x112xi32, #tpu.memory_space<hbm>>
      %dma_start3A_48 = tpu.memref_squeeze %dma_start3A_47 : memref<1x28x112xi32, #tpu.memory_space<hbm>> -> memref<28x112xi32, #tpu.memory_space<hbm>>
      %dma_start3A_49 = arith.constant 0 : i32
      %dma_start3A_50 = arith.constant 0 : i32
      %dma_start3A_51 = tpu.memref_slice %arg3[%arg1, %dma_start3A_49, %dma_start3A_50] : memref<16x28x112xi32, #tpu.memory_space<hbm>> -> memref<1x28x112xi32, #tpu.memory_space<hbm>>
      %dma_start3A_52 = tpu.memref_squeeze %dma_start3A_51 : memref<1x28x112xi32, #tpu.memory_space<hbm>> -> memref<28x112xi32, #tpu.memory_space<hbm>>
      tpu.enqueue_dma source(%dma_start3A_52 : memref<28x112xi32, #tpu.memory_space<hbm>>) target(%arg9 : memref<28x112xi32, #tpu.memory_space<vmem>>) target_semaphore(%run_scoped3A : memref<!tpu.dma_semaphore, #tpu.memory_space<semaphore_mem>>)
      %dma_wait3A = arith.constant 0 : i32
      %dma_wait3A_53 = arith.constant 0 : i32
      %dma_wait3A_54 = tpu.memref_slice %arg3[%arg1, %dma_wait3A, %dma_wait3A_53] : memref<16x28x112xi32, #tpu.memory_space<hbm>> -> memref<1x28x112xi32, #tpu.memory_space<hbm>>
      %dma_wait3A_55 = tpu.memref_squeeze %dma_wait3A_54 : memref<1x28x112xi32, #tpu.memory_space<hbm>> -> memref<28x112xi32, #tpu.memory_space<hbm>>
      %dma_wait3A_56 = arith.constant 0 : i32
      %dma_wait3A_57 = arith.constant 0 : i32
      %dma_wait3A_58 = tpu.memref_slice %arg3[%arg1, %dma_wait3A_56, %dma_wait3A_57] : memref<16x28x112xi32, #tpu.memory_space<hbm>> -> memref<1x28x112xi32, #tpu.memory_space<hbm>>
      %dma_wait3A_59 = tpu.memref_squeeze %dma_wait3A_58 : memref<1x28x112xi32, #tpu.memory_space<hbm>> -> memref<28x112xi32, #tpu.memory_space<hbm>>
      tpu.wait_dma2 semaphore(%run_scoped3A : memref<!tpu.dma_semaphore, #tpu.memory_space<semaphore_mem>>) src(%dma_wait3A_59 : memref<28x112xi32, #tpu.memory_space<hbm>>) dst(%arg9 : memref<28x112xi32, #tpu.memory_space<vmem>>)
      tpu.yield
    }) : () -> ()
    %barrier3A = arith.constant 0 : index
    tpu.barrier barrier_id(%barrier3A)
    %mul3A_3 = arith.constant 28 : i32
    %mul3A_4 = arith.muli %arg1, %mul3A_3 : i32
    %add3A = arith.constant 0 : i32
    %add3A_5 = arith.addi %mul3A_4, %add3A : i32
    "tpu.region"() ({
      %run_scoped3A = tpu.sem_alloc : memref<!tpu.dma_semaphore, #tpu.memory_space<semaphore_mem>>
      %dma_start3A = arith.constant 0 : i32
      %dma_start3A_46 = arith.constant 0 : i32
      %dma_start3A_47 = tpu.memref_slice %arg2[%add3A_5, %dma_start3A, %dma_start3A_46] : memref<448x112x64xf32, #tpu.memory_space<hbm>> -> memref<7x112x64xf32, #tpu.memory_space<hbm>>
      %dma_start3A_48 = arith.constant 0 : i32
      %dma_start3A_49 = arith.constant 0 : i32
      %dma_start3A_50 = tpu.memref_slice %arg2[%add3A_5, %dma_start3A_48, %dma_start3A_49] : memref<448x112x64xf32, #tpu.memory_space<hbm>> -> memref<7x112x64xf32, #tpu.memory_space<hbm>>
      tpu.enqueue_dma source(%dma_start3A_50 : memref<7x112x64xf32, #tpu.memory_space<hbm>>) target(%arg10 : memref<7x112x64xf32, #tpu.memory_space<vmem>>) target_semaphore(%run_scoped3A : memref<!tpu.dma_semaphore, #tpu.memory_space<semaphore_mem>>)
      %dma_wait3A = arith.constant 0 : i32
      %dma_wait3A_51 = arith.constant 0 : i32
      %dma_wait3A_52 = tpu.memref_slice %arg2[%add3A_5, %dma_wait3A, %dma_wait3A_51] : memref<448x112x64xf32, #tpu.memory_space<hbm>> -> memref<7x112x64xf32, #tpu.memory_space<hbm>>
      %dma_wait3A_53 = arith.constant 0 : i32
      %dma_wait3A_54 = arith.constant 0 : i32
      %dma_wait3A_55 = tpu.memref_slice %arg2[%add3A_5, %dma_wait3A_53, %dma_wait3A_54] : memref<448x112x64xf32, #tpu.memory_space<hbm>> -> memref<7x112x64xf32, #tpu.memory_space<hbm>>
      tpu.wait_dma2 semaphore(%run_scoped3A : memref<!tpu.dma_semaphore, #tpu.memory_space<semaphore_mem>>) src(%dma_wait3A_55 : memref<7x112x64xf32, #tpu.memory_space<hbm>>) dst(%arg10 : memref<7x112x64xf32, #tpu.memory_space<vmem>>)
      tpu.yield
    }) : () -> ()
    %scan3A = arith.constant 0 : i32
    %scan3A_6 = arith.constant 7 : i32
    %scan3A_7 = arith.addi %scan3A, %scan3A_6 : i32
    %scan3A_8 = arith.constant 1 : i32
    scf.for %scan3A_46 = %scan3A to %scan3A_7 step %scan3A_8  : i32 {
      %mul3A_47 = arith.constant 1 : i32
      %mul3A_48 = arith.muli %scan3A_46, %mul3A_47 : i32
      %add3A_49 = arith.constant 0 : i32
      %add3A_50 = arith.addi %add3A_49, %mul3A_48 : i32
      %add3A_51 = arith.constant 0 : i32
      %add3A_52 = arith.addi %add3A_51, %add3A_50 : i32
      "tpu.region"() ({
        %run_scoped3A = tpu.sem_alloc : memref<!tpu.dma_semaphore, #tpu.memory_space<semaphore_mem>>
        %dma_start3A = arith.constant 0 : i32
        %dma_start3A_55 = arith.constant 0 : i32
        %dma_start3A_56 = tpu.memref_slice %arg10[%add3A_50, %dma_start3A, %dma_start3A_55] : memref<7x112x64xf32, #tpu.memory_space<vmem>> -> memref<1x112x64xf32, #tpu.memory_space<vmem>>
        %dma_start3A_57 = tpu.memref_squeeze %dma_start3A_56 : memref<1x112x64xf32, #tpu.memory_space<vmem>> -> memref<112x64xf32, #tpu.memory_space<vmem>>
        %dma_start3A_58 = arith.constant 0 : i32
        %dma_start3A_59 = tpu.memref_slice %arg9[%add3A_52, %dma_start3A_58] : memref<28x112xi32, #tpu.memory_space<vmem>> -> memref<1x112xi32, #tpu.memory_space<vmem>>
        %dma_start3A_60 = tpu.memref_squeeze %dma_start3A_59 : memref<1x112xi32, #tpu.memory_space<vmem>> -> memref<112xi32, #tpu.memory_space<vmem>>
        %dma_start3A_61 = arith.constant 0 : i32
        %dma_start3A_62 = arith.constant 0 : i32
        %dma_start3A_63 = tpu.memref_slice %arg11[%dma_start3A_61, %dma_start3A_62] : memref<10240x64xf32, #tpu.memory_space<vmem_shared>> -> memref<10240x64xf32, #tpu.memory_space<vmem_shared>>
        tpu.enqueue_indirect_dma source(%dma_start3A_57 : memref<112x64xf32, #tpu.memory_space<vmem>>) target(%dma_start3A_63 : memref<10240x64xf32, #tpu.memory_space<vmem_shared>>) offsets(%dma_start3A_60 : memref<112xi32, #tpu.memory_space<vmem>>) semaphore(%run_scoped3A : memref<!tpu.dma_semaphore, #tpu.memory_space<semaphore_mem>>) {add = true}
        %dma_wait3A = arith.constant 0 : i32
        %dma_wait3A_64 = arith.constant 0 : i32
        %dma_wait3A_65 = tpu.memref_slice %arg10[%add3A_50, %dma_wait3A, %dma_wait3A_64] : memref<7x112x64xf32, #tpu.memory_space<vmem>> -> memref<1x112x64xf32, #tpu.memory_space<vmem>>
        %dma_wait3A_66 = tpu.memref_squeeze %dma_wait3A_65 : memref<1x112x64xf32, #tpu.memory_space<vmem>> -> memref<112x64xf32, #tpu.memory_space<vmem>>
        %dma_wait3A_67 = arith.constant 0 : i32
        %dma_wait3A_68 = tpu.memref_slice %arg9[%add3A_52, %dma_wait3A_67] : memref<28x112xi32, #tpu.memory_space<vmem>> -> memref<1x112xi32, #tpu.memory_space<vmem>>
        %dma_wait3A_69 = tpu.memref_squeeze %dma_wait3A_68 : memref<1x112xi32, #tpu.memory_space<vmem>> -> memref<112xi32, #tpu.memory_space<vmem>>
        %dma_wait3A_70 = arith.constant 0 : i32
        %dma_wait3A_71 = arith.constant 0 : i32
        %dma_wait3A_72 = tpu.memref_slice %arg11[%dma_wait3A_70, %dma_wait3A_71] : memref<10240x64xf32, #tpu.memory_space<vmem_shared>> -> memref<10240x64xf32, #tpu.memory_space<vmem_shared>>
        tpu.wait_indirect_dma semaphore(%run_scoped3A : memref<!tpu.dma_semaphore, #tpu.memory_space<semaphore_mem>>) src(%dma_wait3A_66 : memref<112x64xf32, #tpu.memory_space<vmem>>) dst(%dma_wait3A_72 : memref<10240x64xf32, #tpu.memory_space<vmem_shared>>)
        tpu.yield
      }) : () -> ()
      %add3A_53 = arith.constant 0 : i32
      %add3A_54 = arith.addi %add3A_53, %add3A_50 : i32
      "tpu.region"() ({
        %run_scoped3A = tpu.sem_alloc : memref<!tpu.dma_semaphore, #tpu.memory_space<semaphore_mem>>
        %dma_start3A = arith.constant 0 : i32
        %dma_start3A_55 = tpu.memref_slice %arg9[%add3A_54, %dma_start3A] : memref<28x112xi32, #tpu.memory_space<vmem>> -> memref<1x112xi32, #tpu.memory_space<vmem>>
        %dma_start3A_56 = tpu.memref_squeeze %dma_start3A_55 : memref<1x112xi32, #tpu.memory_space<vmem>> -> memref<112xi32, #tpu.memory_space<vmem>>
        %dma_start3A_57 = arith.constant 0 : i32
        %dma_start3A_58 = arith.constant 0 : i32
        %dma_start3A_59 = tpu.memref_slice %arg13[%dma_start3A_57, %dma_start3A_58] : memref<10240x16xf32, #tpu.memory_space<vmem_shared>> -> memref<10240x16xf32, #tpu.memory_space<vmem_shared>>
        tpu.enqueue_indirect_dma source(%arg12 : memref<112x16xf32, #tpu.memory_space<vmem>>) target(%dma_start3A_59 : memref<10240x16xf32, #tpu.memory_space<vmem_shared>>) offsets(%dma_start3A_56 : memref<112xi32, #tpu.memory_space<vmem>>) semaphore(%run_scoped3A : memref<!tpu.dma_semaphore, #tpu.memory_space<semaphore_mem>>) {add = true}
        %dma_wait3A = arith.constant 0 : i32
        %dma_wait3A_60 = tpu.memref_slice %arg9[%add3A_54, %dma_wait3A] : memref<28x112xi32, #tpu.memory_space<vmem>> -> memref<1x112xi32, #tpu.memory_space<vmem>>
        %dma_wait3A_61 = tpu.memref_squeeze %dma_wait3A_60 : memref<1x112xi32, #tpu.memory_space<vmem>> -> memref<112xi32, #tpu.memory_space<vmem>>
        %dma_wait3A_62 = arith.constant 0 : i32
        %dma_wait3A_63 = arith.constant 0 : i32
        %dma_wait3A_64 = tpu.memref_slice %arg13[%dma_wait3A_62, %dma_wait3A_63] : memref<10240x16xf32, #tpu.memory_space<vmem_shared>> -> memref<10240x16xf32, #tpu.memory_space<vmem_shared>>
        tpu.wait_indirect_dma semaphore(%run_scoped3A : memref<!tpu.dma_semaphore, #tpu.memory_space<semaphore_mem>>) src(%arg12 : memref<112x16xf32, #tpu.memory_space<vmem>>) dst(%dma_wait3A_64 : memref<10240x16xf32, #tpu.memory_space<vmem_shared>>)
        tpu.yield
      }) : () -> ()
    }
    %scan3A_9 = arith.constant 7 : i32
    %mul3A_10 = arith.constant 28 : i32
    %mul3A_11 = arith.muli %arg1, %mul3A_10 : i32
    %add3A_12 = arith.constant 7 : i32
    %add3A_13 = arith.addi %mul3A_11, %add3A_12 : i32
    "tpu.region"() ({
      %run_scoped3A = tpu.sem_alloc : memref<!tpu.dma_semaphore, #tpu.memory_space<semaphore_mem>>
      %dma_start3A = arith.constant 0 : i32
      %dma_start3A_46 = arith.constant 0 : i32
      %dma_start3A_47 = tpu.memref_slice %arg2[%add3A_13, %dma_start3A, %dma_start3A_46] : memref<448x112x64xf32, #tpu.memory_space<hbm>> -> memref<7x112x64xf32, #tpu.memory_space<hbm>>
      %dma_start3A_48 = arith.constant 0 : i32
      %dma_start3A_49 = arith.constant 0 : i32
      %dma_start3A_50 = tpu.memref_slice %arg2[%add3A_13, %dma_start3A_48, %dma_start3A_49] : memref<448x112x64xf32, #tpu.memory_space<hbm>> -> memref<7x112x64xf32, #tpu.memory_space<hbm>>
      tpu.enqueue_dma source(%dma_start3A_50 : memref<7x112x64xf32, #tpu.memory_space<hbm>>) target(%arg10 : memref<7x112x64xf32, #tpu.memory_space<vmem>>) target_semaphore(%run_scoped3A : memref<!tpu.dma_semaphore, #tpu.memory_space<semaphore_mem>>)
      %dma_wait3A = arith.constant 0 : i32
      %dma_wait3A_51 = arith.constant 0 : i32
      %dma_wait3A_52 = tpu.memref_slice %arg2[%add3A_13, %dma_wait3A, %dma_wait3A_51] : memref<448x112x64xf32, #tpu.memory_space<hbm>> -> memref<7x112x64xf32, #tpu.memory_space<hbm>>
      %dma_wait3A_53 = arith.constant 0 : i32
      %dma_wait3A_54 = arith.constant 0 : i32
      %dma_wait3A_55 = tpu.memref_slice %arg2[%add3A_13, %dma_wait3A_53, %dma_wait3A_54] : memref<448x112x64xf32, #tpu.memory_space<hbm>> -> memref<7x112x64xf32, #tpu.memory_space<hbm>>
      tpu.wait_dma2 semaphore(%run_scoped3A : memref<!tpu.dma_semaphore, #tpu.memory_space<semaphore_mem>>) src(%dma_wait3A_55 : memref<7x112x64xf32, #tpu.memory_space<hbm>>) dst(%arg10 : memref<7x112x64xf32, #tpu.memory_space<vmem>>)
      tpu.yield
    }) : () -> ()
    %scan3A_14 = arith.constant 0 : i32
    %scan3A_15 = arith.constant 7 : i32
    %scan3A_16 = arith.addi %scan3A_14, %scan3A_15 : i32
    %scan3A_17 = arith.constant 1 : i32
    scf.for %scan3A_46 = %scan3A_14 to %scan3A_16 step %scan3A_17  : i32 {
      %mul3A_47 = arith.constant 1 : i32
      %mul3A_48 = arith.muli %scan3A_46, %mul3A_47 : i32
      %add3A_49 = arith.constant 0 : i32
      %add3A_50 = arith.addi %add3A_49, %mul3A_48 : i32
      %add3A_51 = arith.constant 7 : i32
      %add3A_52 = arith.addi %add3A_51, %add3A_50 : i32
      "tpu.region"() ({
        %run_scoped3A = tpu.sem_alloc : memref<!tpu.dma_semaphore, #tpu.memory_space<semaphore_mem>>
        %dma_start3A = arith.constant 0 : i32
        %dma_start3A_55 = arith.constant 0 : i32
        %dma_start3A_56 = tpu.memref_slice %arg10[%add3A_50, %dma_start3A, %dma_start3A_55] : memref<7x112x64xf32, #tpu.memory_space<vmem>> -> memref<1x112x64xf32, #tpu.memory_space<vmem>>
        %dma_start3A_57 = tpu.memref_squeeze %dma_start3A_56 : memref<1x112x64xf32, #tpu.memory_space<vmem>> -> memref<112x64xf32, #tpu.memory_space<vmem>>
        %dma_start3A_58 = arith.constant 0 : i32
        %dma_start3A_59 = tpu.memref_slice %arg9[%add3A_52, %dma_start3A_58] : memref<28x112xi32, #tpu.memory_space<vmem>> -> memref<1x112xi32, #tpu.memory_space<vmem>>
        %dma_start3A_60 = tpu.memref_squeeze %dma_start3A_59 : memref<1x112xi32, #tpu.memory_space<vmem>> -> memref<112xi32, #tpu.memory_space<vmem>>
        %dma_start3A_61 = arith.constant 0 : i32
        %dma_start3A_62 = arith.constant 0 : i32
        %dma_start3A_63 = tpu.memref_slice %arg11[%dma_start3A_61, %dma_start3A_62] : memref<10240x64xf32, #tpu.memory_space<vmem_shared>> -> memref<10240x64xf32, #tpu.memory_space<vmem_shared>>
        tpu.enqueue_indirect_dma source(%dma_start3A_57 : memref<112x64xf32, #tpu.memory_space<vmem>>) target(%dma_start3A_63 : memref<10240x64xf32, #tpu.memory_space<vmem_shared>>) offsets(%dma_start3A_60 : memref<112xi32, #tpu.memory_space<vmem>>) semaphore(%run_scoped3A : memref<!tpu.dma_semaphore, #tpu.memory_space<semaphore_mem>>) {add = true}
        %dma_wait3A = arith.constant 0 : i32
        %dma_wait3A_64 = arith.constant 0 : i32
        %dma_wait3A_65 = tpu.memref_slice %arg10[%add3A_50, %dma_wait3A, %dma_wait3A_64] : memref<7x112x64xf32, #tpu.memory_space<vmem>> -> memref<1x112x64xf32, #tpu.memory_space<vmem>>
        %dma_wait3A_66 = tpu.memref_squeeze %dma_wait3A_65 : memref<1x112x64xf32, #tpu.memory_space<vmem>> -> memref<112x64xf32, #tpu.memory_space<vmem>>
        %dma_wait3A_67 = arith.constant 0 : i32
        %dma_wait3A_68 = tpu.memref_slice %arg9[%add3A_52, %dma_wait3A_67] : memref<28x112xi32, #tpu.memory_space<vmem>> -> memref<1x112xi32, #tpu.memory_space<vmem>>
        %dma_wait3A_69 = tpu.memref_squeeze %dma_wait3A_68 : memref<1x112xi32, #tpu.memory_space<vmem>> -> memref<112xi32, #tpu.memory_space<vmem>>
        %dma_wait3A_70 = arith.constant 0 : i32
        %dma_wait3A_71 = arith.constant 0 : i32
        %dma_wait3A_72 = tpu.memref_slice %arg11[%dma_wait3A_70, %dma_wait3A_71] : memref<10240x64xf32, #tpu.memory_space<vmem_shared>> -> memref<10240x64xf32, #tpu.memory_space<vmem_shared>>
        tpu.wait_indirect_dma semaphore(%run_scoped3A : memref<!tpu.dma_semaphore, #tpu.memory_space<semaphore_mem>>) src(%dma_wait3A_66 : memref<112x64xf32, #tpu.memory_space<vmem>>) dst(%dma_wait3A_72 : memref<10240x64xf32, #tpu.memory_space<vmem_shared>>)
        tpu.yield
      }) : () -> ()
      %add3A_53 = arith.constant 7 : i32
      %add3A_54 = arith.addi %add3A_53, %add3A_50 : i32
      "tpu.region"() ({
        %run_scoped3A = tpu.sem_alloc : memref<!tpu.dma_semaphore, #tpu.memory_space<semaphore_mem>>
        %dma_start3A = arith.constant 0 : i32
        %dma_start3A_55 = tpu.memref_slice %arg9[%add3A_54, %dma_start3A] : memref<28x112xi32, #tpu.memory_space<vmem>> -> memref<1x112xi32, #tpu.memory_space<vmem>>
        %dma_start3A_56 = tpu.memref_squeeze %dma_start3A_55 : memref<1x112xi32, #tpu.memory_space<vmem>> -> memref<112xi32, #tpu.memory_space<vmem>>
        %dma_start3A_57 = arith.constant 0 : i32
        %dma_start3A_58 = arith.constant 0 : i32
        %dma_start3A_59 = tpu.memref_slice %arg13[%dma_start3A_57, %dma_start3A_58] : memref<10240x16xf32, #tpu.memory_space<vmem_shared>> -> memref<10240x16xf32, #tpu.memory_space<vmem_shared>>
        tpu.enqueue_indirect_dma source(%arg12 : memref<112x16xf32, #tpu.memory_space<vmem>>) target(%dma_start3A_59 : memref<10240x16xf32, #tpu.memory_space<vmem_shared>>) offsets(%dma_start3A_56 : memref<112xi32, #tpu.memory_space<vmem>>) semaphore(%run_scoped3A : memref<!tpu.dma_semaphore, #tpu.memory_space<semaphore_mem>>) {add = true}
        %dma_wait3A = arith.constant 0 : i32
        %dma_wait3A_60 = tpu.memref_slice %arg9[%add3A_54, %dma_wait3A] : memref<28x112xi32, #tpu.memory_space<vmem>> -> memref<1x112xi32, #tpu.memory_space<vmem>>
        %dma_wait3A_61 = tpu.memref_squeeze %dma_wait3A_60 : memref<1x112xi32, #tpu.memory_space<vmem>> -> memref<112xi32, #tpu.memory_space<vmem>>
        %dma_wait3A_62 = arith.constant 0 : i32
        %dma_wait3A_63 = arith.constant 0 : i32
        %dma_wait3A_64 = tpu.memref_slice %arg13[%dma_wait3A_62, %dma_wait3A_63] : memref<10240x16xf32, #tpu.memory_space<vmem_shared>> -> memref<10240x16xf32, #tpu.memory_space<vmem_shared>>
        tpu.wait_indirect_dma semaphore(%run_scoped3A : memref<!tpu.dma_semaphore, #tpu.memory_space<semaphore_mem>>) src(%arg12 : memref<112x16xf32, #tpu.memory_space<vmem>>) dst(%dma_wait3A_64 : memref<10240x16xf32, #tpu.memory_space<vmem_shared>>)
        tpu.yield
      }) : () -> ()
    }
    %scan3A_18 = arith.constant 7 : i32
    %mul3A_19 = arith.constant 28 : i32
    %mul3A_20 = arith.muli %arg1, %mul3A_19 : i32
    %add3A_21 = arith.constant 14 : i32
    %add3A_22 = arith.addi %mul3A_20, %add3A_21 : i32
    "tpu.region"() ({
      %run_scoped3A = tpu.sem_alloc : memref<!tpu.dma_semaphore, #tpu.memory_space<semaphore_mem>>
      %dma_start3A = arith.constant 0 : i32
      %dma_start3A_46 = arith.constant 0 : i32
      %dma_start3A_47 = tpu.memref_slice %arg2[%add3A_22, %dma_start3A, %dma_start3A_46] : memref<448x112x64xf32, #tpu.memory_space<hbm>> -> memref<7x112x64xf32, #tpu.memory_space<hbm>>
      %dma_start3A_48 = arith.constant 0 : i32
      %dma_start3A_49 = arith.constant 0 : i32
      %dma_start3A_50 = tpu.memref_slice %arg2[%add3A_22, %dma_start3A_48, %dma_start3A_49] : memref<448x112x64xf32, #tpu.memory_space<hbm>> -> memref<7x112x64xf32, #tpu.memory_space<hbm>>
      tpu.enqueue_dma source(%dma_start3A_50 : memref<7x112x64xf32, #tpu.memory_space<hbm>>) target(%arg10 : memref<7x112x64xf32, #tpu.memory_space<vmem>>) target_semaphore(%run_scoped3A : memref<!tpu.dma_semaphore, #tpu.memory_space<semaphore_mem>>)
      %dma_wait3A = arith.constant 0 : i32
      %dma_wait3A_51 = arith.constant 0 : i32
      %dma_wait3A_52 = tpu.memref_slice %arg2[%add3A_22, %dma_wait3A, %dma_wait3A_51] : memref<448x112x64xf32, #tpu.memory_space<hbm>> -> memref<7x112x64xf32, #tpu.memory_space<hbm>>
      %dma_wait3A_53 = arith.constant 0 : i32
      %dma_wait3A_54 = arith.constant 0 : i32
      %dma_wait3A_55 = tpu.memref_slice %arg2[%add3A_22, %dma_wait3A_53, %dma_wait3A_54] : memref<448x112x64xf32, #tpu.memory_space<hbm>> -> memref<7x112x64xf32, #tpu.memory_space<hbm>>
      tpu.wait_dma2 semaphore(%run_scoped3A : memref<!tpu.dma_semaphore, #tpu.memory_space<semaphore_mem>>) src(%dma_wait3A_55 : memref<7x112x64xf32, #tpu.memory_space<hbm>>) dst(%arg10 : memref<7x112x64xf32, #tpu.memory_space<vmem>>)
      tpu.yield
    }) : () -> ()
    %scan3A_23 = arith.constant 0 : i32
    %scan3A_24 = arith.constant 7 : i32
    %scan3A_25 = arith.addi %scan3A_23, %scan3A_24 : i32
    %scan3A_26 = arith.constant 1 : i32
    scf.for %scan3A_46 = %scan3A_23 to %scan3A_25 step %scan3A_26  : i32 {
      %mul3A_47 = arith.constant 1 : i32
      %mul3A_48 = arith.muli %scan3A_46, %mul3A_47 : i32
      %add3A_49 = arith.constant 0 : i32
      %add3A_50 = arith.addi %add3A_49, %mul3A_48 : i32
      %add3A_51 = arith.constant 14 : i32
      %add3A_52 = arith.addi %add3A_51, %add3A_50 : i32
      "tpu.region"() ({
        %run_scoped3A = tpu.sem_alloc : memref<!tpu.dma_semaphore, #tpu.memory_space<semaphore_mem>>
        %dma_start3A = arith.constant 0 : i32
        %dma_start3A_55 = arith.constant 0 : i32
        %dma_start3A_56 = tpu.memref_slice %arg10[%add3A_50, %dma_start3A, %dma_start3A_55] : memref<7x112x64xf32, #tpu.memory_space<vmem>> -> memref<1x112x64xf32, #tpu.memory_space<vmem>>
        %dma_start3A_57 = tpu.memref_squeeze %dma_start3A_56 : memref<1x112x64xf32, #tpu.memory_space<vmem>> -> memref<112x64xf32, #tpu.memory_space<vmem>>
        %dma_start3A_58 = arith.constant 0 : i32
        %dma_start3A_59 = tpu.memref_slice %arg9[%add3A_52, %dma_start3A_58] : memref<28x112xi32, #tpu.memory_space<vmem>> -> memref<1x112xi32, #tpu.memory_space<vmem>>
        %dma_start3A_60 = tpu.memref_squeeze %dma_start3A_59 : memref<1x112xi32, #tpu.memory_space<vmem>> -> memref<112xi32, #tpu.memory_space<vmem>>
        %dma_start3A_61 = arith.constant 0 : i32
        %dma_start3A_62 = arith.constant 0 : i32
        %dma_start3A_63 = tpu.memref_slice %arg11[%dma_start3A_61, %dma_start3A_62] : memref<10240x64xf32, #tpu.memory_space<vmem_shared>> -> memref<10240x64xf32, #tpu.memory_space<vmem_shared>>
        tpu.enqueue_indirect_dma source(%dma_start3A_57 : memref<112x64xf32, #tpu.memory_space<vmem>>) target(%dma_start3A_63 : memref<10240x64xf32, #tpu.memory_space<vmem_shared>>) offsets(%dma_start3A_60 : memref<112xi32, #tpu.memory_space<vmem>>) semaphore(%run_scoped3A : memref<!tpu.dma_semaphore, #tpu.memory_space<semaphore_mem>>) {add = true}
        %dma_wait3A = arith.constant 0 : i32
        %dma_wait3A_64 = arith.constant 0 : i32
        %dma_wait3A_65 = tpu.memref_slice %arg10[%add3A_50, %dma_wait3A, %dma_wait3A_64] : memref<7x112x64xf32, #tpu.memory_space<vmem>> -> memref<1x112x64xf32, #tpu.memory_space<vmem>>
        %dma_wait3A_66 = tpu.memref_squeeze %dma_wait3A_65 : memref<1x112x64xf32, #tpu.memory_space<vmem>> -> memref<112x64xf32, #tpu.memory_space<vmem>>
        %dma_wait3A_67 = arith.constant 0 : i32
        %dma_wait3A_68 = tpu.memref_slice %arg9[%add3A_52, %dma_wait3A_67] : memref<28x112xi32, #tpu.memory_space<vmem>> -> memref<1x112xi32, #tpu.memory_space<vmem>>
        %dma_wait3A_69 = tpu.memref_squeeze %dma_wait3A_68 : memref<1x112xi32, #tpu.memory_space<vmem>> -> memref<112xi32, #tpu.memory_space<vmem>>
        %dma_wait3A_70 = arith.constant 0 : i32
        %dma_wait3A_71 = arith.constant 0 : i32
        %dma_wait3A_72 = tpu.memref_slice %arg11[%dma_wait3A_70, %dma_wait3A_71] : memref<10240x64xf32, #tpu.memory_space<vmem_shared>> -> memref<10240x64xf32, #tpu.memory_space<vmem_shared>>
        tpu.wait_indirect_dma semaphore(%run_scoped3A : memref<!tpu.dma_semaphore, #tpu.memory_space<semaphore_mem>>) src(%dma_wait3A_66 : memref<112x64xf32, #tpu.memory_space<vmem>>) dst(%dma_wait3A_72 : memref<10240x64xf32, #tpu.memory_space<vmem_shared>>)
        tpu.yield
      }) : () -> ()
      %add3A_53 = arith.constant 14 : i32
      %add3A_54 = arith.addi %add3A_53, %add3A_50 : i32
      "tpu.region"() ({
        %run_scoped3A = tpu.sem_alloc : memref<!tpu.dma_semaphore, #tpu.memory_space<semaphore_mem>>
        %dma_start3A = arith.constant 0 : i32
        %dma_start3A_55 = tpu.memref_slice %arg9[%add3A_54, %dma_start3A] : memref<28x112xi32, #tpu.memory_space<vmem>> -> memref<1x112xi32, #tpu.memory_space<vmem>>
        %dma_start3A_56 = tpu.memref_squeeze %dma_start3A_55 : memref<1x112xi32, #tpu.memory_space<vmem>> -> memref<112xi32, #tpu.memory_space<vmem>>
        %dma_start3A_57 = arith.constant 0 : i32
        %dma_start3A_58 = arith.constant 0 : i32
        %dma_start3A_59 = tpu.memref_slice %arg13[%dma_start3A_57, %dma_start3A_58] : memref<10240x16xf32, #tpu.memory_space<vmem_shared>> -> memref<10240x16xf32, #tpu.memory_space<vmem_shared>>
        tpu.enqueue_indirect_dma source(%arg12 : memref<112x16xf32, #tpu.memory_space<vmem>>) target(%dma_start3A_59 : memref<10240x16xf32, #tpu.memory_space<vmem_shared>>) offsets(%dma_start3A_56 : memref<112xi32, #tpu.memory_space<vmem>>) semaphore(%run_scoped3A : memref<!tpu.dma_semaphore, #tpu.memory_space<semaphore_mem>>) {add = true}
        %dma_wait3A = arith.constant 0 : i32
        %dma_wait3A_60 = tpu.memref_slice %arg9[%add3A_54, %dma_wait3A] : memref<28x112xi32, #tpu.memory_space<vmem>> -> memref<1x112xi32, #tpu.memory_space<vmem>>
        %dma_wait3A_61 = tpu.memref_squeeze %dma_wait3A_60 : memref<1x112xi32, #tpu.memory_space<vmem>> -> memref<112xi32, #tpu.memory_space<vmem>>
        %dma_wait3A_62 = arith.constant 0 : i32
        %dma_wait3A_63 = arith.constant 0 : i32
        %dma_wait3A_64 = tpu.memref_slice %arg13[%dma_wait3A_62, %dma_wait3A_63] : memref<10240x16xf32, #tpu.memory_space<vmem_shared>> -> memref<10240x16xf32, #tpu.memory_space<vmem_shared>>
        tpu.wait_indirect_dma semaphore(%run_scoped3A : memref<!tpu.dma_semaphore, #tpu.memory_space<semaphore_mem>>) src(%arg12 : memref<112x16xf32, #tpu.memory_space<vmem>>) dst(%dma_wait3A_64 : memref<10240x16xf32, #tpu.memory_space<vmem_shared>>)
        tpu.yield
      }) : () -> ()
    }
    %scan3A_27 = arith.constant 7 : i32
    %mul3A_28 = arith.constant 28 : i32
    %mul3A_29 = arith.muli %arg1, %mul3A_28 : i32
    %add3A_30 = arith.constant 21 : i32
    %add3A_31 = arith.addi %mul3A_29, %add3A_30 : i32
    "tpu.region"() ({
      %run_scoped3A = tpu.sem_alloc : memref<!tpu.dma_semaphore, #tpu.memory_space<semaphore_mem>>
      %dma_start3A = arith.constant 0 : i32
      %dma_start3A_46 = arith.constant 0 : i32
      %dma_start3A_47 = tpu.memref_slice %arg2[%add3A_31, %dma_start3A, %dma_start3A_46] : memref<448x112x64xf32, #tpu.memory_space<hbm>> -> memref<7x112x64xf32, #tpu.memory_space<hbm>>
      %dma_start3A_48 = arith.constant 0 : i32
      %dma_start3A_49 = arith.constant 0 : i32
      %dma_start3A_50 = tpu.memref_slice %arg2[%add3A_31, %dma_start3A_48, %dma_start3A_49] : memref<448x112x64xf32, #tpu.memory_space<hbm>> -> memref<7x112x64xf32, #tpu.memory_space<hbm>>
      tpu.enqueue_dma source(%dma_start3A_50 : memref<7x112x64xf32, #tpu.memory_space<hbm>>) target(%arg10 : memref<7x112x64xf32, #tpu.memory_space<vmem>>) target_semaphore(%run_scoped3A : memref<!tpu.dma_semaphore, #tpu.memory_space<semaphore_mem>>)
      %dma_wait3A = arith.constant 0 : i32
      %dma_wait3A_51 = arith.constant 0 : i32
      %dma_wait3A_52 = tpu.memref_slice %arg2[%add3A_31, %dma_wait3A, %dma_wait3A_51] : memref<448x112x64xf32, #tpu.memory_space<hbm>> -> memref<7x112x64xf32, #tpu.memory_space<hbm>>
      %dma_wait3A_53 = arith.constant 0 : i32
      %dma_wait3A_54 = arith.constant 0 : i32
      %dma_wait3A_55 = tpu.memref_slice %arg2[%add3A_31, %dma_wait3A_53, %dma_wait3A_54] : memref<448x112x64xf32, #tpu.memory_space<hbm>> -> memref<7x112x64xf32, #tpu.memory_space<hbm>>
      tpu.wait_dma2 semaphore(%run_scoped3A : memref<!tpu.dma_semaphore, #tpu.memory_space<semaphore_mem>>) src(%dma_wait3A_55 : memref<7x112x64xf32, #tpu.memory_space<hbm>>) dst(%arg10 : memref<7x112x64xf32, #tpu.memory_space<vmem>>)
      tpu.yield
    }) : () -> ()
    %scan3A_32 = arith.constant 0 : i32
    %scan3A_33 = arith.constant 7 : i32
    %scan3A_34 = arith.addi %scan3A_32, %scan3A_33 : i32
    %scan3A_35 = arith.constant 1 : i32
    scf.for %scan3A_46 = %scan3A_32 to %scan3A_34 step %scan3A_35  : i32 {
      %mul3A_47 = arith.constant 1 : i32
      %mul3A_48 = arith.muli %scan3A_46, %mul3A_47 : i32
      %add3A_49 = arith.constant 0 : i32
      %add3A_50 = arith.addi %add3A_49, %mul3A_48 : i32
      %add3A_51 = arith.constant 21 : i32
      %add3A_52 = arith.addi %add3A_51, %add3A_50 : i32
      "tpu.region"() ({
        %run_scoped3A = tpu.sem_alloc : memref<!tpu.dma_semaphore, #tpu.memory_space<semaphore_mem>>
        %dma_start3A = arith.constant 0 : i32
        %dma_start3A_55 = arith.constant 0 : i32
        %dma_start3A_56 = tpu.memref_slice %arg10[%add3A_50, %dma_start3A, %dma_start3A_55] : memref<7x112x64xf32, #tpu.memory_space<vmem>> -> memref<1x112x64xf32, #tpu.memory_space<vmem>>
        %dma_start3A_57 = tpu.memref_squeeze %dma_start3A_56 : memref<1x112x64xf32, #tpu.memory_space<vmem>> -> memref<112x64xf32, #tpu.memory_space<vmem>>
        %dma_start3A_58 = arith.constant 0 : i32
        %dma_start3A_59 = tpu.memref_slice %arg9[%add3A_52, %dma_start3A_58] : memref<28x112xi32, #tpu.memory_space<vmem>> -> memref<1x112xi32, #tpu.memory_space<vmem>>
        %dma_start3A_60 = tpu.memref_squeeze %dma_start3A_59 : memref<1x112xi32, #tpu.memory_space<vmem>> -> memref<112xi32, #tpu.memory_space<vmem>>
        %dma_start3A_61 = arith.constant 0 : i32
        %dma_start3A_62 = arith.constant 0 : i32
        %dma_start3A_63 = tpu.memref_slice %arg11[%dma_start3A_61, %dma_start3A_62] : memref<10240x64xf32, #tpu.memory_space<vmem_shared>> -> memref<10240x64xf32, #tpu.memory_space<vmem_shared>>
        tpu.enqueue_indirect_dma source(%dma_start3A_57 : memref<112x64xf32, #tpu.memory_space<vmem>>) target(%dma_start3A_63 : memref<10240x64xf32, #tpu.memory_space<vmem_shared>>) offsets(%dma_start3A_60 : memref<112xi32, #tpu.memory_space<vmem>>) semaphore(%run_scoped3A : memref<!tpu.dma_semaphore, #tpu.memory_space<semaphore_mem>>) {add = true}
        %dma_wait3A = arith.constant 0 : i32
        %dma_wait3A_64 = arith.constant 0 : i32
        %dma_wait3A_65 = tpu.memref_slice %arg10[%add3A_50, %dma_wait3A, %dma_wait3A_64] : memref<7x112x64xf32, #tpu.memory_space<vmem>> -> memref<1x112x64xf32, #tpu.memory_space<vmem>>
        %dma_wait3A_66 = tpu.memref_squeeze %dma_wait3A_65 : memref<1x112x64xf32, #tpu.memory_space<vmem>> -> memref<112x64xf32, #tpu.memory_space<vmem>>
        %dma_wait3A_67 = arith.constant 0 : i32
        %dma_wait3A_68 = tpu.memref_slice %arg9[%add3A_52, %dma_wait3A_67] : memref<28x112xi32, #tpu.memory_space<vmem>> -> memref<1x112xi32, #tpu.memory_space<vmem>>
        %dma_wait3A_69 = tpu.memref_squeeze %dma_wait3A_68 : memref<1x112xi32, #tpu.memory_space<vmem>> -> memref<112xi32, #tpu.memory_space<vmem>>
        %dma_wait3A_70 = arith.constant 0 : i32
        %dma_wait3A_71 = arith.constant 0 : i32
        %dma_wait3A_72 = tpu.memref_slice %arg11[%dma_wait3A_70, %dma_wait3A_71] : memref<10240x64xf32, #tpu.memory_space<vmem_shared>> -> memref<10240x64xf32, #tpu.memory_space<vmem_shared>>
        tpu.wait_indirect_dma semaphore(%run_scoped3A : memref<!tpu.dma_semaphore, #tpu.memory_space<semaphore_mem>>) src(%dma_wait3A_66 : memref<112x64xf32, #tpu.memory_space<vmem>>) dst(%dma_wait3A_72 : memref<10240x64xf32, #tpu.memory_space<vmem_shared>>)
        tpu.yield
      }) : () -> ()
      %add3A_53 = arith.constant 21 : i32
      %add3A_54 = arith.addi %add3A_53, %add3A_50 : i32
      "tpu.region"() ({
        %run_scoped3A = tpu.sem_alloc : memref<!tpu.dma_semaphore, #tpu.memory_space<semaphore_mem>>
        %dma_start3A = arith.constant 0 : i32
        %dma_start3A_55 = tpu.memref_slice %arg9[%add3A_54, %dma_start3A] : memref<28x112xi32, #tpu.memory_space<vmem>> -> memref<1x112xi32, #tpu.memory_space<vmem>>
        %dma_start3A_56 = tpu.memref_squeeze %dma_start3A_55 : memref<1x112xi32, #tpu.memory_space<vmem>> -> memref<112xi32, #tpu.memory_space<vmem>>
        %dma_start3A_57 = arith.constant 0 : i32
        %dma_start3A_58 = arith.constant 0 : i32
        %dma_start3A_59 = tpu.memref_slice %arg13[%dma_start3A_57, %dma_start3A_58] : memref<10240x16xf32, #tpu.memory_space<vmem_shared>> -> memref<10240x16xf32, #tpu.memory_space<vmem_shared>>
        tpu.enqueue_indirect_dma source(%arg12 : memref<112x16xf32, #tpu.memory_space<vmem>>) target(%dma_start3A_59 : memref<10240x16xf32, #tpu.memory_space<vmem_shared>>) offsets(%dma_start3A_56 : memref<112xi32, #tpu.memory_space<vmem>>) semaphore(%run_scoped3A : memref<!tpu.dma_semaphore, #tpu.memory_space<semaphore_mem>>) {add = true}
        %dma_wait3A = arith.constant 0 : i32
        %dma_wait3A_60 = tpu.memref_slice %arg9[%add3A_54, %dma_wait3A] : memref<28x112xi32, #tpu.memory_space<vmem>> -> memref<1x112xi32, #tpu.memory_space<vmem>>
        %dma_wait3A_61 = tpu.memref_squeeze %dma_wait3A_60 : memref<1x112xi32, #tpu.memory_space<vmem>> -> memref<112xi32, #tpu.memory_space<vmem>>
        %dma_wait3A_62 = arith.constant 0 : i32
        %dma_wait3A_63 = arith.constant 0 : i32
        %dma_wait3A_64 = tpu.memref_slice %arg13[%dma_wait3A_62, %dma_wait3A_63] : memref<10240x16xf32, #tpu.memory_space<vmem_shared>> -> memref<10240x16xf32, #tpu.memory_space<vmem_shared>>
        tpu.wait_indirect_dma semaphore(%run_scoped3A : memref<!tpu.dma_semaphore, #tpu.memory_space<semaphore_mem>>) src(%arg12 : memref<112x16xf32, #tpu.memory_space<vmem>>) dst(%dma_wait3A_64 : memref<10240x16xf32, #tpu.memory_space<vmem_shared>>)
        tpu.yield
      }) : () -> ()
    }
    %scan3A_36 = arith.constant 7 : i32
    %barrier3A_37 = arith.constant 0 : index
    tpu.barrier barrier_id(%barrier3A_37)
    %mul3A_38 = arith.constant 640 : i32
    %mul3A_39 = arith.muli %arg1, %mul3A_38 : i32
    %mul3A_40 = arith.constant 640 : i32
    %mul3A_41 = arith.muli %arg1, %mul3A_40 : i32
    "tpu.region"() ({
      %run_scoped3A = tpu.sem_alloc : memref<!tpu.dma_semaphore, #tpu.memory_space<semaphore_mem>>
      %dma_start3A = arith.constant 0 : i32
      %dma_start3A_46 = tpu.memref_slice %arg7[%mul3A_41, %dma_start3A] : memref<10240x64xf32, #tpu.memory_space<hbm>> -> memref<640x64xf32, #tpu.memory_space<hbm>>
      %dma_start3A_47 = arith.constant 0 : i32
      %dma_start3A_48 = tpu.memref_slice %arg11[%mul3A_39, %dma_start3A_47] : memref<10240x64xf32, #tpu.memory_space<vmem_shared>> -> memref<640x64xf32, #tpu.memory_space<vmem_shared>>
      tpu.enqueue_dma source(%dma_start3A_48 : memref<640x64xf32, #tpu.memory_space<vmem_shared>>) target(%dma_start3A_46 : memref<640x64xf32, #tpu.memory_space<hbm>>) target_semaphore(%run_scoped3A : memref<!tpu.dma_semaphore, #tpu.memory_space<semaphore_mem>>)
      %dma_wait3A = arith.constant 0 : i32
      %dma_wait3A_49 = tpu.memref_slice %arg7[%mul3A_41, %dma_wait3A] : memref<10240x64xf32, #tpu.memory_space<hbm>> -> memref<640x64xf32, #tpu.memory_space<hbm>>
      %dma_wait3A_50 = arith.constant 0 : i32
      %dma_wait3A_51 = tpu.memref_slice %arg11[%mul3A_39, %dma_wait3A_50] : memref<10240x64xf32, #tpu.memory_space<vmem_shared>> -> memref<640x64xf32, #tpu.memory_space<vmem_shared>>
      tpu.wait_dma2 semaphore(%run_scoped3A : memref<!tpu.dma_semaphore, #tpu.memory_space<semaphore_mem>>) src(%dma_wait3A_51 : memref<640x64xf32, #tpu.memory_space<vmem_shared>>) dst(%dma_wait3A_49 : memref<640x64xf32, #tpu.memory_space<hbm>>)
      tpu.yield
    }) : () -> ()
    %mul3A_42 = arith.constant 640 : i32
    %mul3A_43 = arith.muli %arg1, %mul3A_42 : i32
    %mul3A_44 = arith.constant 640 : i32
    %mul3A_45 = arith.muli %arg1, %mul3A_44 : i32
    "tpu.region"() ({
      %run_scoped3A = tpu.sem_alloc : memref<!tpu.dma_semaphore, #tpu.memory_space<semaphore_mem>>
      %dma_start3A = arith.constant 0 : i32
      %dma_start3A_46 = tpu.memref_slice %arg8[%mul3A_45, %dma_start3A] : memref<10240x16xf32, #tpu.memory_space<hbm>> -> memref<640x16xf32, #tpu.memory_space<hbm>>
      %dma_start3A_47 = arith.constant 0 : i32
      %dma_start3A_48 = tpu.memref_slice %arg13[%mul3A_43, %dma_start3A_47] : memref<10240x16xf32, #tpu.memory_space<vmem_shared>> -> memref<640x16xf32, #tpu.memory_space<vmem_shared>>
      tpu.enqueue_dma source(%dma_start3A_48 : memref<640x16xf32, #tpu.memory_space<vmem_shared>>) target(%dma_start3A_46 : memref<640x16xf32, #tpu.memory_space<hbm>>) target_semaphore(%run_scoped3A : memref<!tpu.dma_semaphore, #tpu.memory_space<semaphore_mem>>)
      %dma_wait3A = arith.constant 0 : i32
      %dma_wait3A_49 = tpu.memref_slice %arg8[%mul3A_45, %dma_wait3A] : memref<10240x16xf32, #tpu.memory_space<hbm>> -> memref<640x16xf32, #tpu.memory_space<hbm>>
      %dma_wait3A_50 = arith.constant 0 : i32
      %dma_wait3A_51 = tpu.memref_slice %arg13[%mul3A_43, %dma_wait3A_50] : memref<10240x16xf32, #tpu.memory_space<vmem_shared>> -> memref<640x16xf32, #tpu.memory_space<vmem_shared>>
      tpu.wait_dma2 semaphore(%run_scoped3A : memref<!tpu.dma_semaphore, #tpu.memory_space<semaphore_mem>>) src(%dma_wait3A_51 : memref<640x16xf32, #tpu.memory_space<vmem_shared>>) dst(%dma_wait3A_49 : memref<640x16xf32, #tpu.memory_space<hbm>>)
      tpu.yield
    }) : () -> ()
    return
  }
}

#map = affine_map<(d0, d1) -> (0, 0, 0)>
#map1 = affine_map<(d0, d1) -> (0, 0)>
module attributes {stable_mosaic.version = 14 : i64} {
  func.func @scatter_k(%arg0: i32, %arg1: i32, %arg2: memref<448x112x64xf32, #tpu.memory_space<hbm>>, %arg3: memref<16x28x112xi32, #tpu.memory_space<hbm>>, %arg4: memref<640x64xf32, #tpu.memory_space<hbm>>, %arg5: memref<640x16xf32, #tpu.memory_space<hbm>>, %arg6: memref<112x16xf32, #tpu.memory_space<hbm>>, %arg7: memref<10240x64xf32, #tpu.memory_space<hbm>>, %arg8: memref<10240x16xf32, #tpu.memory_space<hbm>>, %arg9: memref<28x112xi32, #tpu.memory_space<vmem>>, %arg10: memref<7x112x64xf32, #tpu.memory_space<vmem>>, %arg11: memref<10240x64xf32, #tpu.memory_space<vmem_shared>>, %arg12: memref<112x16xf32, #tpu.memory_space<vmem>>, %arg13: memref<10240x16xf32, #tpu.memory_space<vmem_shared>>) attributes {dimension_semantics = [#tpu.dimension_semantics<core_parallel>, #tpu.dimension_semantics<subcore_parallel>], iteration_bounds = array<i64: 1, 16>, scalar_prefetch = 0 : i64, scratch_operands = 5 : i64, tpu.core_type = #tpu.core_type<sc_vector_subcore>, window_params = [{transform_indices = #map}, {transform_indices = #map}, {transform_indices = #map1}, {transform_indices = #map1}, {transform_indices = #map1}, {transform_indices = #map1}, {transform_indices = #map1}]} {
    %mul3A = arith.constant 640 : i32
    %mul3A_0 = arith.muli %arg1, %mul3A : i32
    "tpu.region"() ({
      %run_scoped3A = tpu.sem_alloc : memref<!tpu.dma_semaphore, #tpu.memory_space<semaphore_mem>>
      %dma_start3A = arith.constant 0 : i32
      %dma_start3A_46 = tpu.memref_slice %arg11[%mul3A_0, %dma_start3A] : memref<10240x64xf32, #tpu.memory_space<vmem_shared>> -> memref<640x64xf32, #tpu.memory_space<vmem_shared>>
      tpu.enqueue_dma source(%arg4 : memref<640x64xf32, #tpu.memory_space<hbm>>) target(%dma_start3A_46 : memref<640x64xf32, #tpu.memory_space<vmem_shared>>) target_semaphore(%run_scoped3A : memref<!tpu.dma_semaphore, #tpu.memory_space<semaphore_mem>>)
      %dma_wait3A = arith.constant 0 : i32
      %dma_wait3A_47 = tpu.memref_slice %arg11[%mul3A_0, %dma_wait3A] : memref<10240x64xf32, #tpu.memory_space<vmem_shared>> -> memref<640x64xf32, #tpu.memory_space<vmem_shared>>
      tpu.wait_dma2 semaphore(%run_scoped3A : memref<!tpu.dma_semaphore, #tpu.memory_space<semaphore_mem>>) src(%arg4 : memref<640x64xf32, #tpu.memory_space<hbm>>) dst(%dma_wait3A_47 : memref<640x64xf32, #tpu.memory_space<vmem_shared>>)
      tpu.yield
    }) : () -> ()
    %mul3A_1 = arith.constant 640 : i32
    %mul3A_2 = arith.muli %arg1, %mul3A_1 : i32
    "tpu.region"() ({
      %run_scoped3A = tpu.sem_alloc : memref<!tpu.dma_semaphore, #tpu.memory_space<semaphore_mem>>
      %dma_start3A = arith.constant 0 : i32
      %dma_start3A_46 = tpu.memref_slice %arg13[%mul3A_2, %dma_start3A] : memref<10240x16xf32, #tpu.memory_space<vmem_shared>> -> memref<640x16xf32, #tpu.memory_space<vmem_shared>>
      tpu.enqueue_dma source(%arg5 : memref<640x16xf32, #tpu.memory_space<hbm>>) target(%dma_start3A_46 : memref<640x16xf32, #tpu.memory_space<vmem_shared>>) target_semaphore(%run_scoped3A : memref<!tpu.dma_semaphore, #tpu.memory_space<semaphore_mem>>)
      %dma_wait3A = arith.constant 0 : i32
      %dma_wait3A_47 = tpu.memref_slice %arg13[%mul3A_2, %dma_wait3A] : memref<10240x16xf32, #tpu.memory_space<vmem_shared>> -> memref<640x16xf32, #tpu.memory_space<vmem_shared>>
      tpu.wait_dma2 semaphore(%run_scoped3A : memref<!tpu.dma_semaphore, #tpu.memory_space<semaphore_mem>>) src(%arg5 : memref<640x16xf32, #tpu.memory_space<hbm>>) dst(%dma_wait3A_47 : memref<640x16xf32, #tpu.memory_space<vmem_shared>>)
      tpu.yield
    }) : () -> ()
    "tpu.region"() ({
      %run_scoped3A = tpu.sem_alloc : memref<!tpu.dma_semaphore, #tpu.memory_space<semaphore_mem>>
      tpu.enqueue_dma source(%arg6 : memref<112x16xf32, #tpu.memory_space<hbm>>) target(%arg12 : memref<112x16xf32, #tpu.memory_space<vmem>>) target_semaphore(%run_scoped3A : memref<!tpu.dma_semaphore, #tpu.memory_space<semaphore_mem>>)
      tpu.wait_dma2 semaphore(%run_scoped3A : memref<!tpu.dma_semaphore, #tpu.memory_space<semaphore_mem>>) src(%arg6 : memref<112x16xf32, #tpu.memory_space<hbm>>) dst(%arg12 : memref<112x16xf32, #tpu.memory_space<vmem>>)
      tpu.yield
    }) : () -> ()
    "tpu.region"() ({
      %run_scoped3A = tpu.sem_alloc : memref<!tpu.dma_semaphore, #tpu.memory_space<semaphore_mem>>
      %dma_start3A = arith.constant 0 : i32
      %dma_start3A_46 = arith.constant 0 : i32
      %dma_start3A_47 = tpu.memref_slice %arg3[%arg1, %dma_start3A, %dma_start3A_46] : memref<16x28x112xi32, #tpu.memory_space<hbm>> -> memref<1x28x112xi32, #tpu.memory_space<hbm>>
      %dma_start3A_48 = tpu.memref_squeeze %dma_start3A_47 : memref<1x28x112xi32, #tpu.memory_space<hbm>> -> memref<28x112xi32, #tpu.memory_space<hbm>>
      %dma_start3A_49 = arith.constant 0 : i32
      %dma_start3A_50 = arith.constant 0 : i32
      %dma_start3A_51 = tpu.memref_slice %arg3[%arg1, %dma_start3A_49, %dma_start3A_50] : memref<16x28x112xi32, #tpu.memory_space<hbm>> -> memref<1x28x112xi32, #tpu.memory_space<hbm>>
      %dma_start3A_52 = tpu.memref_squeeze %dma_start3A_51 : memref<1x28x112xi32, #tpu.memory_space<hbm>> -> memref<28x112xi32, #tpu.memory_space<hbm>>
      tpu.enqueue_dma source(%dma_start3A_52 : memref<28x112xi32, #tpu.memory_space<hbm>>) target(%arg9 : memref<28x112xi32, #tpu.memory_space<vmem>>) target_semaphore(%run_scoped3A : memref<!tpu.dma_semaphore, #tpu.memory_space<semaphore_mem>>)
      %dma_wait3A = arith.constant 0 : i32
      %dma_wait3A_53 = arith.constant 0 : i32
      %dma_wait3A_54 = tpu.memref_slice %arg3[%arg1, %dma_wait3A, %dma_wait3A_53] : memref<16x28x112xi32, #tpu.memory_space<hbm>> -> memref<1x28x112xi32, #tpu.memory_space<hbm>>
      %dma_wait3A_55 = tpu.memref_squeeze %dma_wait3A_54 : memref<1x28x112xi32, #tpu.memory_space<hbm>> -> memref<28x112xi32, #tpu.memory_space<hbm>>
      %dma_wait3A_56 = arith.constant 0 : i32
      %dma_wait3A_57 = arith.constant 0 : i32
      %dma_wait3A_58 = tpu.memref_slice %arg3[%arg1, %dma_wait3A_56, %dma_wait3A_57] : memref<16x28x112xi32, #tpu.memory_space<hbm>> -> memref<1x28x112xi32, #tpu.memory_space<hbm>>
      %dma_wait3A_59 = tpu.memref_squeeze %dma_wait3A_58 : memref<1x28x112xi32, #tpu.memory_space<hbm>> -> memref<28x112xi32, #tpu.memory_space<hbm>>
      tpu.wait_dma2 semaphore(%run_scoped3A : memref<!tpu.dma_semaphore, #tpu.memory_space<semaphore_mem>>) src(%dma_wait3A_59 : memref<28x112xi32, #tpu.memory_space<hbm>>) dst(%arg9 : memref<28x112xi32, #tpu.memory_space<vmem>>)
      tpu.yield
    }) : () -> ()
    %barrier3A = arith.constant 0 : index
    tpu.barrier barrier_id(%barrier3A)
    %mul3A_3 = arith.constant 28 : i32
    %mul3A_4 = arith.muli %arg1, %mul3A_3 : i32
    %add3A = arith.constant 0 : i32
    %add3A_5 = arith.addi %mul3A_4, %add3A : i32
    "tpu.region"() ({
      %run_scoped3A = tpu.sem_alloc : memref<!tpu.dma_semaphore, #tpu.memory_space<semaphore_mem>>
      %dma_start3A = arith.constant 0 : i32
      %dma_start3A_46 = arith.constant 0 : i32
      %dma_start3A_47 = tpu.memref_slice %arg2[%add3A_5, %dma_start3A, %dma_start3A_46] : memref<448x112x64xf32, #tpu.memory_space<hbm>> -> memref<7x112x64xf32, #tpu.memory_space<hbm>>
      %dma_start3A_48 = arith.constant 0 : i32
      %dma_start3A_49 = arith.constant 0 : i32
      %dma_start3A_50 = tpu.memref_slice %arg2[%add3A_5, %dma_start3A_48, %dma_start3A_49] : memref<448x112x64xf32, #tpu.memory_space<hbm>> -> memref<7x112x64xf32, #tpu.memory_space<hbm>>
      tpu.enqueue_dma source(%dma_start3A_50 : memref<7x112x64xf32, #tpu.memory_space<hbm>>) target(%arg10 : memref<7x112x64xf32, #tpu.memory_space<vmem>>) target_semaphore(%run_scoped3A : memref<!tpu.dma_semaphore, #tpu.memory_space<semaphore_mem>>)
      %dma_wait3A = arith.constant 0 : i32
      %dma_wait3A_51 = arith.constant 0 : i32
      %dma_wait3A_52 = tpu.memref_slice %arg2[%add3A_5, %dma_wait3A, %dma_wait3A_51] : memref<448x112x64xf32, #tpu.memory_space<hbm>> -> memref<7x112x64xf32, #tpu.memory_space<hbm>>
      %dma_wait3A_53 = arith.constant 0 : i32
      %dma_wait3A_54 = arith.constant 0 : i32
      %dma_wait3A_55 = tpu.memref_slice %arg2[%add3A_5, %dma_wait3A_53, %dma_wait3A_54] : memref<448x112x64xf32, #tpu.memory_space<hbm>> -> memref<7x112x64xf32, #tpu.memory_space<hbm>>
      tpu.wait_dma2 semaphore(%run_scoped3A : memref<!tpu.dma_semaphore, #tpu.memory_space<semaphore_mem>>) src(%dma_wait3A_55 : memref<7x112x64xf32, #tpu.memory_space<hbm>>) dst(%arg10 : memref<7x112x64xf32, #tpu.memory_space<vmem>>)
      tpu.yield
    }) : () -> ()
    %scan3A = arith.constant 0 : i32
    %scan3A_6 = arith.constant 7 : i32
    %scan3A_7 = arith.addi %scan3A, %scan3A_6 : i32
    %scan3A_8 = arith.constant 1 : i32
    scf.for %scan3A_46 = %scan3A to %scan3A_7 step %scan3A_8  : i32 {
      %mul3A_47 = arith.constant 1 : i32
      %mul3A_48 = arith.muli %scan3A_46, %mul3A_47 : i32
      %add3A_49 = arith.constant 0 : i32
      %add3A_50 = arith.addi %add3A_49, %mul3A_48 : i32
      %add3A_51 = arith.constant 0 : i32
      %add3A_52 = arith.addi %add3A_51, %add3A_50 : i32
      "tpu.region"() ({
        %run_scoped3A = tpu.sem_alloc : memref<!tpu.dma_semaphore, #tpu.memory_space<semaphore_mem>>
        %dma_start3A = arith.constant 0 : i32
        %dma_start3A_55 = arith.constant 0 : i32
        %dma_start3A_56 = tpu.memref_slice %arg10[%add3A_50, %dma_start3A, %dma_start3A_55] : memref<7x112x64xf32, #tpu.memory_space<vmem>> -> memref<1x112x64xf32, #tpu.memory_space<vmem>>
        %dma_start3A_57 = tpu.memref_squeeze %dma_start3A_56 : memref<1x112x64xf32, #tpu.memory_space<vmem>> -> memref<112x64xf32, #tpu.memory_space<vmem>>
        %dma_start3A_58 = arith.constant 0 : i32
        %dma_start3A_59 = tpu.memref_slice %arg9[%add3A_52, %dma_start3A_58] : memref<28x112xi32, #tpu.memory_space<vmem>> -> memref<1x112xi32, #tpu.memory_space<vmem>>
        %dma_start3A_60 = tpu.memref_squeeze %dma_start3A_59 : memref<1x112xi32, #tpu.memory_space<vmem>> -> memref<112xi32, #tpu.memory_space<vmem>>
        %dma_start3A_61 = arith.constant 0 : i32
        %dma_start3A_62 = arith.constant 0 : i32
        %dma_start3A_63 = tpu.memref_slice %arg11[%dma_start3A_61, %dma_start3A_62] : memref<10240x64xf32, #tpu.memory_space<vmem_shared>> -> memref<10240x64xf32, #tpu.memory_space<vmem_shared>>
        tpu.enqueue_indirect_dma source(%dma_start3A_57 : memref<112x64xf32, #tpu.memory_space<vmem>>) target(%dma_start3A_63 : memref<10240x64xf32, #tpu.memory_space<vmem_shared>>) offsets(%dma_start3A_60 : memref<112xi32, #tpu.memory_space<vmem>>) semaphore(%run_scoped3A : memref<!tpu.dma_semaphore, #tpu.memory_space<semaphore_mem>>) {add = true}
        %dma_wait3A = arith.constant 0 : i32
        %dma_wait3A_64 = arith.constant 0 : i32
        %dma_wait3A_65 = tpu.memref_slice %arg10[%add3A_50, %dma_wait3A, %dma_wait3A_64] : memref<7x112x64xf32, #tpu.memory_space<vmem>> -> memref<1x112x64xf32, #tpu.memory_space<vmem>>
        %dma_wait3A_66 = tpu.memref_squeeze %dma_wait3A_65 : memref<1x112x64xf32, #tpu.memory_space<vmem>> -> memref<112x64xf32, #tpu.memory_space<vmem>>
        %dma_wait3A_67 = arith.constant 0 : i32
        %dma_wait3A_68 = tpu.memref_slice %arg9[%add3A_52, %dma_wait3A_67] : memref<28x112xi32, #tpu.memory_space<vmem>> -> memref<1x112xi32, #tpu.memory_space<vmem>>
        %dma_wait3A_69 = tpu.memref_squeeze %dma_wait3A_68 : memref<1x112xi32, #tpu.memory_space<vmem>> -> memref<112xi32, #tpu.memory_space<vmem>>
        %dma_wait3A_70 = arith.constant 0 : i32
        %dma_wait3A_71 = arith.constant 0 : i32
        %dma_wait3A_72 = tpu.memref_slice %arg11[%dma_wait3A_70, %dma_wait3A_71] : memref<10240x64xf32, #tpu.memory_space<vmem_shared>> -> memref<10240x64xf32, #tpu.memory_space<vmem_shared>>
        tpu.wait_indirect_dma semaphore(%run_scoped3A : memref<!tpu.dma_semaphore, #tpu.memory_space<semaphore_mem>>) src(%dma_wait3A_66 : memref<112x64xf32, #tpu.memory_space<vmem>>) dst(%dma_wait3A_72 : memref<10240x64xf32, #tpu.memory_space<vmem_shared>>)
        tpu.yield
      }) : () -> ()
      %add3A_53 = arith.constant 0 : i32
      %add3A_54 = arith.addi %add3A_53, %add3A_50 : i32
      "tpu.region"() ({
        %run_scoped3A = tpu.sem_alloc : memref<!tpu.dma_semaphore, #tpu.memory_space<semaphore_mem>>
        %dma_start3A = arith.constant 0 : i32
        %dma_start3A_55 = tpu.memref_slice %arg9[%add3A_54, %dma_start3A] : memref<28x112xi32, #tpu.memory_space<vmem>> -> memref<1x112xi32, #tpu.memory_space<vmem>>
        %dma_start3A_56 = tpu.memref_squeeze %dma_start3A_55 : memref<1x112xi32, #tpu.memory_space<vmem>> -> memref<112xi32, #tpu.memory_space<vmem>>
        %dma_start3A_57 = arith.constant 0 : i32
        %dma_start3A_58 = arith.constant 0 : i32
        %dma_start3A_59 = tpu.memref_slice %arg13[%dma_start3A_57, %dma_start3A_58] : memref<10240x16xf32, #tpu.memory_space<vmem_shared>> -> memref<10240x16xf32, #tpu.memory_space<vmem_shared>>
        tpu.enqueue_indirect_dma source(%arg12 : memref<112x16xf32, #tpu.memory_space<vmem>>) target(%dma_start3A_59 : memref<10240x16xf32, #tpu.memory_space<vmem_shared>>) offsets(%dma_start3A_56 : memref<112xi32, #tpu.memory_space<vmem>>) semaphore(%run_scoped3A : memref<!tpu.dma_semaphore, #tpu.memory_space<semaphore_mem>>) {add = true}
        %dma_wait3A = arith.constant 0 : i32
        %dma_wait3A_60 = tpu.memref_slice %arg9[%add3A_54, %dma_wait3A] : memref<28x112xi32, #tpu.memory_space<vmem>> -> memref<1x112xi32, #tpu.memory_space<vmem>>
        %dma_wait3A_61 = tpu.memref_squeeze %dma_wait3A_60 : memref<1x112xi32, #tpu.memory_space<vmem>> -> memref<112xi32, #tpu.memory_space<vmem>>
        %dma_wait3A_62 = arith.constant 0 : i32
        %dma_wait3A_63 = arith.constant 0 : i32
        %dma_wait3A_64 = tpu.memref_slice %arg13[%dma_wait3A_62, %dma_wait3A_63] : memref<10240x16xf32, #tpu.memory_space<vmem_shared>> -> memref<10240x16xf32, #tpu.memory_space<vmem_shared>>
        tpu.wait_indirect_dma semaphore(%run_scoped3A : memref<!tpu.dma_semaphore, #tpu.memory_space<semaphore_mem>>) src(%arg12 : memref<112x16xf32, #tpu.memory_space<vmem>>) dst(%dma_wait3A_64 : memref<10240x16xf32, #tpu.memory_space<vmem_shared>>)
        tpu.yield
      }) : () -> ()
    }
    %scan3A_9 = arith.constant 7 : i32
    %mul3A_10 = arith.constant 28 : i32
    %mul3A_11 = arith.muli %arg1, %mul3A_10 : i32
    %add3A_12 = arith.constant 7 : i32
    %add3A_13 = arith.addi %mul3A_11, %add3A_12 : i32
    "tpu.region"() ({
      %run_scoped3A = tpu.sem_alloc : memref<!tpu.dma_semaphore, #tpu.memory_space<semaphore_mem>>
      %dma_start3A = arith.constant 0 : i32
      %dma_start3A_46 = arith.constant 0 : i32
      %dma_start3A_47 = tpu.memref_slice %arg2[%add3A_13, %dma_start3A, %dma_start3A_46] : memref<448x112x64xf32, #tpu.memory_space<hbm>> -> memref<7x112x64xf32, #tpu.memory_space<hbm>>
      %dma_start3A_48 = arith.constant 0 : i32
      %dma_start3A_49 = arith.constant 0 : i32
      %dma_start3A_50 = tpu.memref_slice %arg2[%add3A_13, %dma_start3A_48, %dma_start3A_49] : memref<448x112x64xf32, #tpu.memory_space<hbm>> -> memref<7x112x64xf32, #tpu.memory_space<hbm>>
      tpu.enqueue_dma source(%dma_start3A_50 : memref<7x112x64xf32, #tpu.memory_space<hbm>>) target(%arg10 : memref<7x112x64xf32, #tpu.memory_space<vmem>>) target_semaphore(%run_scoped3A : memref<!tpu.dma_semaphore, #tpu.memory_space<semaphore_mem>>)
      %dma_wait3A = arith.constant 0 : i32
      %dma_wait3A_51 = arith.constant 0 : i32
      %dma_wait3A_52 = tpu.memref_slice %arg2[%add3A_13, %dma_wait3A, %dma_wait3A_51] : memref<448x112x64xf32, #tpu.memory_space<hbm>> -> memref<7x112x64xf32, #tpu.memory_space<hbm>>
      %dma_wait3A_53 = arith.constant 0 : i32
      %dma_wait3A_54 = arith.constant 0 : i32
      %dma_wait3A_55 = tpu.memref_slice %arg2[%add3A_13, %dma_wait3A_53, %dma_wait3A_54] : memref<448x112x64xf32, #tpu.memory_space<hbm>> -> memref<7x112x64xf32, #tpu.memory_space<hbm>>
      tpu.wait_dma2 semaphore(%run_scoped3A : memref<!tpu.dma_semaphore, #tpu.memory_space<semaphore_mem>>) src(%dma_wait3A_55 : memref<7x112x64xf32, #tpu.memory_space<hbm>>) dst(%arg10 : memref<7x112x64xf32, #tpu.memory_space<vmem>>)
      tpu.yield
    }) : () -> ()
    %scan3A_14 = arith.constant 0 : i32
    %scan3A_15 = arith.constant 7 : i32
    %scan3A_16 = arith.addi %scan3A_14, %scan3A_15 : i32
    %scan3A_17 = arith.constant 1 : i32
    scf.for %scan3A_46 = %scan3A_14 to %scan3A_16 step %scan3A_17  : i32 {
      %mul3A_47 = arith.constant 1 : i32
      %mul3A_48 = arith.muli %scan3A_46, %mul3A_47 : i32
      %add3A_49 = arith.constant 0 : i32
      %add3A_50 = arith.addi %add3A_49, %mul3A_48 : i32
      %add3A_51 = arith.constant 7 : i32
      %add3A_52 = arith.addi %add3A_51, %add3A_50 : i32
      "tpu.region"() ({
        %run_scoped3A = tpu.sem_alloc : memref<!tpu.dma_semaphore, #tpu.memory_space<semaphore_mem>>
        %dma_start3A = arith.constant 0 : i32
        %dma_start3A_55 = arith.constant 0 : i32
        %dma_start3A_56 = tpu.memref_slice %arg10[%add3A_50, %dma_start3A, %dma_start3A_55] : memref<7x112x64xf32, #tpu.memory_space<vmem>> -> memref<1x112x64xf32, #tpu.memory_space<vmem>>
        %dma_start3A_57 = tpu.memref_squeeze %dma_start3A_56 : memref<1x112x64xf32, #tpu.memory_space<vmem>> -> memref<112x64xf32, #tpu.memory_space<vmem>>
        %dma_start3A_58 = arith.constant 0 : i32
        %dma_start3A_59 = tpu.memref_slice %arg9[%add3A_52, %dma_start3A_58] : memref<28x112xi32, #tpu.memory_space<vmem>> -> memref<1x112xi32, #tpu.memory_space<vmem>>
        %dma_start3A_60 = tpu.memref_squeeze %dma_start3A_59 : memref<1x112xi32, #tpu.memory_space<vmem>> -> memref<112xi32, #tpu.memory_space<vmem>>
        %dma_start3A_61 = arith.constant 0 : i32
        %dma_start3A_62 = arith.constant 0 : i32
        %dma_start3A_63 = tpu.memref_slice %arg11[%dma_start3A_61, %dma_start3A_62] : memref<10240x64xf32, #tpu.memory_space<vmem_shared>> -> memref<10240x64xf32, #tpu.memory_space<vmem_shared>>
        tpu.enqueue_indirect_dma source(%dma_start3A_57 : memref<112x64xf32, #tpu.memory_space<vmem>>) target(%dma_start3A_63 : memref<10240x64xf32, #tpu.memory_space<vmem_shared>>) offsets(%dma_start3A_60 : memref<112xi32, #tpu.memory_space<vmem>>) semaphore(%run_scoped3A : memref<!tpu.dma_semaphore, #tpu.memory_space<semaphore_mem>>) {add = true}
        %dma_wait3A = arith.constant 0 : i32
        %dma_wait3A_64 = arith.constant 0 : i32
        %dma_wait3A_65 = tpu.memref_slice %arg10[%add3A_50, %dma_wait3A, %dma_wait3A_64] : memref<7x112x64xf32, #tpu.memory_space<vmem>> -> memref<1x112x64xf32, #tpu.memory_space<vmem>>
        %dma_wait3A_66 = tpu.memref_squeeze %dma_wait3A_65 : memref<1x112x64xf32, #tpu.memory_space<vmem>> -> memref<112x64xf32, #tpu.memory_space<vmem>>
        %dma_wait3A_67 = arith.constant 0 : i32
        %dma_wait3A_68 = tpu.memref_slice %arg9[%add3A_52, %dma_wait3A_67] : memref<28x112xi32, #tpu.memory_space<vmem>> -> memref<1x112xi32, #tpu.memory_space<vmem>>
        %dma_wait3A_69 = tpu.memref_squeeze %dma_wait3A_68 : memref<1x112xi32, #tpu.memory_space<vmem>> -> memref<112xi32, #tpu.memory_space<vmem>>
        %dma_wait3A_70 = arith.constant 0 : i32
        %dma_wait3A_71 = arith.constant 0 : i32
        %dma_wait3A_72 = tpu.memref_slice %arg11[%dma_wait3A_70, %dma_wait3A_71] : memref<10240x64xf32, #tpu.memory_space<vmem_shared>> -> memref<10240x64xf32, #tpu.memory_space<vmem_shared>>
        tpu.wait_indirect_dma semaphore(%run_scoped3A : memref<!tpu.dma_semaphore, #tpu.memory_space<semaphore_mem>>) src(%dma_wait3A_66 : memref<112x64xf32, #tpu.memory_space<vmem>>) dst(%dma_wait3A_72 : memref<10240x64xf32, #tpu.memory_space<vmem_shared>>)
        tpu.yield
      }) : () -> ()
      %add3A_53 = arith.constant 7 : i32
      %add3A_54 = arith.addi %add3A_53, %add3A_50 : i32
      "tpu.region"() ({
        %run_scoped3A = tpu.sem_alloc : memref<!tpu.dma_semaphore, #tpu.memory_space<semaphore_mem>>
        %dma_start3A = arith.constant 0 : i32
        %dma_start3A_55 = tpu.memref_slice %arg9[%add3A_54, %dma_start3A] : memref<28x112xi32, #tpu.memory_space<vmem>> -> memref<1x112xi32, #tpu.memory_space<vmem>>
        %dma_start3A_56 = tpu.memref_squeeze %dma_start3A_55 : memref<1x112xi32, #tpu.memory_space<vmem>> -> memref<112xi32, #tpu.memory_space<vmem>>
        %dma_start3A_57 = arith.constant 0 : i32
        %dma_start3A_58 = arith.constant 0 : i32
        %dma_start3A_59 = tpu.memref_slice %arg13[%dma_start3A_57, %dma_start3A_58] : memref<10240x16xf32, #tpu.memory_space<vmem_shared>> -> memref<10240x16xf32, #tpu.memory_space<vmem_shared>>
        tpu.enqueue_indirect_dma source(%arg12 : memref<112x16xf32, #tpu.memory_space<vmem>>) target(%dma_start3A_59 : memref<10240x16xf32, #tpu.memory_space<vmem_shared>>) offsets(%dma_start3A_56 : memref<112xi32, #tpu.memory_space<vmem>>) semaphore(%run_scoped3A : memref<!tpu.dma_semaphore, #tpu.memory_space<semaphore_mem>>) {add = true}
        %dma_wait3A = arith.constant 0 : i32
        %dma_wait3A_60 = tpu.memref_slice %arg9[%add3A_54, %dma_wait3A] : memref<28x112xi32, #tpu.memory_space<vmem>> -> memref<1x112xi32, #tpu.memory_space<vmem>>
        %dma_wait3A_61 = tpu.memref_squeeze %dma_wait3A_60 : memref<1x112xi32, #tpu.memory_space<vmem>> -> memref<112xi32, #tpu.memory_space<vmem>>
        %dma_wait3A_62 = arith.constant 0 : i32
        %dma_wait3A_63 = arith.constant 0 : i32
        %dma_wait3A_64 = tpu.memref_slice %arg13[%dma_wait3A_62, %dma_wait3A_63] : memref<10240x16xf32, #tpu.memory_space<vmem_shared>> -> memref<10240x16xf32, #tpu.memory_space<vmem_shared>>
        tpu.wait_indirect_dma semaphore(%run_scoped3A : memref<!tpu.dma_semaphore, #tpu.memory_space<semaphore_mem>>) src(%arg12 : memref<112x16xf32, #tpu.memory_space<vmem>>) dst(%dma_wait3A_64 : memref<10240x16xf32, #tpu.memory_space<vmem_shared>>)
        tpu.yield
      }) : () -> ()
    }
    %scan3A_18 = arith.constant 7 : i32
    %mul3A_19 = arith.constant 28 : i32
    %mul3A_20 = arith.muli %arg1, %mul3A_19 : i32
    %add3A_21 = arith.constant 14 : i32
    %add3A_22 = arith.addi %mul3A_20, %add3A_21 : i32
    "tpu.region"() ({
      %run_scoped3A = tpu.sem_alloc : memref<!tpu.dma_semaphore, #tpu.memory_space<semaphore_mem>>
      %dma_start3A = arith.constant 0 : i32
      %dma_start3A_46 = arith.constant 0 : i32
      %dma_start3A_47 = tpu.memref_slice %arg2[%add3A_22, %dma_start3A, %dma_start3A_46] : memref<448x112x64xf32, #tpu.memory_space<hbm>> -> memref<7x112x64xf32, #tpu.memory_space<hbm>>
      %dma_start3A_48 = arith.constant 0 : i32
      %dma_start3A_49 = arith.constant 0 : i32
      %dma_start3A_50 = tpu.memref_slice %arg2[%add3A_22, %dma_start3A_48, %dma_start3A_49] : memref<448x112x64xf32, #tpu.memory_space<hbm>> -> memref<7x112x64xf32, #tpu.memory_space<hbm>>
      tpu.enqueue_dma source(%dma_start3A_50 : memref<7x112x64xf32, #tpu.memory_space<hbm>>) target(%arg10 : memref<7x112x64xf32, #tpu.memory_space<vmem>>) target_semaphore(%run_scoped3A : memref<!tpu.dma_semaphore, #tpu.memory_space<semaphore_mem>>)
      %dma_wait3A = arith.constant 0 : i32
      %dma_wait3A_51 = arith.constant 0 : i32
      %dma_wait3A_52 = tpu.memref_slice %arg2[%add3A_22, %dma_wait3A, %dma_wait3A_51] : memref<448x112x64xf32, #tpu.memory_space<hbm>> -> memref<7x112x64xf32, #tpu.memory_space<hbm>>
      %dma_wait3A_53 = arith.constant 0 : i32
      %dma_wait3A_54 = arith.constant 0 : i32
      %dma_wait3A_55 = tpu.memref_slice %arg2[%add3A_22, %dma_wait3A_53, %dma_wait3A_54] : memref<448x112x64xf32, #tpu.memory_space<hbm>> -> memref<7x112x64xf32, #tpu.memory_space<hbm>>
      tpu.wait_dma2 semaphore(%run_scoped3A : memref<!tpu.dma_semaphore, #tpu.memory_space<semaphore_mem>>) src(%dma_wait3A_55 : memref<7x112x64xf32, #tpu.memory_space<hbm>>) dst(%arg10 : memref<7x112x64xf32, #tpu.memory_space<vmem>>)
      tpu.yield
    }) : () -> ()
    %scan3A_23 = arith.constant 0 : i32
    %scan3A_24 = arith.constant 7 : i32
    %scan3A_25 = arith.addi %scan3A_23, %scan3A_24 : i32
    %scan3A_26 = arith.constant 1 : i32
    scf.for %scan3A_46 = %scan3A_23 to %scan3A_25 step %scan3A_26  : i32 {
      %mul3A_47 = arith.constant 1 : i32
      %mul3A_48 = arith.muli %scan3A_46, %mul3A_47 : i32
      %add3A_49 = arith.constant 0 : i32
      %add3A_50 = arith.addi %add3A_49, %mul3A_48 : i32
      %add3A_51 = arith.constant 14 : i32
      %add3A_52 = arith.addi %add3A_51, %add3A_50 : i32
      "tpu.region"() ({
        %run_scoped3A = tpu.sem_alloc : memref<!tpu.dma_semaphore, #tpu.memory_space<semaphore_mem>>
        %dma_start3A = arith.constant 0 : i32
        %dma_start3A_55 = arith.constant 0 : i32
        %dma_start3A_56 = tpu.memref_slice %arg10[%add3A_50, %dma_start3A, %dma_start3A_55] : memref<7x112x64xf32, #tpu.memory_space<vmem>> -> memref<1x112x64xf32, #tpu.memory_space<vmem>>
        %dma_start3A_57 = tpu.memref_squeeze %dma_start3A_56 : memref<1x112x64xf32, #tpu.memory_space<vmem>> -> memref<112x64xf32, #tpu.memory_space<vmem>>
        %dma_start3A_58 = arith.constant 0 : i32
        %dma_start3A_59 = tpu.memref_slice %arg9[%add3A_52, %dma_start3A_58] : memref<28x112xi32, #tpu.memory_space<vmem>> -> memref<1x112xi32, #tpu.memory_space<vmem>>
        %dma_start3A_60 = tpu.memref_squeeze %dma_start3A_59 : memref<1x112xi32, #tpu.memory_space<vmem>> -> memref<112xi32, #tpu.memory_space<vmem>>
        %dma_start3A_61 = arith.constant 0 : i32
        %dma_start3A_62 = arith.constant 0 : i32
        %dma_start3A_63 = tpu.memref_slice %arg11[%dma_start3A_61, %dma_start3A_62] : memref<10240x64xf32, #tpu.memory_space<vmem_shared>> -> memref<10240x64xf32, #tpu.memory_space<vmem_shared>>
        tpu.enqueue_indirect_dma source(%dma_start3A_57 : memref<112x64xf32, #tpu.memory_space<vmem>>) target(%dma_start3A_63 : memref<10240x64xf32, #tpu.memory_space<vmem_shared>>) offsets(%dma_start3A_60 : memref<112xi32, #tpu.memory_space<vmem>>) semaphore(%run_scoped3A : memref<!tpu.dma_semaphore, #tpu.memory_space<semaphore_mem>>) {add = true}
        %dma_wait3A = arith.constant 0 : i32
        %dma_wait3A_64 = arith.constant 0 : i32
        %dma_wait3A_65 = tpu.memref_slice %arg10[%add3A_50, %dma_wait3A, %dma_wait3A_64] : memref<7x112x64xf32, #tpu.memory_space<vmem>> -> memref<1x112x64xf32, #tpu.memory_space<vmem>>
        %dma_wait3A_66 = tpu.memref_squeeze %dma_wait3A_65 : memref<1x112x64xf32, #tpu.memory_space<vmem>> -> memref<112x64xf32, #tpu.memory_space<vmem>>
        %dma_wait3A_67 = arith.constant 0 : i32
        %dma_wait3A_68 = tpu.memref_slice %arg9[%add3A_52, %dma_wait3A_67] : memref<28x112xi32, #tpu.memory_space<vmem>> -> memref<1x112xi32, #tpu.memory_space<vmem>>
        %dma_wait3A_69 = tpu.memref_squeeze %dma_wait3A_68 : memref<1x112xi32, #tpu.memory_space<vmem>> -> memref<112xi32, #tpu.memory_space<vmem>>
        %dma_wait3A_70 = arith.constant 0 : i32
        %dma_wait3A_71 = arith.constant 0 : i32
        %dma_wait3A_72 = tpu.memref_slice %arg11[%dma_wait3A_70, %dma_wait3A_71] : memref<10240x64xf32, #tpu.memory_space<vmem_shared>> -> memref<10240x64xf32, #tpu.memory_space<vmem_shared>>
        tpu.wait_indirect_dma semaphore(%run_scoped3A : memref<!tpu.dma_semaphore, #tpu.memory_space<semaphore_mem>>) src(%dma_wait3A_66 : memref<112x64xf32, #tpu.memory_space<vmem>>) dst(%dma_wait3A_72 : memref<10240x64xf32, #tpu.memory_space<vmem_shared>>)
        tpu.yield
      }) : () -> ()
      %add3A_53 = arith.constant 14 : i32
      %add3A_54 = arith.addi %add3A_53, %add3A_50 : i32
      "tpu.region"() ({
        %run_scoped3A = tpu.sem_alloc : memref<!tpu.dma_semaphore, #tpu.memory_space<semaphore_mem>>
        %dma_start3A = arith.constant 0 : i32
        %dma_start3A_55 = tpu.memref_slice %arg9[%add3A_54, %dma_start3A] : memref<28x112xi32, #tpu.memory_space<vmem>> -> memref<1x112xi32, #tpu.memory_space<vmem>>
        %dma_start3A_56 = tpu.memref_squeeze %dma_start3A_55 : memref<1x112xi32, #tpu.memory_space<vmem>> -> memref<112xi32, #tpu.memory_space<vmem>>
        %dma_start3A_57 = arith.constant 0 : i32
        %dma_start3A_58 = arith.constant 0 : i32
        %dma_start3A_59 = tpu.memref_slice %arg13[%dma_start3A_57, %dma_start3A_58] : memref<10240x16xf32, #tpu.memory_space<vmem_shared>> -> memref<10240x16xf32, #tpu.memory_space<vmem_shared>>
        tpu.enqueue_indirect_dma source(%arg12 : memref<112x16xf32, #tpu.memory_space<vmem>>) target(%dma_start3A_59 : memref<10240x16xf32, #tpu.memory_space<vmem_shared>>) offsets(%dma_start3A_56 : memref<112xi32, #tpu.memory_space<vmem>>) semaphore(%run_scoped3A : memref<!tpu.dma_semaphore, #tpu.memory_space<semaphore_mem>>) {add = true}
        %dma_wait3A = arith.constant 0 : i32
        %dma_wait3A_60 = tpu.memref_slice %arg9[%add3A_54, %dma_wait3A] : memref<28x112xi32, #tpu.memory_space<vmem>> -> memref<1x112xi32, #tpu.memory_space<vmem>>
        %dma_wait3A_61 = tpu.memref_squeeze %dma_wait3A_60 : memref<1x112xi32, #tpu.memory_space<vmem>> -> memref<112xi32, #tpu.memory_space<vmem>>
        %dma_wait3A_62 = arith.constant 0 : i32
        %dma_wait3A_63 = arith.constant 0 : i32
        %dma_wait3A_64 = tpu.memref_slice %arg13[%dma_wait3A_62, %dma_wait3A_63] : memref<10240x16xf32, #tpu.memory_space<vmem_shared>> -> memref<10240x16xf32, #tpu.memory_space<vmem_shared>>
        tpu.wait_indirect_dma semaphore(%run_scoped3A : memref<!tpu.dma_semaphore, #tpu.memory_space<semaphore_mem>>) src(%arg12 : memref<112x16xf32, #tpu.memory_space<vmem>>) dst(%dma_wait3A_64 : memref<10240x16xf32, #tpu.memory_space<vmem_shared>>)
        tpu.yield
      }) : () -> ()
    }
    %scan3A_27 = arith.constant 7 : i32
    %mul3A_28 = arith.constant 28 : i32
    %mul3A_29 = arith.muli %arg1, %mul3A_28 : i32
    %add3A_30 = arith.constant 21 : i32
    %add3A_31 = arith.addi %mul3A_29, %add3A_30 : i32
    "tpu.region"() ({
      %run_scoped3A = tpu.sem_alloc : memref<!tpu.dma_semaphore, #tpu.memory_space<semaphore_mem>>
      %dma_start3A = arith.constant 0 : i32
      %dma_start3A_46 = arith.constant 0 : i32
      %dma_start3A_47 = tpu.memref_slice %arg2[%add3A_31, %dma_start3A, %dma_start3A_46] : memref<448x112x64xf32, #tpu.memory_space<hbm>> -> memref<7x112x64xf32, #tpu.memory_space<hbm>>
      %dma_start3A_48 = arith.constant 0 : i32
      %dma_start3A_49 = arith.constant 0 : i32
      %dma_start3A_50 = tpu.memref_slice %arg2[%add3A_31, %dma_start3A_48, %dma_start3A_49] : memref<448x112x64xf32, #tpu.memory_space<hbm>> -> memref<7x112x64xf32, #tpu.memory_space<hbm>>
      tpu.enqueue_dma source(%dma_start3A_50 : memref<7x112x64xf32, #tpu.memory_space<hbm>>) target(%arg10 : memref<7x112x64xf32, #tpu.memory_space<vmem>>) target_semaphore(%run_scoped3A : memref<!tpu.dma_semaphore, #tpu.memory_space<semaphore_mem>>)
      %dma_wait3A = arith.constant 0 : i32
      %dma_wait3A_51 = arith.constant 0 : i32
      %dma_wait3A_52 = tpu.memref_slice %arg2[%add3A_31, %dma_wait3A, %dma_wait3A_51] : memref<448x112x64xf32, #tpu.memory_space<hbm>> -> memref<7x112x64xf32, #tpu.memory_space<hbm>>
      %dma_wait3A_53 = arith.constant 0 : i32
      %dma_wait3A_54 = arith.constant 0 : i32
      %dma_wait3A_55 = tpu.memref_slice %arg2[%add3A_31, %dma_wait3A_53, %dma_wait3A_54] : memref<448x112x64xf32, #tpu.memory_space<hbm>> -> memref<7x112x64xf32, #tpu.memory_space<hbm>>
      tpu.wait_dma2 semaphore(%run_scoped3A : memref<!tpu.dma_semaphore, #tpu.memory_space<semaphore_mem>>) src(%dma_wait3A_55 : memref<7x112x64xf32, #tpu.memory_space<hbm>>) dst(%arg10 : memref<7x112x64xf32, #tpu.memory_space<vmem>>)
      tpu.yield
    }) : () -> ()
    %scan3A_32 = arith.constant 0 : i32
    %scan3A_33 = arith.constant 7 : i32
    %scan3A_34 = arith.addi %scan3A_32, %scan3A_33 : i32
    %scan3A_35 = arith.constant 1 : i32
    scf.for %scan3A_46 = %scan3A_32 to %scan3A_34 step %scan3A_35  : i32 {
      %mul3A_47 = arith.constant 1 : i32
      %mul3A_48 = arith.muli %scan3A_46, %mul3A_47 : i32
      %add3A_49 = arith.constant 0 : i32
      %add3A_50 = arith.addi %add3A_49, %mul3A_48 : i32
      %add3A_51 = arith.constant 21 : i32
      %add3A_52 = arith.addi %add3A_51, %add3A_50 : i32
      "tpu.region"() ({
        %run_scoped3A = tpu.sem_alloc : memref<!tpu.dma_semaphore, #tpu.memory_space<semaphore_mem>>
        %dma_start3A = arith.constant 0 : i32
        %dma_start3A_55 = arith.constant 0 : i32
        %dma_start3A_56 = tpu.memref_slice %arg10[%add3A_50, %dma_start3A, %dma_start3A_55] : memref<7x112x64xf32, #tpu.memory_space<vmem>> -> memref<1x112x64xf32, #tpu.memory_space<vmem>>
        %dma_start3A_57 = tpu.memref_squeeze %dma_start3A_56 : memref<1x112x64xf32, #tpu.memory_space<vmem>> -> memref<112x64xf32, #tpu.memory_space<vmem>>
        %dma_start3A_58 = arith.constant 0 : i32
        %dma_start3A_59 = tpu.memref_slice %arg9[%add3A_52, %dma_start3A_58] : memref<28x112xi32, #tpu.memory_space<vmem>> -> memref<1x112xi32, #tpu.memory_space<vmem>>
        %dma_start3A_60 = tpu.memref_squeeze %dma_start3A_59 : memref<1x112xi32, #tpu.memory_space<vmem>> -> memref<112xi32, #tpu.memory_space<vmem>>
        %dma_start3A_61 = arith.constant 0 : i32
        %dma_start3A_62 = arith.constant 0 : i32
        %dma_start3A_63 = tpu.memref_slice %arg11[%dma_start3A_61, %dma_start3A_62] : memref<10240x64xf32, #tpu.memory_space<vmem_shared>> -> memref<10240x64xf32, #tpu.memory_space<vmem_shared>>
        tpu.enqueue_indirect_dma source(%dma_start3A_57 : memref<112x64xf32, #tpu.memory_space<vmem>>) target(%dma_start3A_63 : memref<10240x64xf32, #tpu.memory_space<vmem_shared>>) offsets(%dma_start3A_60 : memref<112xi32, #tpu.memory_space<vmem>>) semaphore(%run_scoped3A : memref<!tpu.dma_semaphore, #tpu.memory_space<semaphore_mem>>) {add = true}
        %dma_wait3A = arith.constant 0 : i32
        %dma_wait3A_64 = arith.constant 0 : i32
        %dma_wait3A_65 = tpu.memref_slice %arg10[%add3A_50, %dma_wait3A, %dma_wait3A_64] : memref<7x112x64xf32, #tpu.memory_space<vmem>> -> memref<1x112x64xf32, #tpu.memory_space<vmem>>
        %dma_wait3A_66 = tpu.memref_squeeze %dma_wait3A_65 : memref<1x112x64xf32, #tpu.memory_space<vmem>> -> memref<112x64xf32, #tpu.memory_space<vmem>>
        %dma_wait3A_67 = arith.constant 0 : i32
        %dma_wait3A_68 = tpu.memref_slice %arg9[%add3A_52, %dma_wait3A_67] : memref<28x112xi32, #tpu.memory_space<vmem>> -> memref<1x112xi32, #tpu.memory_space<vmem>>
        %dma_wait3A_69 = tpu.memref_squeeze %dma_wait3A_68 : memref<1x112xi32, #tpu.memory_space<vmem>> -> memref<112xi32, #tpu.memory_space<vmem>>
        %dma_wait3A_70 = arith.constant 0 : i32
        %dma_wait3A_71 = arith.constant 0 : i32
        %dma_wait3A_72 = tpu.memref_slice %arg11[%dma_wait3A_70, %dma_wait3A_71] : memref<10240x64xf32, #tpu.memory_space<vmem_shared>> -> memref<10240x64xf32, #tpu.memory_space<vmem_shared>>
        tpu.wait_indirect_dma semaphore(%run_scoped3A : memref<!tpu.dma_semaphore, #tpu.memory_space<semaphore_mem>>) src(%dma_wait3A_66 : memref<112x64xf32, #tpu.memory_space<vmem>>) dst(%dma_wait3A_72 : memref<10240x64xf32, #tpu.memory_space<vmem_shared>>)
        tpu.yield
      }) : () -> ()
      %add3A_53 = arith.constant 21 : i32
      %add3A_54 = arith.addi %add3A_53, %add3A_50 : i32
      "tpu.region"() ({
        %run_scoped3A = tpu.sem_alloc : memref<!tpu.dma_semaphore, #tpu.memory_space<semaphore_mem>>
        %dma_start3A = arith.constant 0 : i32
        %dma_start3A_55 = tpu.memref_slice %arg9[%add3A_54, %dma_start3A] : memref<28x112xi32, #tpu.memory_space<vmem>> -> memref<1x112xi32, #tpu.memory_space<vmem>>
        %dma_start3A_56 = tpu.memref_squeeze %dma_start3A_55 : memref<1x112xi32, #tpu.memory_space<vmem>> -> memref<112xi32, #tpu.memory_space<vmem>>
        %dma_start3A_57 = arith.constant 0 : i32
        %dma_start3A_58 = arith.constant 0 : i32
        %dma_start3A_59 = tpu.memref_slice %arg13[%dma_start3A_57, %dma_start3A_58] : memref<10240x16xf32, #tpu.memory_space<vmem_shared>> -> memref<10240x16xf32, #tpu.memory_space<vmem_shared>>
        tpu.enqueue_indirect_dma source(%arg12 : memref<112x16xf32, #tpu.memory_space<vmem>>) target(%dma_start3A_59 : memref<10240x16xf32, #tpu.memory_space<vmem_shared>>) offsets(%dma_start3A_56 : memref<112xi32, #tpu.memory_space<vmem>>) semaphore(%run_scoped3A : memref<!tpu.dma_semaphore, #tpu.memory_space<semaphore_mem>>) {add = true}
        %dma_wait3A = arith.constant 0 : i32
        %dma_wait3A_60 = tpu.memref_slice %arg9[%add3A_54, %dma_wait3A] : memref<28x112xi32, #tpu.memory_space<vmem>> -> memref<1x112xi32, #tpu.memory_space<vmem>>
        %dma_wait3A_61 = tpu.memref_squeeze %dma_wait3A_60 : memref<1x112xi32, #tpu.memory_space<vmem>> -> memref<112xi32, #tpu.memory_space<vmem>>
        %dma_wait3A_62 = arith.constant 0 : i32
        %dma_wait3A_63 = arith.constant 0 : i32
        %dma_wait3A_64 = tpu.memref_slice %arg13[%dma_wait3A_62, %dma_wait3A_63] : memref<10240x16xf32, #tpu.memory_space<vmem_shared>> -> memref<10240x16xf32, #tpu.memory_space<vmem_shared>>
        tpu.wait_indirect_dma semaphore(%run_scoped3A : memref<!tpu.dma_semaphore, #tpu.memory_space<semaphore_mem>>) src(%arg12 : memref<112x16xf32, #tpu.memory_space<vmem>>) dst(%dma_wait3A_64 : memref<10240x16xf32, #tpu.memory_space<vmem_shared>>)
        tpu.yield
      }) : () -> ()
    }
    %scan3A_36 = arith.constant 7 : i32
    %barrier3A_37 = arith.constant 0 : index
    tpu.barrier barrier_id(%barrier3A_37)
    %mul3A_38 = arith.constant 640 : i32
    %mul3A_39 = arith.muli %arg1, %mul3A_38 : i32
    %mul3A_40 = arith.constant 640 : i32
    %mul3A_41 = arith.muli %arg1, %mul3A_40 : i32
    "tpu.region"() ({
      %run_scoped3A = tpu.sem_alloc : memref<!tpu.dma_semaphore, #tpu.memory_space<semaphore_mem>>
      %dma_start3A = arith.constant 0 : i32
      %dma_start3A_46 = tpu.memref_slice %arg7[%mul3A_41, %dma_start3A] : memref<10240x64xf32, #tpu.memory_space<hbm>> -> memref<640x64xf32, #tpu.memory_space<hbm>>
      %dma_start3A_47 = arith.constant 0 : i32
      %dma_start3A_48 = tpu.memref_slice %arg11[%mul3A_39, %dma_start3A_47] : memref<10240x64xf32, #tpu.memory_space<vmem_shared>> -> memref<640x64xf32, #tpu.memory_space<vmem_shared>>
      tpu.enqueue_dma source(%dma_start3A_48 : memref<640x64xf32, #tpu.memory_space<vmem_shared>>) target(%dma_start3A_46 : memref<640x64xf32, #tpu.memory_space<hbm>>) target_semaphore(%run_scoped3A : memref<!tpu.dma_semaphore, #tpu.memory_space<semaphore_mem>>)
      %dma_wait3A = arith.constant 0 : i32
      %dma_wait3A_49 = tpu.memref_slice %arg7[%mul3A_41, %dma_wait3A] : memref<10240x64xf32, #tpu.memory_space<hbm>> -> memref<640x64xf32, #tpu.memory_space<hbm>>
      %dma_wait3A_50 = arith.constant 0 : i32
      %dma_wait3A_51 = tpu.memref_slice %arg11[%mul3A_39, %dma_wait3A_50] : memref<10240x64xf32, #tpu.memory_space<vmem_shared>> -> memref<640x64xf32, #tpu.memory_space<vmem_shared>>
      tpu.wait_dma2 semaphore(%run_scoped3A : memref<!tpu.dma_semaphore, #tpu.memory_space<semaphore_mem>>) src(%dma_wait3A_51 : memref<640x64xf32, #tpu.memory_space<vmem_shared>>) dst(%dma_wait3A_49 : memref<640x64xf32, #tpu.memory_space<hbm>>)
      tpu.yield
    }) : () -> ()
    %mul3A_42 = arith.constant 640 : i32
    %mul3A_43 = arith.muli %arg1, %mul3A_42 : i32
    %mul3A_44 = arith.constant 640 : i32
    %mul3A_45 = arith.muli %arg1, %mul3A_44 : i32
    "tpu.region"() ({
      %run_scoped3A = tpu.sem_alloc : memref<!tpu.dma_semaphore, #tpu.memory_space<semaphore_mem>>
      %dma_start3A = arith.constant 0 : i32
      %dma_start3A_46 = tpu.memref_slice %arg8[%mul3A_45, %dma_start3A] : memref<10240x16xf32, #tpu.memory_space<hbm>> -> memref<640x16xf32, #tpu.memory_space<hbm>>
      %dma_start3A_47 = arith.constant 0 : i32
      %dma_start3A_48 = tpu.memref_slice %arg13[%mul3A_43, %dma_start3A_47] : memref<10240x16xf32, #tpu.memory_space<vmem_shared>> -> memref<640x16xf32, #tpu.memory_space<vmem_shared>>
      tpu.enqueue_dma source(%dma_start3A_48 : memref<640x16xf32, #tpu.memory_space<vmem_shared>>) target(%dma_start3A_46 : memref<640x16xf32, #tpu.memory_space<hbm>>) target_semaphore(%run_scoped3A : memref<!tpu.dma_semaphore, #tpu.memory_space<semaphore_mem>>)
      %dma_wait3A = arith.constant 0 : i32
      %dma_wait3A_49 = tpu.memref_slice %arg8[%mul3A_45, %dma_wait3A] : memref<10240x16xf32, #tpu.memory_space<hbm>> -> memref<640x16xf32, #tpu.memory_space<hbm>>
      %dma_wait3A_50 = arith.constant 0 : i32
      %dma_wait3A_51 = tpu.memref_slice %arg13[%mul3A_43, %dma_wait3A_50] : memref<10240x16xf32, #tpu.memory_space<vmem_shared>> -> memref<640x16xf32, #tpu.memory_space<vmem_shared>>
      tpu.wait_dma2 semaphore(%run_scoped3A : memref<!tpu.dma_semaphore, #tpu.memory_space<semaphore_mem>>) src(%dma_wait3A_51 : memref<640x16xf32, #tpu.memory_space<vmem_shared>>) dst(%dma_wait3A_49 : memref<640x16xf32, #tpu.memory_space<hbm>>)
      tpu.yield
    }) : () -> ()
    return
  }
}

module attributes {stable_mosaic.version = 14 : i64} {
  func.func @_edge_body(%arg0: i32, %arg1: memref<32x1024xf32, #tpu.memory_space<vmem>>, %arg2: memref<1024x32xf32, #tpu.memory_space<vmem>>, %arg3: memref<64x32xf32, #tpu.memory_space<vmem>>, %arg4: memref<64x1xf32, #tpu.memory_space<vmem>>, %arg5: memref<64x2048xf32, #tpu.memory_space<vmem>>, %arg6: memref<64x32xf32, #tpu.memory_space<vmem>>, %arg7: memref<1024x64xf32, #tpu.memory_space<vmem>>) attributes {dimension_semantics = [#tpu.dimension_semantics<arbitrary>], iteration_bounds = array<i64: 49>, scalar_prefetch = 0 : i64, scratch_operands = 0 : i64, tpu.core_type = #tpu.core_type<tc>, window_params = [{transform_indices = @transform_0, window_bounds = array<i64: 32, 1024>}, {transform_indices = @transform_1, window_bounds = array<i64: 1024, 32>}, {pipeline_mode = #tpu.pipeline_mode<synchronous>, transform_indices = @transform_2, window_bounds = array<i64: 64, 32>}, {pipeline_mode = #tpu.pipeline_mode<synchronous>, transform_indices = @transform_3, window_bounds = array<i64: 64, 1>}, {pipeline_mode = #tpu.pipeline_mode<synchronous>, transform_indices = @transform_4, window_bounds = array<i64: 64, 2048>}, {pipeline_mode = #tpu.pipeline_mode<synchronous>, transform_indices = @transform_5, window_bounds = array<i64: 64, 32>}, {transform_indices = @transform_6, window_bounds = array<i64: 1024, 64>}]} {
    %get3A = arith.constant 0 : index
    %get3A_0 = arith.constant 0 : index
    %get3A_1 = vector.load %arg1[%get3A, %get3A_0] : memref<32x1024xf32, #tpu.memory_space<vmem>>, vector<32x1024xf32>
    %get3A_2 = arith.constant 0 : index
    %get3A_3 = arith.constant 0 : index
    %get3A_4 = vector.load %arg2[%get3A_2, %get3A_3] : memref<1024x32xf32, #tpu.memory_space<vmem>>, vector<1024x32xf32>
    %transpose3A = tpu.transpose %get3A_4, [1, 0] : vector<1024x32xf32> -> vector<32x1024xf32>
    %get3A_5 = arith.constant 0 : index
    %get3A_6 = arith.constant 0 : index
    %get3A_7 = vector.load %arg3[%get3A_5, %get3A_6] : memref<64x32xf32, #tpu.memory_space<vmem>>, vector<64x32xf32>
    %dot_general3A = arith.constant dense<0.000000e+00> : vector<64x1024xf32>
    %dot_general3A_8 = tpu.matmul %get3A_7, %get3A_1, %dot_general3A {dimension_numbers = #tpu.dot_dimension_numbers<[1], [0], [0], [1], [0, 0, 1, 1], [], []>, transpose_lhs_hint = false} : vector<64x32xf32>, vector<32x1024xf32>, vector<64x1024xf32> -> vector<64x1024xf32>
    %get3A_9 = arith.constant 0 : index
    %get3A_10 = arith.constant 0 : index
    %get3A_11 = vector.load %arg4[%get3A_9, %get3A_10] : memref<64x1xf32, #tpu.memory_space<vmem>>, vector<64x1xf32>
    %add3A = vector.broadcast %get3A_11 : vector<64x1xf32> to vector<64x1024xf32>
    %add3A_12 = arith.addf %dot_general3A_8, %add3A : vector<64x1024xf32>
    %max3A = arith.constant 0.000000e+00 : f32
    %max3A_13 = vector.broadcast %max3A : f32 to vector<64x1024xf32>
    %max3A_14 = arith.maximumf %add3A_12, %max3A_13 : vector<64x1024xf32>
    %broadcast_in_dim3A = vector.shape_cast %max3A_14 : vector<64x1024xf32> to vector<64x1x1024xf32>
    %broadcast_in_dim3A_15 = vector.shape_cast %transpose3A : vector<32x1024xf32> to vector<1x32x1024xf32>
    %mul3A = vector.broadcast %broadcast_in_dim3A : vector<64x1x1024xf32> to vector<64x32x1024xf32>
    %mul3A_16 = vector.broadcast %broadcast_in_dim3A_15 : vector<1x32x1024xf32> to vector<64x32x1024xf32>
    %mul3A_17 = arith.mulf %mul3A, %mul3A_16 : vector<64x32x1024xf32>
    %reshape3A = vector.shape_cast %mul3A_17 : vector<64x32x1024xf32> to vector<2048x1024xf32>
    %get3A_18 = arith.constant 0 : index
    %get3A_19 = arith.constant 0 : index
    %get3A_20 = vector.load %arg5[%get3A_18, %get3A_19] : memref<64x2048xf32, #tpu.memory_space<vmem>>, vector<64x2048xf32>
    %dot_general3A_21 = arith.constant dense<0.000000e+00> : vector<64x1024xf32>
    %dot_general3A_22 = tpu.matmul %get3A_20, %reshape3A, %dot_general3A_21 {dimension_numbers = #tpu.dot_dimension_numbers<[1], [0], [0], [1], [0, 0, 1, 1], [], []>, transpose_lhs_hint = false} : vector<64x2048xf32>, vector<2048x1024xf32>, vector<64x1024xf32> -> vector<64x1024xf32>
    %get3A_23 = arith.constant 0 : index
    %get3A_24 = arith.constant 0 : index
    %get3A_25 = vector.load %arg6[%get3A_23, %get3A_24] : memref<64x32xf32, #tpu.memory_space<vmem>>, vector<64x32xf32>
    %dot_general3A_26 = arith.constant dense<0.000000e+00> : vector<64x1024xf32>
    %dot_general3A_27 = tpu.matmul %get3A_25, %transpose3A, %dot_general3A_26 {dimension_numbers = #tpu.dot_dimension_numbers<[1], [0], [0], [1], [0, 0, 1, 1], [], []>, transpose_lhs_hint = false} : vector<64x32xf32>, vector<32x1024xf32>, vector<64x1024xf32> -> vector<64x1024xf32>
    %add3A_28 = arith.addf %dot_general3A_22, %dot_general3A_27 : vector<64x1024xf32>
    %transpose3A_29 = tpu.transpose %add3A_28, [1, 0] : vector<64x1024xf32> -> vector<1024x64xf32>
    %swap3A = arith.constant 0 : index
    %swap3A_30 = arith.constant 0 : index
    %swap3A_31 = vector.load %arg7[%swap3A, %swap3A_30] : memref<1024x64xf32, #tpu.memory_space<vmem>>, vector<1024x64xf32>
    tpu.vector_store %arg7[%swap3A, %swap3A_30], %transpose3A_29 {strides = array<i32>} : memref<1024x64xf32, #tpu.memory_space<vmem>>, vector<1024x64xf32>,
    return
  }
  func.func @transform_0(%arg0: i32) -> (i32, i32) {
    %c0_i32 = arith.constant 0 : i32
    %c0_i32_0 = arith.constant 0 : i32
    return %c0_i32, %arg0 : i32, i32
  }
  func.func @transform_1(%arg0: i32) -> (i32, i32) {
    %c0_i32 = arith.constant 0 : i32
    %c0_i32_0 = arith.constant 0 : i32
    return %arg0, %c0_i32 : i32, i32
  }
  func.func @transform_2(%arg0: i32) -> (i32, i32) {
    %c0_i32 = arith.constant 0 : i32
    %c0_i32_0 = arith.constant 0 : i32
    %c0_i32_1 = arith.constant 0 : i32
    return %c0_i32, %c0_i32_0 : i32, i32
  }
  func.func @transform_3(%arg0: i32) -> (i32, i32) {
    %c0_i32 = arith.constant 0 : i32
    %c0_i32_0 = arith.constant 0 : i32
    %c0_i32_1 = arith.constant 0 : i32
    return %c0_i32, %c0_i32_0 : i32, i32
  }
  func.func @transform_4(%arg0: i32) -> (i32, i32) {
    %c0_i32 = arith.constant 0 : i32
    %c0_i32_0 = arith.constant 0 : i32
    %c0_i32_1 = arith.constant 0 : i32
    return %c0_i32, %c0_i32_0 : i32, i32
  }
  func.func @transform_5(%arg0: i32) -> (i32, i32) {
    %c0_i32 = arith.constant 0 : i32
    %c0_i32_0 = arith.constant 0 : i32
    %c0_i32_1 = arith.constant 0 : i32
    return %c0_i32, %c0_i32_0 : i32, i32
  }
  func.func @transform_6(%arg0: i32) -> (i32, i32) {
    %c0_i32 = arith.constant 0 : i32
    %c0_i32_0 = arith.constant 0 : i32
    return %arg0, %c0_i32 : i32, i32
  }
}

module attributes {stable_mosaic.version = 14 : i64} {
  func.func @_node1_body(%arg0: i32, %arg1: memref<1000x64xf32, #tpu.memory_space<vmem>>, %arg2: memref<1000x16xf32, #tpu.memory_space<vmem>>, %arg3: memref<1000x32xf32, #tpu.memory_space<vmem>>, %arg4: memref<32x64xf32, #tpu.memory_space<vmem>>, %arg5: memref<1x64xf32, #tpu.memory_space<vmem>>, %arg6: memref<1000x64xf32, #tpu.memory_space<vmem>>) attributes {dimension_semantics = [#tpu.dimension_semantics<arbitrary>], iteration_bounds = array<i64: 10>, scalar_prefetch = 0 : i64, scratch_operands = 0 : i64, tpu.core_type = #tpu.core_type<tc>, window_params = [{transform_indices = @transform_0, window_bounds = array<i64: 1000, 64>}, {transform_indices = @transform_1, window_bounds = array<i64: 1000, 16>}, {transform_indices = @transform_2, window_bounds = array<i64: 1000, 32>}, {pipeline_mode = #tpu.pipeline_mode<synchronous>, transform_indices = @transform_3, window_bounds = array<i64: 32, 64>}, {pipeline_mode = #tpu.pipeline_mode<synchronous>, transform_indices = @transform_4, window_bounds = array<i64: 1, 64>}, {transform_indices = @transform_5, window_bounds = array<i64: 1000, 64>}]} {
    %get3A = arith.constant 0 : index
    %get3A_0 = arith.constant 0 : index
    %get3A_1 = vector.load %arg2[%get3A, %get3A_0] : memref<1000x16xf32, #tpu.memory_space<vmem>>, vector<1000x16xf32>
    %reduce_max3A = arith.constant dense<0xFF800000> : vector<1000xf32>
    %reduce_max3A_2 = vector.multi_reduction <maximumf>, %get3A_1, %reduce_max3A [1] : vector<1000x16xf32> to vector<1000xf32>
    %broadcast_in_dim3A = vector.shape_cast %reduce_max3A_2 : vector<1000xf32> to vector<1000x1xf32>
    %get3A_3 = arith.constant 0 : index
    %get3A_4 = arith.constant 0 : index
    %get3A_5 = vector.load %arg1[%get3A_3, %get3A_4] : memref<1000x64xf32, #tpu.memory_space<vmem>>, vector<1000x64xf32>
    %max3A = arith.constant 1.000000e+00 : f32
    %max3A_6 = vector.broadcast %max3A : f32 to vector<1000x1xf32>
    %max3A_7 = arith.maximumf %broadcast_in_dim3A, %max3A_6 : vector<1000x1xf32>
    %div3A = vector.broadcast %max3A_7 : vector<1000x1xf32> to vector<1000x64xf32>
    %div3A_8 = arith.divf %get3A_5, %div3A : vector<1000x64xf32>
    %get3A_9 = arith.constant 0 : index
    %get3A_10 = arith.constant 0 : index
    %get3A_11 = vector.load %arg3[%get3A_9, %get3A_10] : memref<1000x32xf32, #tpu.memory_space<vmem>>, vector<1000x32xf32>
    %get3A_12 = arith.constant 0 : index
    %get3A_13 = arith.constant 0 : index
    %get3A_14 = vector.load %arg4[%get3A_12, %get3A_13] : memref<32x64xf32, #tpu.memory_space<vmem>>, vector<32x64xf32>
    %dot_general3A = arith.constant dense<0.000000e+00> : vector<1000x64xf32>
    %dot_general3A_15 = tpu.matmul %get3A_11, %get3A_14, %dot_general3A {dimension_numbers = #tpu.dot_dimension_numbers<[1], [0], [0], [1], [0, 0, 1, 1], [], []>, transpose_lhs_hint = false} : vector<1000x32xf32>, vector<32x64xf32>, vector<1000x64xf32> -> vector<1000x64xf32>
    %add3A = arith.addf %div3A_8, %dot_general3A_15 : vector<1000x64xf32>
    %get3A_16 = arith.constant 0 : index
    %get3A_17 = arith.constant 0 : index
    %get3A_18 = vector.load %arg5[%get3A_16, %get3A_17] : memref<1x64xf32, #tpu.memory_space<vmem>>, vector<1x64xf32>
    %add3A_19 = vector.broadcast %get3A_18 : vector<1x64xf32> to vector<1000x64xf32>
    %add3A_20 = arith.addf %add3A, %add3A_19 : vector<1000x64xf32>
    %gt3A = arith.constant 0.000000e+00 : f32
    %gt3A_21 = vector.broadcast %gt3A : f32 to vector<1000x64xf32>
    %gt3A_22 = arith.cmpf ogt, %add3A_20, %gt3A_21 : vector<1000x64xf32>
    %min3A = arith.constant 0.000000e+00 : f32
    %min3A_23 = vector.broadcast %min3A : f32 to vector<1000x64xf32>
    %min3A_24 = arith.minimumf %add3A_20, %min3A_23 : vector<1000x64xf32>
    %exp3A = math.exp %min3A_24 : vector<1000x64xf32>
    %sub3A = arith.constant 1.000000e+00 : f32
    %sub3A_25 = vector.broadcast %sub3A : f32 to vector<1000x64xf32>
    %sub3A_26 = arith.subf %exp3A, %sub3A_25 : vector<1000x64xf32>
    %select_n3A = arith.select %gt3A_22, %add3A_20, %sub3A_26 : vector<1000x64xi1>, vector<1000x64xf32>
    %swap3A = arith.constant 0 : index
    %swap3A_27 = arith.constant 0 : index
    %swap3A_28 = vector.load %arg6[%swap3A, %swap3A_27] : memref<1000x64xf32, #tpu.memory_space<vmem>>, vector<1000x64xf32>
    tpu.vector_store %arg6[%swap3A, %swap3A_27], %select_n3A {strides = array<i32>} : memref<1000x64xf32, #tpu.memory_space<vmem>>, vector<1000x64xf32>,
    return
  }
  func.func @transform_0(%arg0: i32) -> (i32, i32) {
    %c0_i32 = arith.constant 0 : i32
    %c0_i32_0 = arith.constant 0 : i32
    return %arg0, %c0_i32 : i32, i32
  }
  func.func @transform_1(%arg0: i32) -> (i32, i32) {
    %c0_i32 = arith.constant 0 : i32
    %c0_i32_0 = arith.constant 0 : i32
    return %arg0, %c0_i32 : i32, i32
  }
  func.func @transform_2(%arg0: i32) -> (i32, i32) {
    %c0_i32 = arith.constant 0 : i32
    %c0_i32_0 = arith.constant 0 : i32
    return %arg0, %c0_i32 : i32, i32
  }
  func.func @transform_3(%arg0: i32) -> (i32, i32) {
    %c0_i32 = arith.constant 0 : i32
    %c0_i32_0 = arith.constant 0 : i32
    %c0_i32_1 = arith.constant 0 : i32
    return %c0_i32, %c0_i32_0 : i32, i32
  }
  func.func @transform_4(%arg0: i32) -> (i32, i32) {
    %c0_i32 = arith.constant 0 : i32
    %c0_i32_0 = arith.constant 0 : i32
    %c0_i32_1 = arith.constant 0 : i32
    return %c0_i32, %c0_i32_0 : i32, i32
  }
  func.func @transform_5(%arg0: i32) -> (i32, i32) {
    %c0_i32 = arith.constant 0 : i32
    %c0_i32_0 = arith.constant 0 : i32
    return %arg0, %c0_i32 : i32, i32
  }
}

module attributes {stable_mosaic.version = 14 : i64} {
  func.func @_edge_body(%arg0: i32, %arg1: memref<32x1024xf32, #tpu.memory_space<vmem>>, %arg2: memref<1024x64xf32, #tpu.memory_space<vmem>>, %arg3: memref<64x32xf32, #tpu.memory_space<vmem>>, %arg4: memref<64x1xf32, #tpu.memory_space<vmem>>, %arg5: memref<64x4096xf32, #tpu.memory_space<vmem>>, %arg6: memref<64x64xf32, #tpu.memory_space<vmem>>, %arg7: memref<1024x64xf32, #tpu.memory_space<vmem>>) attributes {dimension_semantics = [#tpu.dimension_semantics<arbitrary>], iteration_bounds = array<i64: 49>, scalar_prefetch = 0 : i64, scratch_operands = 0 : i64, tpu.core_type = #tpu.core_type<tc>, window_params = [{transform_indices = @transform_0, window_bounds = array<i64: 32, 1024>}, {transform_indices = @transform_1, window_bounds = array<i64: 1024, 64>}, {pipeline_mode = #tpu.pipeline_mode<synchronous>, transform_indices = @transform_2, window_bounds = array<i64: 64, 32>}, {pipeline_mode = #tpu.pipeline_mode<synchronous>, transform_indices = @transform_3, window_bounds = array<i64: 64, 1>}, {pipeline_mode = #tpu.pipeline_mode<synchronous>, transform_indices = @transform_4, window_bounds = array<i64: 64, 4096>}, {pipeline_mode = #tpu.pipeline_mode<synchronous>, transform_indices = @transform_5, window_bounds = array<i64: 64, 64>}, {transform_indices = @transform_6, window_bounds = array<i64: 1024, 64>}]} {
    %get3A = arith.constant 0 : index
    %get3A_0 = arith.constant 0 : index
    %get3A_1 = vector.load %arg1[%get3A, %get3A_0] : memref<32x1024xf32, #tpu.memory_space<vmem>>, vector<32x1024xf32>
    %get3A_2 = arith.constant 0 : index
    %get3A_3 = arith.constant 0 : index
    %get3A_4 = vector.load %arg2[%get3A_2, %get3A_3] : memref<1024x64xf32, #tpu.memory_space<vmem>>, vector<1024x64xf32>
    %transpose3A = tpu.transpose %get3A_4, [1, 0] : vector<1024x64xf32> -> vector<64x1024xf32>
    %get3A_5 = arith.constant 0 : index
    %get3A_6 = arith.constant 0 : index
    %get3A_7 = vector.load %arg3[%get3A_5, %get3A_6] : memref<64x32xf32, #tpu.memory_space<vmem>>, vector<64x32xf32>
    %dot_general3A = arith.constant dense<0.000000e+00> : vector<64x1024xf32>
    %dot_general3A_8 = tpu.matmul %get3A_7, %get3A_1, %dot_general3A {dimension_numbers = #tpu.dot_dimension_numbers<[1], [0], [0], [1], [0, 0, 1, 1], [], []>, transpose_lhs_hint = false} : vector<64x32xf32>, vector<32x1024xf32>, vector<64x1024xf32> -> vector<64x1024xf32>
    %get3A_9 = arith.constant 0 : index
    %get3A_10 = arith.constant 0 : index
    %get3A_11 = vector.load %arg4[%get3A_9, %get3A_10] : memref<64x1xf32, #tpu.memory_space<vmem>>, vector<64x1xf32>
    %add3A = vector.broadcast %get3A_11 : vector<64x1xf32> to vector<64x1024xf32>
    %add3A_12 = arith.addf %dot_general3A_8, %add3A : vector<64x1024xf32>
    %max3A = arith.constant 0.000000e+00 : f32
    %max3A_13 = vector.broadcast %max3A : f32 to vector<64x1024xf32>
    %max3A_14 = arith.maximumf %add3A_12, %max3A_13 : vector<64x1024xf32>
    %broadcast_in_dim3A = vector.shape_cast %max3A_14 : vector<64x1024xf32> to vector<64x1x1024xf32>
    %broadcast_in_dim3A_15 = vector.shape_cast %transpose3A : vector<64x1024xf32> to vector<1x64x1024xf32>
    %mul3A = vector.broadcast %broadcast_in_dim3A : vector<64x1x1024xf32> to vector<64x64x1024xf32>
    %mul3A_16 = vector.broadcast %broadcast_in_dim3A_15 : vector<1x64x1024xf32> to vector<64x64x1024xf32>
    %mul3A_17 = arith.mulf %mul3A, %mul3A_16 : vector<64x64x1024xf32>
    %reshape3A = vector.shape_cast %mul3A_17 : vector<64x64x1024xf32> to vector<4096x1024xf32>
    %get3A_18 = arith.constant 0 : index
    %get3A_19 = arith.constant 0 : index
    %get3A_20 = vector.load %arg5[%get3A_18, %get3A_19] : memref<64x4096xf32, #tpu.memory_space<vmem>>, vector<64x4096xf32>
    %dot_general3A_21 = arith.constant dense<0.000000e+00> : vector<64x1024xf32>
    %dot_general3A_22 = tpu.matmul %get3A_20, %reshape3A, %dot_general3A_21 {dimension_numbers = #tpu.dot_dimension_numbers<[1], [0], [0], [1], [0, 0, 1, 1], [], []>, transpose_lhs_hint = false} : vector<64x4096xf32>, vector<4096x1024xf32>, vector<64x1024xf32> -> vector<64x1024xf32>
    %get3A_23 = arith.constant 0 : index
    %get3A_24 = arith.constant 0 : index
    %get3A_25 = vector.load %arg6[%get3A_23, %get3A_24] : memref<64x64xf32, #tpu.memory_space<vmem>>, vector<64x64xf32>
    %dot_general3A_26 = arith.constant dense<0.000000e+00> : vector<64x1024xf32>
    %dot_general3A_27 = tpu.matmul %get3A_25, %transpose3A, %dot_general3A_26 {dimension_numbers = #tpu.dot_dimension_numbers<[1], [0], [0], [1], [0, 0, 1, 1], [], []>, transpose_lhs_hint = false} : vector<64x64xf32>, vector<64x1024xf32>, vector<64x1024xf32> -> vector<64x1024xf32>
    %add3A_28 = arith.addf %dot_general3A_22, %dot_general3A_27 : vector<64x1024xf32>
    %transpose3A_29 = tpu.transpose %add3A_28, [1, 0] : vector<64x1024xf32> -> vector<1024x64xf32>
    %swap3A = arith.constant 0 : index
    %swap3A_30 = arith.constant 0 : index
    %swap3A_31 = vector.load %arg7[%swap3A, %swap3A_30] : memref<1024x64xf32, #tpu.memory_space<vmem>>, vector<1024x64xf32>
    tpu.vector_store %arg7[%swap3A, %swap3A_30], %transpose3A_29 {strides = array<i32>} : memref<1024x64xf32, #tpu.memory_space<vmem>>, vector<1024x64xf32>,
    return
  }
  func.func @transform_0(%arg0: i32) -> (i32, i32) {
    %c0_i32 = arith.constant 0 : i32
    %c0_i32_0 = arith.constant 0 : i32
    return %c0_i32, %arg0 : i32, i32
  }
  func.func @transform_1(%arg0: i32) -> (i32, i32) {
    %c0_i32 = arith.constant 0 : i32
    %c0_i32_0 = arith.constant 0 : i32
    return %arg0, %c0_i32 : i32, i32
  }
  func.func @transform_2(%arg0: i32) -> (i32, i32) {
    %c0_i32 = arith.constant 0 : i32
    %c0_i32_0 = arith.constant 0 : i32
    %c0_i32_1 = arith.constant 0 : i32
    return %c0_i32, %c0_i32_0 : i32, i32
  }
  func.func @transform_3(%arg0: i32) -> (i32, i32) {
    %c0_i32 = arith.constant 0 : i32
    %c0_i32_0 = arith.constant 0 : i32
    %c0_i32_1 = arith.constant 0 : i32
    return %c0_i32, %c0_i32_0 : i32, i32
  }
  func.func @transform_4(%arg0: i32) -> (i32, i32) {
    %c0_i32 = arith.constant 0 : i32
    %c0_i32_0 = arith.constant 0 : i32
    %c0_i32_1 = arith.constant 0 : i32
    return %c0_i32, %c0_i32_0 : i32, i32
  }
  func.func @transform_5(%arg0: i32) -> (i32, i32) {
    %c0_i32 = arith.constant 0 : i32
    %c0_i32_0 = arith.constant 0 : i32
    %c0_i32_1 = arith.constant 0 : i32
    return %c0_i32, %c0_i32_0 : i32, i32
  }
  func.func @transform_6(%arg0: i32) -> (i32, i32) {
    %c0_i32 = arith.constant 0 : i32
    %c0_i32_0 = arith.constant 0 : i32
    return %arg0, %c0_i32 : i32, i32
  }
}

module attributes {stable_mosaic.version = 14 : i64} {
  func.func @_node2_body(%arg0: i32, %arg1: memref<1000x64xf32, #tpu.memory_space<vmem>>, %arg2: memref<1000x16xf32, #tpu.memory_space<vmem>>, %arg3: memref<1000x64xf32, #tpu.memory_space<vmem>>, %arg4: memref<64x64xf32, #tpu.memory_space<vmem>>, %arg5: memref<1x64xf32, #tpu.memory_space<vmem>>, %arg6: memref<64x128xf32, #tpu.memory_space<vmem>>, %arg7: memref<1x128xf32, #tpu.memory_space<vmem>>, %arg8: memref<1000x128xf32, #tpu.memory_space<vmem>>) attributes {dimension_semantics = [#tpu.dimension_semantics<arbitrary>], iteration_bounds = array<i64: 10>, scalar_prefetch = 0 : i64, scratch_operands = 0 : i64, tpu.core_type = #tpu.core_type<tc>, window_params = [{transform_indices = @transform_0, window_bounds = array<i64: 1000, 64>}, {transform_indices = @transform_1, window_bounds = array<i64: 1000, 16>}, {transform_indices = @transform_2, window_bounds = array<i64: 1000, 64>}, {pipeline_mode = #tpu.pipeline_mode<synchronous>, transform_indices = @transform_3, window_bounds = array<i64: 64, 64>}, {pipeline_mode = #tpu.pipeline_mode<synchronous>, transform_indices = @transform_4, window_bounds = array<i64: 1, 64>}, {pipeline_mode = #tpu.pipeline_mode<synchronous>, transform_indices = @transform_5, window_bounds = array<i64: 64, 128>}, {pipeline_mode = #tpu.pipeline_mode<synchronous>, transform_indices = @transform_6, window_bounds = array<i64: 1, 128>}, {transform_indices = @transform_7, window_bounds = array<i64: 1000, 128>}]} {
    %get3A = arith.constant 0 : index
    %get3A_0 = arith.constant 0 : index
    %get3A_1 = vector.load %arg2[%get3A, %get3A_0] : memref<1000x16xf32, #tpu.memory_space<vmem>>, vector<1000x16xf32>
    %reduce_max3A = arith.constant dense<0xFF800000> : vector<1000xf32>
    %reduce_max3A_2 = vector.multi_reduction <maximumf>, %get3A_1, %reduce_max3A [1] : vector<1000x16xf32> to vector<1000xf32>
    %broadcast_in_dim3A = vector.shape_cast %reduce_max3A_2 : vector<1000xf32> to vector<1000x1xf32>
    %get3A_3 = arith.constant 0 : index
    %get3A_4 = arith.constant 0 : index
    %get3A_5 = vector.load %arg1[%get3A_3, %get3A_4] : memref<1000x64xf32, #tpu.memory_space<vmem>>, vector<1000x64xf32>
    %max3A = arith.constant 1.000000e+00 : f32
    %max3A_6 = vector.broadcast %max3A : f32 to vector<1000x1xf32>
    %max3A_7 = arith.maximumf %broadcast_in_dim3A, %max3A_6 : vector<1000x1xf32>
    %div3A = vector.broadcast %max3A_7 : vector<1000x1xf32> to vector<1000x64xf32>
    %div3A_8 = arith.divf %get3A_5, %div3A : vector<1000x64xf32>
    %get3A_9 = arith.constant 0 : index
    %get3A_10 = arith.constant 0 : index
    %get3A_11 = vector.load %arg3[%get3A_9, %get3A_10] : memref<1000x64xf32, #tpu.memory_space<vmem>>, vector<1000x64xf32>
    %get3A_12 = arith.constant 0 : index
    %get3A_13 = arith.constant 0 : index
    %get3A_14 = vector.load %arg4[%get3A_12, %get3A_13] : memref<64x64xf32, #tpu.memory_space<vmem>>, vector<64x64xf32>
    %dot_general3A = arith.constant dense<0.000000e+00> : vector<1000x64xf32>
    %dot_general3A_15 = tpu.matmul %get3A_11, %get3A_14, %dot_general3A {dimension_numbers = #tpu.dot_dimension_numbers<[1], [0], [0], [1], [0, 0, 1, 1], [], []>, transpose_lhs_hint = false} : vector<1000x64xf32>, vector<64x64xf32>, vector<1000x64xf32> -> vector<1000x64xf32>
    %add3A = arith.addf %div3A_8, %dot_general3A_15 : vector<1000x64xf32>
    %get3A_16 = arith.constant 0 : index
    %get3A_17 = arith.constant 0 : index
    %get3A_18 = vector.load %arg5[%get3A_16, %get3A_17] : memref<1x64xf32, #tpu.memory_space<vmem>>, vector<1x64xf32>
    %add3A_19 = vector.broadcast %get3A_18 : vector<1x64xf32> to vector<1000x64xf32>
    %add3A_20 = arith.addf %add3A, %add3A_19 : vector<1000x64xf32>
    %gt3A = arith.constant 0.000000e+00 : f32
    %gt3A_21 = vector.broadcast %gt3A : f32 to vector<1000x64xf32>
    %gt3A_22 = arith.cmpf ogt, %add3A_20, %gt3A_21 : vector<1000x64xf32>
    %min3A = arith.constant 0.000000e+00 : f32
    %min3A_23 = vector.broadcast %min3A : f32 to vector<1000x64xf32>
    %min3A_24 = arith.minimumf %add3A_20, %min3A_23 : vector<1000x64xf32>
    %exp3A = math.exp %min3A_24 : vector<1000x64xf32>
    %sub3A = arith.constant 1.000000e+00 : f32
    %sub3A_25 = vector.broadcast %sub3A : f32 to vector<1000x64xf32>
    %sub3A_26 = arith.subf %exp3A, %sub3A_25 : vector<1000x64xf32>
    %select_n3A = arith.select %gt3A_22, %add3A_20, %sub3A_26 : vector<1000x64xi1>, vector<1000x64xf32>
    %get3A_27 = arith.constant 0 : index
    %get3A_28 = arith.constant 0 : index
    %get3A_29 = vector.load %arg6[%get3A_27, %get3A_28] : memref<64x128xf32, #tpu.memory_space<vmem>>, vector<64x128xf32>
    %dot_general3A_30 = arith.constant dense<0.000000e+00> : vector<1000x128xf32>
    %dot_general3A_31 = tpu.matmul %select_n3A, %get3A_29, %dot_general3A_30 {dimension_numbers = #tpu.dot_dimension_numbers<[1], [0], [0], [1], [0, 0, 1, 1], [], []>, transpose_lhs_hint = false} : vector<1000x64xf32>, vector<64x128xf32>, vector<1000x128xf32> -> vector<1000x128xf32>
    %get3A_32 = arith.constant 0 : index
    %get3A_33 = arith.constant 0 : index
    %get3A_34 = vector.load %arg7[%get3A_32, %get3A_33] : memref<1x128xf32, #tpu.memory_space<vmem>>, vector<1x128xf32>
    %add3A_35 = vector.broadcast %get3A_34 : vector<1x128xf32> to vector<1000x128xf32>
    %add3A_36 = arith.addf %dot_general3A_31, %add3A_35 : vector<1000x128xf32>
    %gt3A_37 = arith.constant 0.000000e+00 : f32
    %gt3A_38 = vector.broadcast %gt3A_37 : f32 to vector<1000x128xf32>
    %gt3A_39 = arith.cmpf ogt, %add3A_36, %gt3A_38 : vector<1000x128xf32>
    %min3A_40 = arith.constant 0.000000e+00 : f32
    %min3A_41 = vector.broadcast %min3A_40 : f32 to vector<1000x128xf32>
    %min3A_42 = arith.minimumf %add3A_36, %min3A_41 : vector<1000x128xf32>
    %exp3A_43 = math.exp %min3A_42 : vector<1000x128xf32>
    %sub3A_44 = arith.constant 1.000000e+00 : f32
    %sub3A_45 = vector.broadcast %sub3A_44 : f32 to vector<1000x128xf32>
    %sub3A_46 = arith.subf %exp3A_43, %sub3A_45 : vector<1000x128xf32>
    %select_n3A_47 = arith.select %gt3A_39, %add3A_36, %sub3A_46 : vector<1000x128xi1>, vector<1000x128xf32>
    %swap3A = arith.constant 0 : index
    %swap3A_48 = arith.constant 0 : index
    %swap3A_49 = vector.load %arg8[%swap3A, %swap3A_48] : memref<1000x128xf32, #tpu.memory_space<vmem>>, vector<1000x128xf32>
    tpu.vector_store %arg8[%swap3A, %swap3A_48], %select_n3A_47 {strides = array<i32>} : memref<1000x128xf32, #tpu.memory_space<vmem>>, vector<1000x128xf32>,
    return
  }
  func.func @transform_0(%arg0: i32) -> (i32, i32) {
    %c0_i32 = arith.constant 0 : i32
    %c0_i32_0 = arith.constant 0 : i32
    return %arg0, %c0_i32 : i32, i32
  }
  func.func @transform_1(%arg0: i32) -> (i32, i32) {
    %c0_i32 = arith.constant 0 : i32
    %c0_i32_0 = arith.constant 0 : i32
    return %arg0, %c0_i32 : i32, i32
  }
  func.func @transform_2(%arg0: i32) -> (i32, i32) {
    %c0_i32 = arith.constant 0 : i32
    %c0_i32_0 = arith.constant 0 : i32
    return %arg0, %c0_i32 : i32, i32
  }
  func.func @transform_3(%arg0: i32) -> (i32, i32) {
    %c0_i32 = arith.constant 0 : i32
    %c0_i32_0 = arith.constant 0 : i32
    %c0_i32_1 = arith.constant 0 : i32
    return %c0_i32, %c0_i32_0 : i32, i32
  }
  func.func @transform_4(%arg0: i32) -> (i32, i32) {
    %c0_i32 = arith.constant 0 : i32
    %c0_i32_0 = arith.constant 0 : i32
    %c0_i32_1 = arith.constant 0 : i32
    return %c0_i32, %c0_i32_0 : i32, i32
  }
  func.func @transform_5(%arg0: i32) -> (i32, i32) {
    %c0_i32 = arith.constant 0 : i32
    %c0_i32_0 = arith.constant 0 : i32
    %c0_i32_1 = arith.constant 0 : i32
    return %c0_i32, %c0_i32_0 : i32, i32
  }
  func.func @transform_6(%arg0: i32) -> (i32, i32) {
    %c0_i32 = arith.constant 0 : i32
    %c0_i32_0 = arith.constant 0 : i32
    %c0_i32_1 = arith.constant 0 : i32
    return %c0_i32, %c0_i32_0 : i32, i32
  }
  func.func @transform_7(%arg0: i32) -> (i32, i32) {
    %c0_i32 = arith.constant 0 : i32
    %c0_i32_0 = arith.constant 0 : i32
    return %arg0, %c0_i32 : i32, i32
  }
}

</mosaic_0001>

<sc_bundles>
// kernel: kernel.10.cloned.1.call-start
scs
__scs_entry_jumppad:
0x0: {  	(pc) =	sbr.rel $0x88, $3  }
0x1: {  	(tag) =	ssettag $0x0;
	lr =	simm.s32 $0x1  }
0x2: {  	[smem:$0x3F90] =	sst lr;
	_ =	strace $0xD0000000  }
0x3: {  	_ = 	snop  }
0x4: {  	_ = 	snop  }
0x5: {  	_ = 	snop  }
0x6: {  	_ = 	snop  }
0x7: {  	_ = 	snop  }
__scs_overlays_trampoline_lowered:
0x8: {  	[smem:$0x3F9F] =	sst s0  }
0x9: {  	[smem:$0x3FA0] =	sst s1  }
0xa: {  	[smem:$0x3FA1] =	sst s2  }
0xb: {  	[smem:$0x3FA2] =	sst s3  }
0xc: {  	[smem:$0x3FA3] =	sst s4  }
0xd: {  	[smem:$0x3FA4] =	sst s5  }
0xe: {  	[smem:$0x3FA5] =	sst s6  }
0xf: {  	[smem:$0x3FA6] =	sst s7  }
0x10: {  	[smem:$0x3FA7] =	sst s8  }
0x11: {  	[smem:$0x3FA8] =	sst s9;
	s0 =	simm.s32 @!p0 $0x0  }
0x12: {  	s1 =	sld [smem:$0x3F8E];
	s0 =	simm.s32 @p0 $0x1  }
0x13: {  	[smem:$0x3FA9] =	sst s0;
	s0 =	simm.s32 @!p1 $0x0  }
0x14: {  	s2 =	sld [smem:$0x3F8D];
	s0 =	simm.s32 @p1 $0x1  }
0x15: {  	[smem:$0x3FAA] =	sst s0;
	s0 =	simm.s32 @!p2 $0x0  }
0x16: {  	s3 =	sld [smem:$0x3FDB];
	s0 =	simm.s32 @p2 $0x1  }
0x17: {  	s4 =	simm.s32 $0x1BF5;
	[smem:$0x3FAC] =	sst s0  }
0x18: {  	s0 =	sld [smem:$0x3F8F];
	_ =	swait.ge [sflag:s4], $0x0  }
0x19: {  	s7 =	sld [smem:$0x3F90]  }
0x1a: {  	s8 =	sadd.s32 $0xFFFFE003, lr  }
0x1b: {  	s9 =	sadd.s32 $0xFFFFFEF7, lr;
	s5 =	simm.s32 $0xFFFFFFFF;
	p2 =	slt.u32 s8, $0xFFFFF086  }
0x1c: {  	p1 =	slt.u32 s9, $0xF7A;
	s5 =	simm.s32 @!p2 $0x0  }
0x1d: {  	s5 =	simm.s32 @p1 $0x1;
	p0 =	seq.s32 s7, s2  }
0x1e: {  	s7 =	smul.u32 @!p0 $0xF7A, s2;
	p2 =	seq.s32 @!p0 s5, $0x0  }
0x1f: {  	s9 =	smul.u32 $0xF7A, s1;
	s8 =	simm.s32 @!p0 $0x1BF5;
	p2 =	por !p2, p0  }
0x20: {  	[sflag:s8] =	ssyncset.s32 @!p0 $0xFFFFF086;
	s6 =	sadd.s32 @!p0 s3, s7;
	s7 =	simm.s32 @!p0 $0x108  }
0x21: {  	s3 =	sadd.s32 s3, s9;
	s6 =	sadd.s32 @!p0 $0x88, s6;
	s7 =	simm.s32 @p2 $0x1082  }
0x22: {  	[simem:s7], [sflag:s8] =	dma.local @!p0 [hbm:s6], $0xF7A  }
0x23: {  	s9 =	sor.u32 $0xD0000000, s2;
	s6 =	simm.s32 $0x108;
	_ =	swait.ge @!p0 [sflag:s8], $0x0  }
0x24: {  	s3 =	sadd.s32 $0x88, s3;
	s6 =	simm.s32 @!p1 $0x1082;
	[sflag:s4] =	ssyncset.s32 $0xFFFFF086  }
0x25: {  	[simem:s6], [sflag:s4] =	dma.local [hbm:s3], $0xF7A  }
0x26: {  	[smem:$0x3F90] =	sst s1;
	(tag) =	ssettag s2;
	_ =	strace s9  }
0x27: {  	s1 =	sld [smem:$0x3FA0]  }
0x28: {  	s2 =	sld [smem:$0x3FA1]  }
0x29: {  	s4 =	sld [smem:$0x3FA3]  }
0x2a: {  	p0 =	seq.s32 s5, $0x0;
	s5 =	sld [smem:$0x3FA4]  }
0x2b: {  	s6 =	sld [smem:$0x3FA5]  }
0x2c: {  	s7 =	sld [smem:$0x3FA6]  }
0x2d: {  	s3 =	simm.s32 $0x108;
	s8 =	sld [smem:$0x3FA7]  }
0x2e: {  	s3 =	simm.s32 @!p0 $0x1082;
	s9 =	sld [smem:$0x3FA8]  }
0x2f: {  	lr =	sadd.s32 s0, s3;
	s0 =	sld [smem:$0x3F9F]  }
0x30: {  	s3 =	sld [smem:$0x3FA2]  }
0x31: {  	[smem:$0x3FAB] =	sst s10  }
0x32: {  	s10 =	sld [smem:$0x3FA9];
	_ =	sdelay $0x3  }
0x33: {  	p0 =	seq.s32 s10, $0x1;
	s10 =	sld [smem:$0x3FAB];
	_ =	sdelay $0x3  }
0x34: {  	[smem:$0x3FAB] =	sst s10  }
0x35: {  	s10 =	sld [smem:$0x3FAA];
	_ =	sdelay $0x3  }
0x36: {  	p1 =	seq.s32 s10, $0x1;
	s10 =	sld [smem:$0x3FAB];
	_ =	sdelay $0x3  }
0x37: {  	[smem:$0x3FAB] =	sst s10  }
0x38: {  	s10 =	sld [smem:$0x3FAC]  }
0x39: {  	_ = 	snop;
	(pc) =	sbr.ind lr, $3  }
0x3a: {  	_ = 	snop  }
0x3b: {  	_ = 	snop  }
0x3c: {  	p2 =	seq.s32 s10, $0x1;
	s10 =	sld [smem:$0x3FAB]  }
0x3d: {  	_ =	shalt  }
0x3e: {  	_ =	shalt  }
0x3f: {  	_ =	shalt  }
0x40: {  	_ =	shalt  }
0x41: {  	_ =	shalt  }
0x42: {  	_ =	shalt  }
0x43: {  	_ =	shalt  }
0x44: {  	_ =	shalt  }
0x45: {  	_ =	shalt  }
0x46: {  	_ =	shalt  }
0x47: {  	_ =	shalt  }
0x48: {  	_ =	shalt  }
0x49: {  	_ =	shalt  }
0x4a: {  	_ =	shalt  }
0x4b: {  	_ =	shalt  }
0x4c: {  	_ =	shalt  }
0x4d: {  	_ =	shalt  }
0x4e: {  	_ =	shalt  }
0x4f: {  	_ =	shalt  }
0x50: {  	_ =	shalt  }
0x51: {  	_ =	shalt  }
0x52: {  	_ =	shalt  }
0x53: {  	_ =	shalt  }
0x54: {  	_ =	shalt  }
0x55: {  	_ =	shalt  }
0x56: {  	_ =	shalt  }
0x57: {  	_ =	shalt  }
0x58: {  	_ =	shalt  }
0x59: {  	_ =	shalt  }
0x5a: {  	_ =	shalt  }
0x5b: {  	_ =	shalt  }
0x5c: {  	_ =	shalt  }
0x5d: {  	_ =	shalt  }
0x5e: {  	_ =	shalt  }
0x5f: {  	_ =	shalt  }
0x60: {  	_ =	shalt  }
0x61: {  	_ =	shalt  }
0x62: {  	_ =	shalt  }
0x63: {  	_ =	shalt  }
0x64: {  	_ =	shalt  }
0x65: {  	_ =	shalt  }
0x66: {  	_ =	shalt  }
0x67: {  	_ =	shalt  }
0x68: {  	_ =	shalt  }
0x69: {  	_ =	shalt  }
0x6a: {  	_ =	shalt  }
0x6b: {  	_ =	shalt  }
0x6c: {  	_ =	shalt  }
0x6d: {  	_ =	shalt  }
0x6e: {  	_ =	shalt  }
0x6f: {  	_ =	shalt  }
0x70: {  	_ =	shalt  }
0x71: {  	_ =	shalt  }
0x72: {  	_ =	shalt  }
0x73: {  	_ =	shalt  }
0x74: {  	_ =	shalt  }
0x75: {  	_ =	shalt  }
0x76: {  	_ =	shalt  }
0x77: {  	_ =	shalt  }
0x78: {  	_ =	shalt  }
0x79: {  	_ =	shalt  }
0x7a: {  	_ =	shalt  }
0x7b: {  	_ =	shalt  }
0x7c: {  	_ =	shalt  }
0x7d: {  	_ =	shalt  }
0x7e: {  	_ =	shalt  }
0x7f: {  	_ =	shalt  }
0x80: {  	_ =	shalt  }
0x81: {  	_ =	shalt  }
0x82: {  	_ =	shalt  }
0x83: {  	_ =	shalt  }
0x84: {  	_ =	shalt  }
0x85: {  	_ =	shalt  }
0x86: {  	_ =	shalt  }
0x87: {  	_ =	shalt  }
.Lfunc_end0:
.L_simem_size_0:
called_computation_lowered:
.L_overlay_start_0:
0x88: {  	s2 =	sld [smem:$0x3FD9]  }
0x89: {  	s3 =	sld [smem:$0x3FFE];
	_ =	sdelay $0x1  }
0x8a: {  	s1 =	srdreg.scid  }
0x8b: {  	s0 =	sand.u32 $0x1, s1  }
0x8c: {  	s17 =	sshll.u32 s0, $0xA;
	s2 =	sadd.s32 s3, s2  }
0x8d: {  	s2 =	sadd.s32 s2, s17  }
0x8e: {  	[smem:$0x3FB7] =	sst s2  }
0x8f: {  	_ = 	snop  }
0x90: {  	s2 =	sld [smem:$0x3FD0];
	(tm) =	ssettm $0x1  }
0x91: {  	s18 =	sld [smem:$0x3FFB];
	_ =	sdelay $0x3  }
0x92: {  	_ =	strace s18  }
0x93: {  	s3 =	sld [smem:$0x3FFC];
	_ =	sdelay $0x3  }
0x94: {  	_ =	strace s3  }
0x95: {  	s3 =	sld [smem:$0x3FFD];
	_ =	sdelay $0x3  }
0x96: {  	_ =	strace s3  }
0x97: {  	_ =	strace $0x8FFFFFFF  }
0x98: {  	s19 =	sld [smem:$0x3FDB];
	_ =	sdelay $0x1  }
0x99: {  	s4 =	simm.s32 $_scs_section_size  }
0x9a: {  	s5 =	simm.s32 $_size__tile_overlayer_lowered;
	s6 =	simm.s32 $_tile_overlayer_lowered  }
0x9b: {  	s22 =	simm.s32 $0x1BFF;
	s21 =	sshll.u32 s6, $0x1;
	s3 =	sadd.s32 s4, s19  }
0x9c: {  	s7 =	simm.s32 $0x0;
	s20 =	sshll.u32 s5, $0x1;
	s5 =	sadd.s32 s21, s3  }
0x9d: {  	[timem:s7], [sflag:s22] =	dma.local [hbm:s5], s20  }
0x9e: {  	_ =	swait.ge [sflag:s22], s20  }
0x9f: {  	s4 =	ssub.s32 $0x0, s20;
	[sflag:s22] =	ssyncset.done $0x0  }
0xa0: {  	[sflag:s22] =	ssyncadd.s32 s4;
	_ =	sdelay $0x1  }
0xa1: {  	s23 =	simm.s32 $0x1B8B  }
0xa2: {  	_ =	swait.ge [sflag:s23], $0x1  }
0xa3: {  	[sflag:s23] =	ssyncset.done $0x0  }
0xa4: {  	s25 =	simm.s32 $0x1B8E;
	s24 =	sld [smem:$0x3FFE];
	[sflag:s23] =	ssyncadd.s32 $0xFFFFFFFF  }
0xa5: {  	s26 =	simm.s32 $execute0_lowered;
	[smem:$0x3FD2] =	sst s25  }
0xa6: {  	s5 =	sshll.u32 s26, $0x1;
	_ =	strace $0x80000046;
	[dreg:$0x1] =	wrdreg $0xFFFFFFFF  }
0xa7: {  	s28 =	simm.s32 $_size_execute0_lowered;
	s3 =	sadd.s32 s3, s5;
	[dreg:$0x0] =	wrdreg $0x0  }
0xa8: {  	s5 =	sshll.u32 s28, $0x1;
	[dreg:$0x2] =	wrdreg s3  }
0xa9: {  	[dreg:$0x3] =	wrdreg s5  }
0xaa: {  	[dreg:$0x4] =	wrdreg $0xC0  }
0xab: {  	_ =	task [dreg:s7], $0x5FFFF  }
0xac: {  	[dreg:$0x1] =	wrdreg $0xFFFFFFFF  }
0xad: {  	[dreg:$0x0] =	wrdreg $0x60  }
0xae: {  	[dreg:$0x2] =	wrdreg s2  }
0xaf: {  	[dreg:$0x3] =	wrdreg s24  }
0xb0: {  	[dreg:$0x4] =	wrdreg $0x9  }
0xb1: {  	_ =	task.clear_ibuf [dreg:s7], $0x5FFFF;
	_ =	strace $0x90000046  }
0xb2: {  	s29 =	simm.s32 $0x9;
	_ =	strace $0x80000048  }
0xb3: {  	_ =	swait.ge [sflag:s29], $0x1  }
0xb4: {  	[sflag:s29] =	ssyncadd.s32 $0xFFFFFFFF  }
0xb5: {  	_ =	strace $0x90000048  }
0xb6: {  	_ =	sfence  }
0xb7: {  	s30 =	sld [smem:$0x0];
	_ =	sdelay $0x2  }
0xb8: {  	s31 =	sshll.u32 s1, $0xD;
	s1 =	sshrl.u32 s1, $0x2  }
0xb9: {  	s3 =	sand.u32 $0x4000, s31;
	s1 =	sadd.s32 s1, s30  }
0xba: {  	s0 =	sor.u32 s3, s0;
	s1 =	sshll.u32 s1, $0x11  }
0xbb: {  	s0 =	sor.u32 s1, s0  }
0xbc: {  	s0 =	sadd.s32 $0x8F2B, s0  }
0xbd: {  	[sflag:s0] =	ssyncadd.remote.s32 $0x1  }
0xbe: {  	_ =	sfence.sel $0xFFFF  }
0xbf: {  	[dreg:$0x0] =	wrdreg $0xFFFFFFFF;
	(pc) =	sbr.abs _section_cstart, $3  }
0xc0: {  	[dreg:$0x1] =	wrdreg $0xFFFFFFFF  }
0xc1: {  	_ =	task.clear_ibuf [dreg:s7], $0x2FFFF;
	_ =	strace $0x9FFFFFFF  }
0xc2: {  	(tm) =	ssettm $0x7FFFFFFF  }
0xc3: {  	_ =	shalt  }
tec
execute0_lowered:
.L_overlay_start_1:
0x0: {  	(tag) =	ssettag $0x1  }
0x1: {  	s1 =	srdreg.scid;
	s0 =	stileid.u32  }
0x2: {  	s19 =	sand.u32 $0x1, s1;
	s31 =	sshll.u32 s0, $0x1  }
0x3: {  	s15 =	sor.u32 s19, s31  }
0x4: {  	s2 =	rddreg [dreg:$0x0];
	s4 =	smul.u32 $0xC4, s15  }
0x5: {  	s14 =	rddreg [dreg:$0x1];
	s3 =	simm.s32 $0x0  }
0x6: {  	s5 =	simm.s32 $0x3;
	[smem:$0x7FF] =	sst s3;
	s4 =	sadd.s32 s4, s14  }
0x7: {  	s1 =	rddreg [dreg:$0x2];
	_ =	strace $0x80000047;
	s4 =	sadd.s32 $0x3600, s4  }
0x8: {  	[tilespmem:s3], [sflag:$0x3] =	stream.linear.gather [hbm4b:s4+s3], $0x620, $0x38;
	[tilespmem:$0xCA20] =	vst v63  }
0x9: {  	_ =	swait.ge [sflag:s5], $0x620  }
0xa: {  	[sflag:s5] =	ssyncset.done $0x0  }
0xb: {  	s6 =	simm.s32 $0x188;
	s7 =	simm.s32 $0x620;
	[sflag:s5] =	ssyncadd.s32 $0xFFFFF9E0  }
0xc: {  	[tilespmem:s7], [sflag:$0x1] =	stream.indirect.gather [hbm4b:s2+s6], $0x20, s3, s6, $0xb8;
	[tilespmem:$0xCA20] =	vst v63  }
0xd: {  	s8 =	simm.s32 $0x3720  }
0xe: {  	[tilespmem:s8], [sflag:$0x1] =	stream.indirect.gather [hbm4b:s2+s6], $0x20, s6, s6, $0xb8;
	[tilespmem:$0xCA20] =	vst v63  }
0xf: {  	s9 =	simm.s32 $0x310;
	s10 =	simm.s32 $0x6820  }
0x10: {  	[tilespmem:s10], [sflag:$0x1] =	stream.indirect.gather [hbm4b:s2+s6], $0x20, s9, s6, $0xb8;
	[tilespmem:$0xCA20] =	vst v63  }
0x11: {  	s11 =	simm.s32 $0x498;
	s12 =	simm.s32 $0x9920;
	s13 =	simm.s32 $0x1  }
0x12: {  	[tilespmem:s12], [sflag:$0x1] =	stream.indirect.gather [hbm4b:s2+s6], $0x20, s11, s6, $0xb8;
	[tilespmem:$0xCA20] =	vst v63  }
0x13: {  	s16 =	smul.u32 $0x1880, s15;
	_ =	swait.ge [sflag:s13], $0x3100  }
0x14: {  	s17 =	sadd.s32 $0x5000, s14;
	[sflag:s13] =	ssyncset.done $0x0  }
0x15: {  	s15 =	smul.u32 $0xC400, s15;
	s14 =	sadd.s32 s17, s16;
	[sflag:s13] =	ssyncadd.s32 $0xFFFFCF00  }
0x16: {  	[hbm4b:s14+s3] =	stream.linear.scatter [tilespmem:s7], [sflag:$0x2], $0x3100, $0x38;
	[tilespmem:$0xCA20] =	vst v63  }
0x17: {  	s15 =	sshrl.u32 s15, $0x3;
	_ =	swait.ge [sflag:s13], $0x3100  }
0x18: {  	s17 =	sadd.s32 s17, s15;
	[sflag:s13] =	ssyncset.done $0x0  }
0x19: {  	s15 =	sadd.s32 $0x620, s17;
	[sflag:s13] =	ssyncadd.s32 $0xFFFFCF00  }
0x1a: {  	[hbm4b:s15+s3] =	stream.linear.scatter [tilespmem:s8], [sflag:$0x2], $0x3100, $0x38;
	[tilespmem:$0xCA20] =	vst v63  }
0x1b: {  	_ =	swait.ge [sflag:s13], $0x3100  }
0x1c: {  	[sflag:s13] =	ssyncset.done $0x0  }
0x1d: {  	s16 =	sadd.s32 $0xC40, s17;
	[sflag:s13] =	ssyncadd.s32 $0xFFFFCF00  }
0x1e: {  	[hbm4b:s16+s3] =	stream.linear.scatter [tilespmem:s10], [sflag:$0x2], $0x3100, $0x38;
	[tilespmem:$0xCA20] =	vst v63  }
0x1f: {  	_ =	swait.ge [sflag:s13], $0x3100  }
0x20: {  	[sflag:s13] =	ssyncset.done $0x0  }
0x21: {  	s18 =	sadd.s32 $0x1260, s17;
	s17 =	simm.s32 $0x2;
	[sflag:s13] =	ssyncadd.s32 $0xFFFFCF00  }
0x22: {  	[hbm4b:s18+s3] =	stream.linear.scatter [tilespmem:s12], [sflag:$0x2], $0x3100, $0x38;
	[tilespmem:$0xCA20] =	vst v63  }
0x23: {  	_ =	swait.ge [sflag:s17], $0x3100  }
0x24: {  	s19 =	ssub.s32 $0x2, s19;
	[sflag:s17] =	ssyncset.done $0x0  }
0x25: {  	s20 =	sshrl.u32 s19, $0x1;
	[sflag:s17] =	ssyncadd.s32 $0xFFFFCF00  }
0x26: {  	s19 =	ssub.s32 s19, s20;
	_ =	swait.ge [sflag:s17], $0x3100  }
0x27: {  	s19 =	smax.u32 s19, $0x1;
	[sflag:s17] =	ssyncset.done $0x0  }
0x28: {  	p0 =	sne.s32 s19, $0x1;
	[sflag:s17] =	ssyncadd.s32 $0xFFFFCF00  }
.Ltmp0:
0x29: {  	_ =	swait.ge [sflag:s17], $0x3100;
	(pc) =	sbr.rel @!p0 .LBB2_2-.Ltmp0, $4  }
0x2a: {  	[sflag:s17] =	ssyncset.done $0x0  }
0x2b: {  	[sflag:s17] =	ssyncadd.s32 $0xFFFFCF00  }
0x2c: {  	_ =	swait.ge [sflag:s17], $0x3100  }
0x2d: {  	s19 =	sadd.s32 $0xFFFFFFFF, s19;
	[sflag:s17] =	ssyncset.done $0x0  }
.LBB2_1:
0x2e: {  	p0 =	sne.s32 s19, $0x1;
	s19 =	sadd.s32 $0xFFFFFFFF, s19;
	[sflag:s17] =	ssyncadd.s32 $0xFFFFCF00  }
0x2f: {  	[tilespmem:s3], [sflag:$0x3] =	stream.linear.gather [hbm4b:s4+s3], $0x620, $0x38;
	[tilespmem:$0xCA20] =	vst v63  }
0x30: {  	_ =	swait.ge [sflag:s5], $0x620  }
0x31: {  	[sflag:s5] =	ssyncset.done $0x0  }
0x32: {  	[sflag:s5] =	ssyncadd.s32 $0xFFFFF9E0  }
0x33: {  	[tilespmem:s7], [sflag:$0x1] =	stream.indirect.gather [hbm4b:s2+s6], $0x20, s3, s6, $0xb8;
	[tilespmem:$0xCA20] =	vst v63  }
0x34: {  	_ = 	snop  }
0x35: {  	[tilespmem:s8], [sflag:$0x1] =	stream.indirect.gather [hbm4b:s2+s6], $0x20, s6, s6, $0xb8;
	[tilespmem:$0xCA20] =	vst v63  }
0x36: {  	_ = 	snop  }
0x37: {  	[tilespmem:s10], [sflag:$0x1] =	stream.indirect.gather [hbm4b:s2+s6], $0x20, s9, s6, $0xb8;
	[tilespmem:$0xCA20] =	vst v63  }
0x38: {  	_ = 	snop  }
0x39: {  	[tilespmem:s12], [sflag:$0x1] =	stream.indirect.gather [hbm4b:s2+s6], $0x20, s11, s6, $0xb8;
	[tilespmem:$0xCA20] =	vst v63  }
0x3a: {  	_ =	swait.ge [sflag:s13], $0x3100  }
0x3b: {  	[sflag:s13] =	ssyncset.done $0x0  }
0x3c: {  	[sflag:s13] =	ssyncadd.s32 $0xFFFFCF00  }
0x3d: {  	[hbm4b:s14+s3] =	stream.linear.scatter [tilespmem:s7], [sflag:$0x2], $0x3100, $0x38;
	[tilespmem:$0xCA20] =	vst v63  }
0x3e: {  	_ =	swait.ge [sflag:s13], $0x3100  }
0x3f: {  	[sflag:s13] =	ssyncset.done $0x0  }
0x40: {  	[sflag:s13] =	ssyncadd.s32 $0xFFFFCF00  }
0x41: {  	[hbm4b:s15+s3] =	stream.linear.scatter [tilespmem:s8], [sflag:$0x2], $0x3100, $0x38;
	[tilespmem:$0xCA20] =	vst v63  }
0x42: {  	_ =	swait.ge [sflag:s13], $0x3100  }
0x43: {  	[sflag:s13] =	ssyncset.done $0x0  }
0x44: {  	[sflag:s13] =	ssyncadd.s32 $0xFFFFCF00  }
0x45: {  	[hbm4b:s16+s3] =	stream.linear.scatter [tilespmem:s10], [sflag:$0x2], $0x3100, $0x38;
	[tilespmem:$0xCA20] =	vst v63  }
0x46: {  	_ =	swait.ge [sflag:s13], $0x3100  }
0x47: {  	[sflag:s13] =	ssyncset.done $0x0  }
0x48: {  	[sflag:s13] =	ssyncadd.s32 $0xFFFFCF00  }
0x49: {  	[hbm4b:s18+s3] =	stream.linear.scatter [tilespmem:s12], [sflag:$0x2], $0x3100, $0x38;
	[tilespmem:$0xCA20] =	vst v63  }
0x4a: {  	_ =	swait.ge [sflag:s17], $0x3100  }
0x4b: {  	[sflag:s17] =	ssyncset.done $0x0  }
0x4c: {  	[sflag:s17] =	ssyncadd.s32 $0xFFFFCF00  }
0x4d: {  	_ =	swait.ge [sflag:s17], $0x3100  }
0x4e: {  	[sflag:s17] =	ssyncset.done $0x0  }
0x4f: {  	[sflag:s17] =	ssyncadd.s32 $0xFFFFCF00  }
.Ltmp1:
0x50: {  	_ =	swait.ge [sflag:s17], $0x3100;
	(pc) =	sbr.rel @p0 .LBB2_1-.Ltmp1, $4  }
0x51: {  	[sflag:s17] =	ssyncset.done $0x0  }
0x52: {  	[sflag:s17] =	ssyncadd.s32 $0xFFFFCF00  }
0x53: {  	_ =	swait.ge [sflag:s17], $0x3100  }
0x54: {  	[sflag:s17] =	ssyncset.done $0x0  }
.LBB2_2:
0x55: {  	[sflag:s17] =	ssyncadd.s32 $0xFFFFCF00  }
0x56: {  	_ =	sfence.sel $0x180000  }
0x57: {  	[bflag:$0x0] =	sbarrier.arrive $0xFFFF  }
0x58: {  	p0 =	sne.s32 s0, $0x0;
	_ =	strace $0x90000047  }
0x59: {  	s0 =	sadd.s32 @!p0 $0x100000, s1;
	[bflag:$0x2] =	sbarrier.arrive $0xFFFF  }
0x5a: {  	[sflag:s0] =	ssyncadd.tile.s32 @!p0 $0x1;
	_ =	shalt  }
.Lfunc_end2:
_tile_overlayer_lowered:
.L_overlay_start_2:
0x5b: {  	(tag) =	ssettag $0x2  }
0x5c: {  	s0 =	rddreg [dreg:$0x0];
	s2 =	stileid.u32  }
0x5d: {  	s1 =	rddreg [dreg:$0x1];
	p0 =	sne.s32 s2, $0x0  }
0x5e: {  	s3 =	rddreg [dreg:$0x2];
	[bflag:$0x3] =	sbarrier.arrive $0xFFFF;
	s2 =	simm.s32 @!p0 $0x1C03  }
0x5f: {  	[timem:s3], [sflag:s2] =	dma.local @!p0 [hbm:s0], s1  }
0x60: {  	s0 =	simm.s32 @!p0 $0x3  }
0x61: {  	_ =	swait.ge @!p0 [sflag:s0], s1  }
0x62: {  	s1 =	ssub.s32 @!p0 $0x0, s1;
	[sflag:s0] =	ssyncset.done @!p0 $0x0  }
0x63: {  	[sflag:s0] =	ssyncadd.s32 @!p0 s1  }
0x64: {  	[bflag:$0x3] =	sbarrier.arrive $0xFFFF  }
0x65: {  	_ =	shalt  }

// kernel: kernel.13.cloned.1.call-start
scs
__scs_entry_jumppad:
0x0: {  	(pc) =	sbr.rel $0x88, $3  }
0x1: {  	(tag) =	ssettag $0x0;
	lr =	simm.s32 $0x1  }
0x2: {  	[smem:$0x3F90] =	sst lr;
	_ =	strace $0xD0000000  }
0x3: {  	_ = 	snop  }
0x4: {  	_ = 	snop  }
0x5: {  	_ = 	snop  }
0x6: {  	_ = 	snop  }
0x7: {  	_ = 	snop  }
__scs_overlays_trampoline_lowered:
0x8: {  	[smem:$0x3F9F] =	sst s0  }
0x9: {  	[smem:$0x3FA0] =	sst s1  }
0xa: {  	[smem:$0x3FA1] =	sst s2  }
0xb: {  	[smem:$0x3FA2] =	sst s3  }
0xc: {  	[smem:$0x3FA3] =	sst s4  }
0xd: {  	[smem:$0x3FA4] =	sst s5  }
0xe: {  	[smem:$0x3FA5] =	sst s6  }
0xf: {  	[smem:$0x3FA6] =	sst s7  }
0x10: {  	[smem:$0x3FA7] =	sst s8  }
0x11: {  	[smem:$0x3FA8] =	sst s9;
	s0 =	simm.s32 @!p0 $0x0  }
0x12: {  	s1 =	sld [smem:$0x3F8E];
	s0 =	simm.s32 @p0 $0x1  }
0x13: {  	[smem:$0x3FA9] =	sst s0;
	s0 =	simm.s32 @!p1 $0x0  }
0x14: {  	s2 =	sld [smem:$0x3F8D];
	s0 =	simm.s32 @p1 $0x1  }
0x15: {  	[smem:$0x3FAA] =	sst s0;
	s0 =	simm.s32 @!p2 $0x0  }
0x16: {  	s3 =	sld [smem:$0x3FDB];
	s0 =	simm.s32 @p2 $0x1  }
0x17: {  	s4 =	simm.s32 $0x1BF5;
	[smem:$0x3FAC] =	sst s0  }
0x18: {  	s0 =	sld [smem:$0x3F8F];
	_ =	swait.ge [sflag:s4], $0x0  }
0x19: {  	s7 =	sld [smem:$0x3F90]  }
0x1a: {  	s8 =	sadd.s32 $0xFFFFE003, lr  }
0x1b: {  	s9 =	sadd.s32 $0xFFFFFEF7, lr;
	s5 =	simm.s32 $0xFFFFFFFF;
	p2 =	slt.u32 s8, $0xFFFFF086  }
0x1c: {  	p1 =	slt.u32 s9, $0xF7A;
	s5 =	simm.s32 @!p2 $0x0  }
0x1d: {  	s5 =	simm.s32 @p1 $0x1;
	p0 =	seq.s32 s7, s2  }
0x1e: {  	s7 =	smul.u32 @!p0 $0xF7A, s2;
	p2 =	seq.s32 @!p0 s5, $0x0  }
0x1f: {  	s9 =	smul.u32 $0xF7A, s1;
	s8 =	simm.s32 @!p0 $0x1BF5;
	p2 =	por !p2, p0  }
0x20: {  	[sflag:s8] =	ssyncset.s32 @!p0 $0xFFFFF086;
	s6 =	sadd.s32 @!p0 s3, s7;
	s7 =	simm.s32 @!p0 $0x108  }
0x21: {  	s3 =	sadd.s32 s3, s9;
	s6 =	sadd.s32 @!p0 $0x88, s6;
	s7 =	simm.s32 @p2 $0x1082  }
0x22: {  	[simem:s7], [sflag:s8] =	dma.local @!p0 [hbm:s6], $0xF7A  }
0x23: {  	s9 =	sor.u32 $0xD0000000, s2;
	s6 =	simm.s32 $0x108;
	_ =	swait.ge @!p0 [sflag:s8], $0x0  }
0x24: {  	s3 =	sadd.s32 $0x88, s3;
	s6 =	simm.s32 @!p1 $0x1082;
	[sflag:s4] =	ssyncset.s32 $0xFFFFF086  }
0x25: {  	[simem:s6], [sflag:s4] =	dma.local [hbm:s3], $0xF7A  }
0x26: {  	[smem:$0x3F90] =	sst s1;
	(tag) =	ssettag s2;
	_ =	strace s9  }
0x27: {  	s1 =	sld [smem:$0x3FA0]  }
0x28: {  	s2 =	sld [smem:$0x3FA1]  }
0x29: {  	s4 =	sld [smem:$0x3FA3]  }
0x2a: {  	p0 =	seq.s32 s5, $0x0;
	s5 =	sld [smem:$0x3FA4]  }
0x2b: {  	s6 =	sld [smem:$0x3FA5]  }
0x2c: {  	s7 =	sld [smem:$0x3FA6]  }
0x2d: {  	s3 =	simm.s32 $0x108;
	s8 =	sld [smem:$0x3FA7]  }
0x2e: {  	s3 =	simm.s32 @!p0 $0x1082;
	s9 =	sld [smem:$0x3FA8]  }
0x2f: {  	lr =	sadd.s32 s0, s3;
	s0 =	sld [smem:$0x3F9F]  }
0x30: {  	s3 =	sld [smem:$0x3FA2]  }
0x31: {  	[smem:$0x3FAB] =	sst s10  }
0x32: {  	s10 =	sld [smem:$0x3FA9];
	_ =	sdelay $0x3  }
0x33: {  	p0 =	seq.s32 s10, $0x1;
	s10 =	sld [smem:$0x3FAB];
	_ =	sdelay $0x3  }
0x34: {  	[smem:$0x3FAB] =	sst s10  }
0x35: {  	s10 =	sld [smem:$0x3FAA];
	_ =	sdelay $0x3  }
0x36: {  	p1 =	seq.s32 s10, $0x1;
	s10 =	sld [smem:$0x3FAB];
	_ =	sdelay $0x3  }
0x37: {  	[smem:$0x3FAB] =	sst s10  }
0x38: {  	s10 =	sld [smem:$0x3FAC]  }
0x39: {  	_ = 	snop;
	(pc) =	sbr.ind lr, $3  }
0x3a: {  	_ = 	snop  }
0x3b: {  	_ = 	snop  }
0x3c: {  	p2 =	seq.s32 s10, $0x1;
	s10 =	sld [smem:$0x3FAB]  }
0x3d: {  	_ =	shalt  }
0x3e: {  	_ =	shalt  }
0x3f: {  	_ =	shalt  }
0x40: {  	_ =	shalt  }
0x41: {  	_ =	shalt  }
0x42: {  	_ =	shalt  }
0x43: {  	_ =	shalt  }
0x44: {  	_ =	shalt  }
0x45: {  	_ =	shalt  }
0x46: {  	_ =	shalt  }
0x47: {  	_ =	shalt  }
0x48: {  	_ =	shalt  }
0x49: {  	_ =	shalt  }
0x4a: {  	_ =	shalt  }
0x4b: {  	_ =	shalt  }
0x4c: {  	_ =	shalt  }
0x4d: {  	_ =	shalt  }
0x4e: {  	_ =	shalt  }
0x4f: {  	_ =	shalt  }
0x50: {  	_ =	shalt  }
0x51: {  	_ =	shalt  }
0x52: {  	_ =	shalt  }
0x53: {  	_ =	shalt  }
0x54: {  	_ =	shalt  }
0x55: {  	_ =	shalt  }
0x56: {  	_ =	shalt  }
0x57: {  	_ =	shalt  }
0x58: {  	_ =	shalt  }
0x59: {  	_ =	shalt  }
0x5a: {  	_ =	shalt  }
0x5b: {  	_ =	shalt  }
0x5c: {  	_ =	shalt  }
0x5d: {  	_ =	shalt  }
0x5e: {  	_ =	shalt  }
0x5f: {  	_ =	shalt  }
0x60: {  	_ =	shalt  }
0x61: {  	_ =	shalt  }
0x62: {  	_ =	shalt  }
0x63: {  	_ =	shalt  }
0x64: {  	_ =	shalt  }
0x65: {  	_ =	shalt  }
0x66: {  	_ =	shalt  }
0x67: {  	_ =	shalt  }
0x68: {  	_ =	shalt  }
0x69: {  	_ =	shalt  }
0x6a: {  	_ =	shalt  }
0x6b: {  	_ =	shalt  }
0x6c: {  	_ =	shalt  }
0x6d: {  	_ =	shalt  }
0x6e: {  	_ =	shalt  }
0x6f: {  	_ =	shalt  }
0x70: {  	_ =	shalt  }
0x71: {  	_ =	shalt  }
0x72: {  	_ =	shalt  }
0x73: {  	_ =	shalt  }
0x74: {  	_ =	shalt  }
0x75: {  	_ =	shalt  }
0x76: {  	_ =	shalt  }
0x77: {  	_ =	shalt  }
0x78: {  	_ =	shalt  }
0x79: {  	_ =	shalt  }
0x7a: {  	_ =	shalt  }
0x7b: {  	_ =	shalt  }
0x7c: {  	_ =	shalt  }
0x7d: {  	_ =	shalt  }
0x7e: {  	_ =	shalt  }
0x7f: {  	_ =	shalt  }
0x80: {  	_ =	shalt  }
0x81: {  	_ =	shalt  }
0x82: {  	_ =	shalt  }
0x83: {  	_ =	shalt  }
0x84: {  	_ =	shalt  }
0x85: {  	_ =	shalt  }
0x86: {  	_ =	shalt  }
0x87: {  	_ =	shalt  }
.Lfunc_end0:
.L_simem_size_0:
called_computation.1_lowered:
.L_overlay_start_0:
0x88: {  	s0 =	sld [smem:$0x3FD9]  }
0x89: {  	s1 =	sld [smem:$0x3FFE];
	_ =	sdelay $0x3  }
0x8a: {  	s0 =	sadd.s32 s1, s0  }
0x8b: {  	[smem:$0x3FB7] =	sst s0  }
0x8c: {  	_ = 	snop  }
0x8d: {  	s0 =	sld [smem:$0x3FD0];
	(tm) =	ssettm $0x1  }
0x8e: {  	s16 =	sld [smem:$0x3FFB];
	_ =	sdelay $0x3  }
0x8f: {  	_ =	strace s16  }
0x90: {  	s1 =	sld [smem:$0x3FFC];
	_ =	sdelay $0x3  }
0x91: {  	_ =	strace s1  }
0x92: {  	s1 =	sld [smem:$0x3FFD];
	_ =	sdelay $0x3  }
0x93: {  	_ =	strace s1  }
0x94: {  	_ =	strace $0x8FFFFFFF  }
0x95: {  	s17 =	sld [smem:$0x3FDB];
	_ =	sdelay $0x1  }
0x96: {  	s2 =	simm.s32 $_scs_section_size  }
0x97: {  	s3 =	simm.s32 $_size__tile_overlayer_lowered;
	s4 =	simm.s32 $_tile_overlayer_lowered  }
0x98: {  	s20 =	simm.s32 $0x1BFF;
	s19 =	sshll.u32 s4, $0x1;
	s1 =	sadd.s32 s2, s17  }
0x99: {  	s5 =	simm.s32 $0x0;
	s18 =	sshll.u32 s3, $0x1;
	s3 =	sadd.s32 s19, s1  }
0x9a: {  	[timem:s5], [sflag:s20] =	dma.local [hbm:s3], s18  }
0x9b: {  	_ =	swait.ge [sflag:s20], s18  }
0x9c: {  	s2 =	ssub.s32 $0x0, s18;
	[sflag:s20] =	ssyncset.done $0x0  }
0x9d: {  	[sflag:s20] =	ssyncadd.s32 s2;
	_ =	sdelay $0x1  }
0x9e: {  	s21 =	simm.s32 $0x1B8B  }
0x9f: {  	_ =	swait.ge [sflag:s21], $0x1  }
0xa0: {  	[sflag:s21] =	ssyncset.done $0x0  }
0xa1: {  	s23 =	simm.s32 $0x1B8E;
	s22 =	sld [smem:$0x3FFE];
	[sflag:s21] =	ssyncadd.s32 $0xFFFFFFFF  }
0xa2: {  	s24 =	simm.s32 $execute0_lowered;
	[smem:$0x3FD2] =	sst s23  }
0xa3: {  	s3 =	sshll.u32 s24, $0x1;
	_ =	strace $0x80000049;
	[dreg:$0x1] =	wrdreg $0xFFFFFFFF  }
0xa4: {  	s25 =	simm.s32 $_size_execute0_lowered;
	s1 =	sadd.s32 s1, s3;
	[dreg:$0x0] =	wrdreg $0x0  }
0xa5: {  	s3 =	sshll.u32 s25, $0x1;
	[dreg:$0x2] =	wrdreg s1  }
0xa6: {  	[dreg:$0x3] =	wrdreg s3  }
0xa7: {  	[dreg:$0x4] =	wrdreg $0xC0  }
0xa8: {  	_ =	task [dreg:s5], $0x5FFFF  }
0xa9: {  	[dreg:$0x1] =	wrdreg $0xFFFFFFFF  }
0xaa: {  	[dreg:$0x0] =	wrdreg $0x60  }
0xab: {  	[dreg:$0x2] =	wrdreg s22  }
0xac: {  	[dreg:$0x3] =	wrdreg s0  }
0xad: {  	[dreg:$0x4] =	wrdreg $0xD0400  }
0xae: {  	[dreg:$0x5] =	wrdreg $0x177400  }
0xaf: {  	[dreg:$0x6] =	wrdreg $0x9  }
0xb0: {  	_ =	task.clear_ibuf [dreg:s5], $0x7FFFF;
	_ =	strace $0x90000049  }
0xb1: {  	s26 =	simm.s32 $0x9;
	_ =	strace $0x8000004B  }
0xb2: {  	_ =	swait.ge [sflag:s26], $0x1  }
0xb3: {  	[sflag:s26] =	ssyncadd.s32 $0xFFFFFFFF  }
0xb4: {  	_ =	strace $0x9000004B  }
0xb5: {  	_ =	sfence  }
0xb6: {  	s28 =	sld [smem:$0x0];
	_ =	sdelay $0x1  }
0xb7: {  	s29 =	srdreg.scid  }
0xb8: {  	s30 =	sshll.u32 s29, $0xD;
	s31 =	sshrl.u32 s29, $0x2  }
0xb9: {  	s2 =	sand.u32 $0x4000, s30;
	s1 =	sand.u32 $0x1, s29;
	s0 =	sadd.s32 s31, s28  }
0xba: {  	s1 =	sor.u32 s2, s1;
	s0 =	sshll.u32 s0, $0x11  }
0xbb: {  	s0 =	sor.u32 s0, s1  }
0xbc: {  	s0 =	sadd.s32 $0x8F2B, s0  }
0xbd: {  	[sflag:s0] =	ssyncadd.remote.s32 $0x1  }
0xbe: {  	_ =	sfence.sel $0xFFFF  }
0xbf: {  	[dreg:$0x0] =	wrdreg $0xFFFFFFFF;
	(pc) =	sbr.abs _section_cstart, $3  }
0xc0: {  	[dreg:$0x1] =	wrdreg $0xFFFFFFFF  }
0xc1: {  	_ =	task.clear_ibuf [dreg:s5], $0x2FFFF;
	_ =	strace $0x9FFFFFFF  }
0xc2: {  	(tm) =	ssettm $0x7FFFFFFF  }
0xc3: {  	_ =	shalt  }
tec
execute0_lowered:
.L_overlay_start_1:
0x0: {  	(tag) =	ssettag $0x1  }
0x1: {  	s2 =	rddreg [dreg:$0x0]  }
0x2: {  	s3 =	rddreg [dreg:$0x1]  }
0x3: {  	s8 =	rddreg [dreg:$0x2]  }
0x4: {  	s6 =	rddreg [dreg:$0x3];
	s1 =	stileid.u32  }
0x5: {  	s0 =	rddreg [dreg:$0x4];
	s14 =	simm.s32 $0x0;
	s7 =	smul.u32 $0xA000, s1  }
0x6: {  	[smem:$0x7FF] =	sst s14  }
0x7: {  	s4 =	sshll.u32 s1, $0x6;
	s10 =	sadd.s32 $0x5800, s2;
	s5 =	sadd.s32 s7, s8  }
0x8: {  	_ =	strace $0x8000004A;
	s4 =	sor.u32 $0x1C01, s4;
	s9 =	sshrl.u32 s5, $0x3  }
0x9: {  	[spmem:s9], [sflag:s4] =	dma.local [hbm:s10], $0x1400  }
0xa: {  	s5 =	simm.s32 $0x1;
	s10 =	smul.u32 $0x2800, s1  }
0xb: {  	_ =	swait.ge [sflag:s5], $0x1400  }
0xc: {  	s11 =	sadd.s32 s10, s6;
	[sflag:s5] =	ssyncset.done $0x0  }
0xd: {  	s12 =	sadd.s32 $0x5200, s2;
	[sflag:s5] =	ssyncadd.s32 $0xFFFFEC00;
	s11 =	sshrl.u32 s11, $0x3  }
0xe: {  	[spmem:s11], [sflag:s4] =	dma.local [hbm:s12], $0x500  }
0xf: {  	_ =	swait.ge [sflag:s5], $0x500  }
0x10: {  	s13 =	smul.u32 $0x188, s1;
	[sflag:s5] =	ssyncset.done $0x0  }
0x11: {  	s15 =	sadd.s32 $0x5000, s2;
	s12 =	simm.s32 $0x17040;
	[sflag:s5] =	ssyncadd.s32 $0xFFFFFB00  }
0x12: {  	[tilespmem:s12], [sflag:$0x1] =	stream.linear.gather [hbm4b:s15+s14], $0x700, $0x38;
	[tilespmem:$0x19F40] =	vst v63  }
0x13: {  	_ =	swait.ge [sflag:s5], $0x700  }
0x14: {  	s13 =	sadd.s32 s13, s2;
	[sflag:s5] =	ssyncset.done $0x0  }
0x15: {  	s13 =	sadd.s32 $0x36000, s13;
	[sflag:s5] =	ssyncadd.s32 $0xFFFFF900  }
0x16: {  	[tilespmem:s14], [sflag:$0x1] =	stream.linear.gather [hbm4b:s13+s14], $0xC40, $0x38;
	[tilespmem:$0x19F40] =	vst v63  }
0x17: {  	_ =	swait.ge [sflag:s5], $0xC40  }
0x18: {  	s29 =	smul.u32 $0x6200, s1;
	[sflag:s5] =	ssyncset.done $0x0  }
0x19: {  	s22 =	sadd.s32 $0x37A00, s2;
	[sflag:s5] =	ssyncadd.s32 $0xFFFFF3C0  }
0x1a: {  	s15 =	simm.s32 $0xC40;
	s13 =	sadd.s32 s22, s29;
	[bflag:$0x0] =	sbarrier.arrive $0xFFFF  }
0x1b: {  	[tilespmem:s15], [sflag:$0x1] =	stream.linear.gather [hbm4b:s13+s14], $0xC400, $0x38;
	[tilespmem:$0x19F40] =	vst v63  }
0x1c: {  	_ =	swait.ge [sflag:s5], $0xC400  }
0x1d: {  	[sflag:s5] =	ssyncset.done $0x0  }
0x1e: {  	s13 =	simm.s32 $0x70;
	[sflag:s5] =	ssyncadd.s32 $0xFFFF3C00  }
0x1f: {  	[spmem:s8] =	stream.indirect.scatter.add.f32 [tilespmem:s15], [sflag:$0x1], $0x40, s14, s13, $0xb8;
	[tilespmem:$0x19F40] =	vst v63  }
0x20: {  	_ =	swait.ge [sflag:s5], $0x1C00  }
0x21: {  	[sflag:s5] =	ssyncset.done $0x0  }
0x22: {  	[sflag:s5] =	ssyncadd.s32 $0xFFFFE400  }
0x23: {  	[spmem:s6] =	stream.indirect.scatter.add.f32 [tilespmem:s12], [sflag:$0x1], $0x10, s14, s13, $0xb8;
	[tilespmem:$0x19F40] =	vst v63  }
0x24: {  	_ =	swait.ge [sflag:s5], $0x700  }
0x25: {  	[sflag:s5] =	ssyncset.done $0x0  }
0x26: {  	s16 =	simm.s32 $0x2840;
	[sflag:s5] =	ssyncadd.s32 $0xFFFFF900  }
0x27: {  	[spmem:s8] =	stream.indirect.scatter.add.f32 [tilespmem:s16], [sflag:$0x1], $0x40, s13, s13, $0xb8;
	[tilespmem:$0x19F40] =	vst v63  }
0x28: {  	_ =	swait.ge [sflag:s5], $0x1C00  }
0x29: {  	[sflag:s5] =	ssyncset.done $0x0  }
0x2a: {  	[sflag:s5] =	ssyncadd.s32 $0xFFFFE400  }
0x2b: {  	[spmem:s6] =	stream.indirect.scatter.add.f32 [tilespmem:s12], [sflag:$0x1], $0x10, s13, s13, $0xb8;
	[tilespmem:$0x19F40] =	vst v63  }
0x2c: {  	_ =	swait.ge [sflag:s5], $0x700  }
0x2d: {  	[sflag:s5] =	ssyncset.done $0x0  }
0x2e: {  	s18 =	simm.s32 $0xE0;
	s17 =	simm.s32 $0x4440;
	[sflag:s5] =	ssyncadd.s32 $0xFFFFF900  }
0x2f: {  	[spmem:s8] =	stream.indirect.scatter.add.f32 [tilespmem:s17], [sflag:$0x1], $0x40, s18, s13, $0xb8;
	[tilespmem:$0x19F40] =	vst v63  }
0x30: {  	_ =	swait.ge [sflag:s5], $0x1C00  }
0x31: {  	[sflag:s5] =	ssyncset.done $0x0  }
0x32: {  	[sflag:s5] =	ssyncadd.s32 $0xFFFFE400  }
0x33: {  	[spmem:s6] =	stream.indirect.scatter.add.f32 [tilespmem:s12], [sflag:$0x1], $0x10, s18, s13, $0xb8;
	[tilespmem:$0x19F40] =	vst v63  }
0x34: {  	_ =	swait.ge [sflag:s5], $0x700  }
0x35: {  	[sflag:s5] =	ssyncset.done $0x0  }
0x36: {  	s19 =	simm.s32 $0x150;
	s18 =	simm.s32 $0x6040;
	[sflag:s5] =	ssyncadd.s32 $0xFFFFF900  }
0x37: {  	[spmem:s8] =	stream.indirect.scatter.add.f32 [tilespmem:s18], [sflag:$0x1], $0x40, s19, s13, $0xb8;
	[tilespmem:$0x19F40] =	vst v63  }
0x38: {  	_ =	swait.ge [sflag:s5], $0x1C00  }
0x39: {  	[sflag:s5] =	ssyncset.done $0x0  }
0x3a: {  	[sflag:s5] =	ssyncadd.s32 $0xFFFFE400  }
0x3b: {  	[spmem:s6] =	stream.indirect.scatter.add.f32 [tilespmem:s12], [sflag:$0x1], $0x10, s19, s13, $0xb8;
	[tilespmem:$0x19F40] =	vst v63  }
0x3c: {  	_ =	swait.ge [sflag:s5], $0x700  }
0x3d: {  	[sflag:s5] =	ssyncset.done $0x0  }
0x3e: {  	s20 =	simm.s32 $0x1C0;
	s19 =	simm.s32 $0x7C40;
	[sflag:s5] =	ssyncadd.s32 $0xFFFFF900  }
0x3f: {  	[spmem:s8] =	stream.indirect.scatter.add.f32 [tilespmem:s19], [sflag:$0x1], $0x40, s20, s13, $0xb8;
	[tilespmem:$0x19F40] =	vst v63  }
0x40: {  	_ =	swait.ge [sflag:s5], $0x1C00  }
0x41: {  	[sflag:s5] =	ssyncset.done $0x0  }
0x42: {  	[sflag:s5] =	ssyncadd.s32 $0xFFFFE400  }
0x43: {  	[spmem:s6] =	stream.indirect.scatter.add.f32 [tilespmem:s12], [sflag:$0x1], $0x10, s20, s13, $0xb8;
	[tilespmem:$0x19F40] =	vst v63  }
0x44: {  	_ =	swait.ge [sflag:s5], $0x700  }
0x45: {  	[sflag:s5] =	ssyncset.done $0x0  }
0x46: {  	s21 =	simm.s32 $0x230;
	s20 =	simm.s32 $0x9840;
	[sflag:s5] =	ssyncadd.s32 $0xFFFFF900  }
0x47: {  	[spmem:s8] =	stream.indirect.scatter.add.f32 [tilespmem:s20], [sflag:$0x1], $0x40, s21, s13, $0xb8;
	[tilespmem:$0x19F40] =	vst v63  }
0x48: {  	_ =	swait.ge [sflag:s5], $0x1C00  }
0x49: {  	[sflag:s5] =	ssyncset.done $0x0  }
0x4a: {  	[sflag:s5] =	ssyncadd.s32 $0xFFFFE400  }
0x4b: {  	[spmem:s6] =	stream.indirect.scatter.add.f32 [tilespmem:s12], [sflag:$0x1], $0x10, s21, s13, $0xb8;
	[tilespmem:$0x19F40] =	vst v63  }
0x4c: {  	_ =	swait.ge [sflag:s5], $0x700  }
0x4d: {  	[sflag:s5] =	ssyncset.done $0x0  }
0x4e: {  	s23 =	simm.s32 $0x2A0;
	s21 =	simm.s32 $0xB440;
	[sflag:s5] =	ssyncadd.s32 $0xFFFFF900  }
0x4f: {  	[spmem:s8] =	stream.indirect.scatter.add.f32 [tilespmem:s21], [sflag:$0x1], $0x40, s23, s13, $0xb8;
	[tilespmem:$0x19F40] =	vst v63  }
0x50: {  	_ =	swait.ge [sflag:s5], $0x1C00  }
0x51: {  	[sflag:s5] =	ssyncset.done $0x0  }
0x52: {  	s24 =	smul.u32 $0x31000, s1;
	[sflag:s5] =	ssyncadd.s32 $0xFFFFE400  }
0x53: {  	[spmem:s6] =	stream.indirect.scatter.add.f32 [tilespmem:s12], [sflag:$0x1], $0x10, s23, s13, $0xb8;
	[tilespmem:$0x19F40] =	vst v63  }
0x54: {  	s30 =	sshrl.u32 s24, $0x3;
	_ =	swait.ge [sflag:s5], $0x700  }
0x55: {  	s22 =	sadd.s32 s22, s30;
	[sflag:s5] =	ssyncset.done $0x0  }
0x56: {  	s23 =	sadd.s32 $0x1880, s22;
	[sflag:s5] =	ssyncadd.s32 $0xFFFFF900  }
0x57: {  	[tilespmem:s15], [sflag:$0x1] =	stream.linear.gather [hbm4b:s23+s14], $0xC400, $0x38;
	[tilespmem:$0x19F40] =	vst v63  }
0x58: {  	_ =	swait.ge [sflag:s5], $0xC400  }
0x59: {  	[sflag:s5] =	ssyncset.done $0x0  }
0x5a: {  	s31 =	simm.s32 $0x310;
	[sflag:s5] =	ssyncadd.s32 $0xFFFF3C00  }
0x5b: {  	[spmem:s8] =	stream.indirect.scatter.add.f32 [tilespmem:s15], [sflag:$0x1], $0x40, s31, s13, $0xb8;
	[tilespmem:$0x19F40] =	vst v63  }
0x5c: {  	_ =	swait.ge [sflag:s5], $0x1C00  }
0x5d: {  	[sflag:s5] =	ssyncset.done $0x0  }
0x5e: {  	[sflag:s5] =	ssyncadd.s32 $0xFFFFE400  }
0x5f: {  	[spmem:s6] =	stream.indirect.scatter.add.f32 [tilespmem:s12], [sflag:$0x1], $0x10, s31, s13, $0xb8;
	[tilespmem:$0x19F40] =	vst v63  }
0x60: {  	_ =	swait.ge [sflag:s5], $0x700  }
0x61: {  	[sflag:s5] =	ssyncset.done $0x0  }
0x62: {  	s24 =	simm.s32 $0x380;
	[sflag:s5] =	ssyncadd.s32 $0xFFFFF900  }
0x63: {  	[spmem:s8] =	stream.indirect.scatter.add.f32 [tilespmem:s16], [sflag:$0x1], $0x40, s24, s13, $0xb8;
	[tilespmem:$0x19F40] =	vst v63  }
0x64: {  	_ =	swait.ge [sflag:s5], $0x1C00  }
0x65: {  	[sflag:s5] =	ssyncset.done $0x0  }
0x66: {  	[sflag:s5] =	ssyncadd.s32 $0xFFFFE400  }
0x67: {  	[spmem:s6] =	stream.indirect.scatter.add.f32 [tilespmem:s12], [sflag:$0x1], $0x10, s24, s13, $0xb8;
	[tilespmem:$0x19F40] =	vst v63  }
0x68: {  	_ =	swait.ge [sflag:s5], $0x700  }
0x69: {  	[sflag:s5] =	ssyncset.done $0x0  }
0x6a: {  	s25 =	simm.s32 $0x3F0;
	[sflag:s5] =	ssyncadd.s32 $0xFFFFF900  }
0x6b: {  	[spmem:s8] =	stream.indirect.scatter.add.f32 [tilespmem:s17], [sflag:$0x1], $0x40, s25, s13, $0xb8;
	[tilespmem:$0x19F40] =	vst v63  }
0x6c: {  	_ =	swait.ge [sflag:s5], $0x1C00  }
0x6d: {  	[sflag:s5] =	ssyncset.done $0x0  }
0x6e: {  	[sflag:s5] =	ssyncadd.s32 $0xFFFFE400  }
0x6f: {  	[spmem:s6] =	stream.indirect.scatter.add.f32 [tilespmem:s12], [sflag:$0x1], $0x10, s25, s13, $0xb8;
	[tilespmem:$0x19F40] =	vst v63  }
0x70: {  	_ =	swait.ge [sflag:s5], $0x700  }
0x71: {  	[sflag:s5] =	ssyncset.done $0x0  }
0x72: {  	s26 =	simm.s32 $0x460;
	[sflag:s5] =	ssyncadd.s32 $0xFFFFF900  }
0x73: {  	[spmem:s8] =	stream.indirect.scatter.add.f32 [tilespmem:s18], [sflag:$0x1], $0x40, s26, s13, $0xb8;
	[tilespmem:$0x19F40] =	vst v63  }
0x74: {  	_ =	swait.ge [sflag:s5], $0x1C00  }
0x75: {  	[sflag:s5] =	ssyncset.done $0x0  }
0x76: {  	[sflag:s5] =	ssyncadd.s32 $0xFFFFE400  }
0x77: {  	[spmem:s6] =	stream.indirect.scatter.add.f32 [tilespmem:s12], [sflag:$0x1], $0x10, s26, s13, $0xb8;
	[tilespmem:$0x19F40] =	vst v63  }
0x78: {  	_ =	swait.ge [sflag:s5], $0x700  }
0x79: {  	[sflag:s5] =	ssyncset.done $0x0  }
0x7a: {  	s28 =	simm.s32 $0x4D0;
	[sflag:s5] =	ssyncadd.s32 $0xFFFFF900  }
0x7b: {  	[spmem:s8] =	stream.indirect.scatter.add.f32 [tilespmem:s19], [sflag:$0x1], $0x40, s28, s13, $0xb8;
	[tilespmem:$0x19F40] =	vst v63  }
0x7c: {  	_ =	swait.ge [sflag:s5], $0x1C00  }
0x7d: {  	[sflag:s5] =	ssyncset.done $0x0  }
0x7e: {  	[sflag:s5] =	ssyncadd.s32 $0xFFFFE400  }
0x7f: {  	[spmem:s6] =	stream.indirect.scatter.add.f32 [tilespmem:s12], [sflag:$0x1], $0x10, s28, s13, $0xb8;
	[tilespmem:$0x19F40] =	vst v63  }
0x80: {  	_ =	swait.ge [sflag:s5], $0x700  }
0x81: {  	[sflag:s5] =	ssyncset.done $0x0  }
0x82: {  	s29 =	simm.s32 $0x540;
	[sflag:s5] =	ssyncadd.s32 $0xFFFFF900  }
0x83: {  	[spmem:s8] =	stream.indirect.scatter.add.f32 [tilespmem:s20], [sflag:$0x1], $0x40, s29, s13, $0xb8;
	[tilespmem:$0x19F40] =	vst v63  }
0x84: {  	_ =	swait.ge [sflag:s5], $0x1C00  }
0x85: {  	[sflag:s5] =	ssyncset.done $0x0  }
0x86: {  	[sflag:s5] =	ssyncadd.s32 $0xFFFFE400  }
0x87: {  	[spmem:s6] =	stream.indirect.scatter.add.f32 [tilespmem:s12], [sflag:$0x1], $0x10, s29, s13, $0xb8;
	[tilespmem:$0x19F40] =	vst v63  }
0x88: {  	_ =	swait.ge [sflag:s5], $0x700  }
0x89: {  	[sflag:s5] =	ssyncset.done $0x0  }
0x8a: {  	s30 =	simm.s32 $0x5B0;
	[sflag:s5] =	ssyncadd.s32 $0xFFFFF900  }
0x8b: {  	[spmem:s8] =	stream.indirect.scatter.add.f32 [tilespmem:s21], [sflag:$0x1], $0x40, s30, s13, $0xb8;
	[tilespmem:$0x19F40] =	vst v63  }
0x8c: {  	_ =	swait.ge [sflag:s5], $0x1C00  }
0x8d: {  	[sflag:s5] =	ssyncset.done $0x0  }
0x8e: {  	[sflag:s5] =	ssyncadd.s32 $0xFFFFE400  }
0x8f: {  	[spmem:s6] =	stream.indirect.scatter.add.f32 [tilespmem:s12], [sflag:$0x1], $0x10, s30, s13, $0xb8;
	[tilespmem:$0x19F40] =	vst v63  }
0x90: {  	_ =	swait.ge [sflag:s5], $0x700  }
0x91: {  	[sflag:s5] =	ssyncset.done $0x0  }
0x92: {  	s31 =	sadd.s32 $0x3100, s22;
	[sflag:s5] =	ssyncadd.s32 $0xFFFFF900  }
0x93: {  	[tilespmem:s15], [sflag:$0x1] =	stream.linear.gather [hbm4b:s31+s14], $0xC400, $0x38;
	[tilespmem:$0x19F40] =	vst v63  }
0x94: {  	_ =	swait.ge [sflag:s5], $0xC400  }
0x95: {  	[sflag:s5] =	ssyncset.done $0x0  }
0x96: {  	s24 =	simm.s32 $0x620;
	[sflag:s5] =	ssyncadd.s32 $0xFFFF3C00  }
0x97: {  	[spmem:s8] =	stream.indirect.scatter.add.f32 [tilespmem:s15], [sflag:$0x1], $0x40, s24, s13, $0xb8;
	[tilespmem:$0x19F40] =	vst v63  }
0x98: {  	_ =	swait.ge [sflag:s5], $0x1C00  }
0x99: {  	[sflag:s5] =	ssyncset.done $0x0  }
0x9a: {  	[sflag:s5] =	ssyncadd.s32 $0xFFFFE400  }
0x9b: {  	[spmem:s6] =	stream.indirect.scatter.add.f32 [tilespmem:s12], [sflag:$0x1], $0x10, s24, s13, $0xb8;
	[tilespmem:$0x19F40] =	vst v63  }
0x9c: {  	_ =	swait.ge [sflag:s5], $0x700  }
0x9d: {  	[sflag:s5] =	ssyncset.done $0x0  }
0x9e: {  	s25 =	simm.s32 $0x690;
	[sflag:s5] =	ssyncadd.s32 $0xFFFFF900  }
0x9f: {  	[spmem:s8] =	stream.indirect.scatter.add.f32 [tilespmem:s16], [sflag:$0x1], $0x40, s25, s13, $0xb8;
	[tilespmem:$0x19F40] =	vst v63  }
0xa0: {  	_ =	swait.ge [sflag:s5], $0x1C00  }
0xa1: {  	[sflag:s5] =	ssyncset.done $0x0  }
0xa2: {  	[sflag:s5] =	ssyncadd.s32 $0xFFFFE400  }
0xa3: {  	[spmem:s6] =	stream.indirect.scatter.add.f32 [tilespmem:s12], [sflag:$0x1], $0x10, s25, s13, $0xb8;
	[tilespmem:$0x19F40] =	vst v63  }
0xa4: {  	_ =	swait.ge [sflag:s5], $0x700  }
0xa5: {  	[sflag:s5] =	ssyncset.done $0x0  }
0xa6: {  	s26 =	simm.s32 $0x700;
	[sflag:s5] =	ssyncadd.s32 $0xFFFFF900  }
0xa7: {  	[spmem:s8] =	stream.indirect.scatter.add.f32 [tilespmem:s17], [sflag:$0x1], $0x40, s26, s13, $0xb8;
	[tilespmem:$0x19F40] =	vst v63  }
0xa8: {  	_ =	swait.ge [sflag:s5], $0x1C00  }
0xa9: {  	[sflag:s5] =	ssyncset.done $0x0  }
0xaa: {  	[sflag:s5] =	ssyncadd.s32 $0xFFFFE400  }
0xab: {  	[spmem:s6] =	stream.indirect.scatter.add.f32 [tilespmem:s12], [sflag:$0x1], $0x10, s26, s13, $0xb8;
	[tilespmem:$0x19F40] =	vst v63  }
0xac: {  	_ =	swait.ge [sflag:s5], $0x700  }
0xad: {  	[sflag:s5] =	ssyncset.done $0x0  }
0xae: {  	s28 =	simm.s32 $0x770;
	[sflag:s5] =	ssyncadd.s32 $0xFFFFF900  }
0xaf: {  	[spmem:s8] =	stream.indirect.scatter.add.f32 [tilespmem:s18], [sflag:$0x1], $0x40, s28, s13, $0xb8;
	[tilespmem:$0x19F40] =	vst v63  }
0xb0: {  	_ =	swait.ge [sflag:s5], $0x1C00  }
0xb1: {  	[sflag:s5] =	ssyncset.done $0x0  }
0xb2: {  	[sflag:s5] =	ssyncadd.s32 $0xFFFFE400  }
0xb3: {  	[spmem:s6] =	stream.indirect.scatter.add.f32 [tilespmem:s12], [sflag:$0x1], $0x10, s28, s13, $0xb8;
	[tilespmem:$0x19F40] =	vst v63  }
0xb4: {  	_ =	swait.ge [sflag:s5], $0x700  }
0xb5: {  	[sflag:s5] =	ssyncset.done $0x0  }
0xb6: {  	s29 =	simm.s32 $0x7E0;
	[sflag:s5] =	ssyncadd.s32 $0xFFFFF900  }
0xb7: {  	[spmem:s8] =	stream.indirect.scatter.add.f32 [tilespmem:s19], [sflag:$0x1], $0x40, s29, s13, $0xb8;
	[tilespmem:$0x19F40] =	vst v63  }
0xb8: {  	_ =	swait.ge [sflag:s5], $0x1C00  }
0xb9: {  	[sflag:s5] =	ssyncset.done $0x0  }
0xba: {  	[sflag:s5] =	ssyncadd.s32 $0xFFFFE400  }
0xbb: {  	[spmem:s6] =	stream.indirect.scatter.add.f32 [tilespmem:s12], [sflag:$0x1], $0x10, s29, s13, $0xb8;
	[tilespmem:$0x19F40] =	vst v63  }
0xbc: {  	_ =	swait.ge [sflag:s5], $0x700  }
0xbd: {  	[sflag:s5] =	ssyncset.done $0x0  }
0xbe: {  	s30 =	simm.s32 $0x850;
	[sflag:s5] =	ssyncadd.s32 $0xFFFFF900  }
0xbf: {  	[spmem:s8] =	stream.indirect.scatter.add.f32 [tilespmem:s20], [sflag:$0x1], $0x40, s30, s13, $0xb8;
	[tilespmem:$0x19F40] =	vst v63  }
0xc0: {  	_ =	swait.ge [sflag:s5], $0x1C00  }
0xc1: {  	[sflag:s5] =	ssyncset.done $0x0  }
0xc2: {  	[sflag:s5] =	ssyncadd.s32 $0xFFFFE400  }
0xc3: {  	[spmem:s6] =	stream.indirect.scatter.add.f32 [tilespmem:s12], [sflag:$0x1], $0x10, s30, s13, $0xb8;
	[tilespmem:$0x19F40] =	vst v63  }
0xc4: {  	_ =	swait.ge [sflag:s5], $0x700  }
0xc5: {  	[sflag:s5] =	ssyncset.done $0x0  }
0xc6: {  	s31 =	simm.s32 $0x8C0;
	[sflag:s5] =	ssyncadd.s32 $0xFFFFF900  }
0xc7: {  	[spmem:s8] =	stream.indirect.scatter.add.f32 [tilespmem:s21], [sflag:$0x1], $0x40, s31, s13, $0xb8;
	[tilespmem:$0x19F40] =	vst v63  }
0xc8: {  	_ =	swait.ge [sflag:s5], $0x1C00  }
0xc9: {  	[sflag:s5] =	ssyncset.done $0x0  }
0xca: {  	[sflag:s5] =	ssyncadd.s32 $0xFFFFE400  }
0xcb: {  	[spmem:s6] =	stream.indirect.scatter.add.f32 [tilespmem:s12], [sflag:$0x1], $0x10, s31, s13, $0xb8;
	[tilespmem:$0x19F40] =	vst v63  }
0xcc: {  	_ =	swait.ge [sflag:s5], $0x700  }
0xcd: {  	[sflag:s5] =	ssyncset.done $0x0  }
0xce: {  	s22 =	sadd.s32 $0x4980, s22;
	[sflag:s5] =	ssyncadd.s32 $0xFFFFF900  }
0xcf: {  	[tilespmem:s15], [sflag:$0x1] =	stream.linear.gather [hbm4b:s22+s14], $0xC400, $0x38;
	[tilespmem:$0x19F40] =	vst v63  }
0xd0: {  	_ =	swait.ge [sflag:s5], $0xC400  }
0xd1: {  	[sflag:s5] =	ssyncset.done $0x0  }
0xd2: {  	s22 =	simm.s32 $0x930;
	[sflag:s5] =	ssyncadd.s32 $0xFFFF3C00  }
0xd3: {  	[spmem:s8] =	stream.indirect.scatter.add.f32 [tilespmem:s15], [sflag:$0x1], $0x40, s22, s13, $0xb8;
	[tilespmem:$0x19F40] =	vst v63  }
0xd4: {  	_ =	swait.ge [sflag:s5], $0x1C00  }
0xd5: {  	[sflag:s5] =	ssyncset.done $0x0  }
0xd6: {  	[sflag:s5] =	ssyncadd.s32 $0xFFFFE400  }
0xd7: {  	[spmem:s6] =	stream.indirect.scatter.add.f32 [tilespmem:s12], [sflag:$0x1], $0x10, s22, s13, $0xb8;
	[tilespmem:$0x19F40] =	vst v63  }
0xd8: {  	_ =	swait.ge [sflag:s5], $0x700  }
0xd9: {  	[sflag:s5] =	ssyncset.done $0x0  }
0xda: {  	s23 =	simm.s32 $0x9A0;
	[sflag:s5] =	ssyncadd.s32 $0xFFFFF900  }
0xdb: {  	[spmem:s8] =	stream.indirect.scatter.add.f32 [tilespmem:s16], [sflag:$0x1], $0x40, s23, s13, $0xb8;
	[tilespmem:$0x19F40] =	vst v63  }
0xdc: {  	_ =	swait.ge [sflag:s5], $0x1C00  }
0xdd: {  	[sflag:s5] =	ssyncset.done $0x0  }
0xde: {  	[sflag:s5] =	ssyncadd.s32 $0xFFFFE400  }
0xdf: {  	[spmem:s6] =	stream.indirect.scatter.add.f32 [tilespmem:s12], [sflag:$0x1], $0x10, s23, s13, $0xb8;
	[tilespmem:$0x19F40] =	vst v63  }
0xe0: {  	_ =	swait.ge [sflag:s5], $0x700  }
0xe1: {  	[sflag:s5] =	ssyncset.done $0x0  }
0xe2: {  	s24 =	simm.s32 $0xA10;
	[sflag:s5] =	ssyncadd.s32 $0xFFFFF900  }
0xe3: {  	[spmem:s8] =	stream.indirect.scatter.add.f32 [tilespmem:s17], [sflag:$0x1], $0x40, s24, s13, $0xb8;
	[tilespmem:$0x19F40] =	vst v63  }
0xe4: {  	_ =	swait.ge [sflag:s5], $0x1C00  }
0xe5: {  	[sflag:s5] =	ssyncset.done $0x0  }
0xe6: {  	[sflag:s5] =	ssyncadd.s32 $0xFFFFE400  }
0xe7: {  	[spmem:s6] =	stream.indirect.scatter.add.f32 [tilespmem:s12], [sflag:$0x1], $0x10, s24, s13, $0xb8;
	[tilespmem:$0x19F40] =	vst v63  }
0xe8: {  	_ =	swait.ge [sflag:s5], $0x700  }
0xe9: {  	[sflag:s5] =	ssyncset.done $0x0  }
0xea: {  	s25 =	simm.s32 $0xA80;
	[sflag:s5] =	ssyncadd.s32 $0xFFFFF900  }
0xeb: {  	[spmem:s8] =	stream.indirect.scatter.add.f32 [tilespmem:s18], [sflag:$0x1], $0x40, s25, s13, $0xb8;
	[tilespmem:$0x19F40] =	vst v63  }
0xec: {  	_ =	swait.ge [sflag:s5], $0x1C00  }
0xed: {  	[sflag:s5] =	ssyncset.done $0x0  }
0xee: {  	[sflag:s5] =	ssyncadd.s32 $0xFFFFE400  }
0xef: {  	[spmem:s6] =	stream.indirect.scatter.add.f32 [tilespmem:s12], [sflag:$0x1], $0x10, s25, s13, $0xb8;
	[tilespmem:$0x19F40] =	vst v63  }
0xf0: {  	_ =	swait.ge [sflag:s5], $0x700  }
0xf1: {  	[sflag:s5] =	ssyncset.done $0x0  }
0xf2: {  	s26 =	simm.s32 $0xAF0;
	[sflag:s5] =	ssyncadd.s32 $0xFFFFF900  }
0xf3: {  	[spmem:s8] =	stream.indirect.scatter.add.f32 [tilespmem:s19], [sflag:$0x1], $0x40, s26, s13, $0xb8;
	[tilespmem:$0x19F40] =	vst v63  }
0xf4: {  	_ =	swait.ge [sflag:s5], $0x1C00  }
0xf5: {  	[sflag:s5] =	ssyncset.done $0x0  }
0xf6: {  	[sflag:s5] =	ssyncadd.s32 $0xFFFFE400  }
0xf7: {  	[spmem:s6] =	stream.indirect.scatter.add.f32 [tilespmem:s12], [sflag:$0x1], $0x10, s26, s13, $0xb8;
	[tilespmem:$0x19F40] =	vst v63  }
0xf8: {  	_ =	swait.ge [sflag:s5], $0x700  }
0xf9: {  	[sflag:s5] =	ssyncset.done $0x0  }
0xfa: {  	s28 =	simm.s32 $0xB60;
	[sflag:s5] =	ssyncadd.s32 $0xFFFFF900  }
0xfb: {  	[spmem:s8] =	stream.indirect.scatter.add.f32 [tilespmem:s20], [sflag:$0x1], $0x40, s28, s13, $0xb8;
	[tilespmem:$0x19F40] =	vst v63  }
0xfc: {  	_ =	swait.ge [sflag:s5], $0x1C00  }
0xfd: {  	[sflag:s5] =	ssyncset.done $0x0  }
0xfe: {  	[sflag:s5] =	ssyncadd.s32 $0xFFFFE400  }
0xff: {  	[spmem:s6] =	stream.indirect.scatter.add.f32 [tilespmem:s12], [sflag:$0x1], $0x10, s28, s13, $0xb8;
	[tilespmem:$0x19F40] =	vst v63  }
0x100: {  	_ =	swait.ge [sflag:s5], $0x700  }
0x101: {  	[sflag:s5] =	ssyncset.done $0x0  }
0x102: {  	s29 =	simm.s32 $0xBD0;
	[sflag:s5] =	ssyncadd.s32 $0xFFFFF900  }
0x103: {  	[spmem:s8] =	stream.indirect.scatter.add.f32 [tilespmem:s21], [sflag:$0x1], $0x40, s29, s13, $0xb8;
	[tilespmem:$0x19F40] =	vst v63  }
0x104: {  	_ =	swait.ge [sflag:s5], $0x1C00  }
0x105: {  	[sflag:s5] =	ssyncset.done $0x0  }
0x106: {  	[sflag:s5] =	ssyncadd.s32 $0xFFFFE400  }
0x107: {  	[spmem:s6] =	stream.indirect.scatter.add.f32 [tilespmem:s12], [sflag:$0x1], $0x10, s29, s13, $0xb8;
	[tilespmem:$0x19F40] =	vst v63  }
0x108: {  	_ =	swait.ge [sflag:s5], $0x700  }
0x109: {  	[sflag:s5] =	ssyncset.done $0x0  }
0x10a: {  	s30 =	sshrl.u32 s7, $0x3;
	[sflag:s5] =	ssyncadd.s32 $0xFFFFF900  }
0x10b: {  	s3 =	sadd.s32 s3, s30;
	[bflag:$0x0] =	sbarrier.arrive $0xFFFF  }
0x10c: {  	[hbm:s3], [sflag:s4] =	dma.local [spmem:s9], $0x1400  }
0x10d: {  	s31 =	sshrl.u32 s10, $0x3;
	_ =	swait.ge [sflag:s5], $0x1400  }
0x10e: {  	s2 =	sadd.s32 s31, s2;
	[sflag:s5] =	ssyncset.done $0x0  }
0x10f: {  	s2 =	sadd.s32 $0x6C00, s2;
	[sflag:s5] =	ssyncadd.s32 $0xFFFFEC00  }
0x110: {  	[hbm:s2], [sflag:s4] =	dma.local [spmem:s11], $0x500  }
0x111: {  	_ =	swait.ge [sflag:s5], $0x500  }
0x112: {  	[sflag:s5] =	ssyncset.done $0x0  }
0x113: {  	[sflag:s5] =	ssyncadd.s32 $0xFFFFFB00  }
0x114: {  	_ =	sfence.sel $0x180000  }
0x115: {  	[bflag:$0x0] =	sbarrier.arrive $0xFFFF  }
0x116: {  	p0 =	sne.s32 s1, $0x0;
	_ =	strace $0x9000004A  }
0x117: {  	s0 =	sadd.s32 @!p0 $0x100000, s0;
	[bflag:$0x2] =	sbarrier.arrive $0xFFFF  }
0x118: {  	[sflag:s0] =	ssyncadd.tile.s32 @!p0 $0x1;
	_ =	shalt  }
.Lfunc_end2:
_tile_overlayer_lowered:
.L_overlay_start_2:
0x119: {  	(tag) =	ssettag $0x2  }
0x11a: {  	s0 =	rddreg [dreg:$0x0];
	s2 =	stileid.u32  }
0x11b: {  	s1 =	rddreg [dreg:$0x1];
	p0 =	sne.s32 s2, $0x0  }
0x11c: {  	s3 =	rddreg [dreg:$0x2];
	[bflag:$0x3] =	sbarrier.arrive $0xFFFF;
	s2 =	simm.s32 @!p0 $0x1C01  }
0x11d: {  	[timem:s3], [sflag:s2] =	dma.local @!p0 [hbm:s0], s1  }
0x11e: {  	s0 =	simm.s32 @!p0 $0x1  }
0x11f: {  	_ =	swait.ge @!p0 [sflag:s0], s1  }
0x120: {  	s1 =	ssub.s32 @!p0 $0x0, s1;
	[sflag:s0] =	ssyncset.done @!p0 $0x0  }
0x121: {  	[sflag:s0] =	ssyncadd.s32 @!p0 s1  }
0x122: {  	[bflag:$0x3] =	sbarrier.arrive $0xFFFF  }
0x123: {  	_ =	shalt  }

// kernel: kernel.16.cloned.1.call-start
scs
__scs_entry_jumppad:
0x0: {  	(pc) =	sbr.rel $0x88, $3  }
0x1: {  	(tag) =	ssettag $0x0;
	lr =	simm.s32 $0x1  }
0x2: {  	[smem:$0x3F90] =	sst lr;
	_ =	strace $0xD0000000  }
0x3: {  	_ = 	snop  }
0x4: {  	_ = 	snop  }
0x5: {  	_ = 	snop  }
0x6: {  	_ = 	snop  }
0x7: {  	_ = 	snop  }
__scs_overlays_trampoline_lowered:
0x8: {  	[smem:$0x3F9F] =	sst s0  }
0x9: {  	[smem:$0x3FA0] =	sst s1  }
0xa: {  	[smem:$0x3FA1] =	sst s2  }
0xb: {  	[smem:$0x3FA2] =	sst s3  }
0xc: {  	[smem:$0x3FA3] =	sst s4  }
0xd: {  	[smem:$0x3FA4] =	sst s5  }
0xe: {  	[smem:$0x3FA5] =	sst s6  }
0xf: {  	[smem:$0x3FA6] =	sst s7  }
0x10: {  	[smem:$0x3FA7] =	sst s8  }
0x11: {  	[smem:$0x3FA8] =	sst s9;
	s0 =	simm.s32 @!p0 $0x0  }
0x12: {  	s1 =	sld [smem:$0x3F8E];
	s0 =	simm.s32 @p0 $0x1  }
0x13: {  	[smem:$0x3FA9] =	sst s0;
	s0 =	simm.s32 @!p1 $0x0  }
0x14: {  	s2 =	sld [smem:$0x3F8D];
	s0 =	simm.s32 @p1 $0x1  }
0x15: {  	[smem:$0x3FAA] =	sst s0;
	s0 =	simm.s32 @!p2 $0x0  }
0x16: {  	s3 =	sld [smem:$0x3FDB];
	s0 =	simm.s32 @p2 $0x1  }
0x17: {  	s4 =	simm.s32 $0x1BF5;
	[smem:$0x3FAC] =	sst s0  }
0x18: {  	s0 =	sld [smem:$0x3F8F];
	_ =	swait.ge [sflag:s4], $0x0  }
0x19: {  	s7 =	sld [smem:$0x3F90]  }
0x1a: {  	s8 =	sadd.s32 $0xFFFFE003, lr  }
0x1b: {  	s9 =	sadd.s32 $0xFFFFFEF7, lr;
	s5 =	simm.s32 $0xFFFFFFFF;
	p2 =	slt.u32 s8, $0xFFFFF086  }
0x1c: {  	p1 =	slt.u32 s9, $0xF7A;
	s5 =	simm.s32 @!p2 $0x0  }
0x1d: {  	s5 =	simm.s32 @p1 $0x1;
	p0 =	seq.s32 s7, s2  }
0x1e: {  	s7 =	smul.u32 @!p0 $0xF7A, s2;
	p2 =	seq.s32 @!p0 s5, $0x0  }
0x1f: {  	s9 =	smul.u32 $0xF7A, s1;
	s8 =	simm.s32 @!p0 $0x1BF5;
	p2 =	por !p2, p0  }
0x20: {  	[sflag:s8] =	ssyncset.s32 @!p0 $0xFFFFF086;
	s6 =	sadd.s32 @!p0 s3, s7;
	s7 =	simm.s32 @!p0 $0x108  }
0x21: {  	s3 =	sadd.s32 s3, s9;
	s6 =	sadd.s32 @!p0 $0x88, s6;
	s7 =	simm.s32 @p2 $0x1082  }
0x22: {  	[simem:s7], [sflag:s8] =	dma.local @!p0 [hbm:s6], $0xF7A  }
0x23: {  	s9 =	sor.u32 $0xD0000000, s2;
	s6 =	simm.s32 $0x108;
	_ =	swait.ge @!p0 [sflag:s8], $0x0  }
0x24: {  	s3 =	sadd.s32 $0x88, s3;
	s6 =	simm.s32 @!p1 $0x1082;
	[sflag:s4] =	ssyncset.s32 $0xFFFFF086  }
0x25: {  	[simem:s6], [sflag:s4] =	dma.local [hbm:s3], $0xF7A  }
0x26: {  	[smem:$0x3F90] =	sst s1;
	(tag) =	ssettag s2;
	_ =	strace s9  }
0x27: {  	s1 =	sld [smem:$0x3FA0]  }
0x28: {  	s2 =	sld [smem:$0x3FA1]  }
0x29: {  	s4 =	sld [smem:$0x3FA3]  }
0x2a: {  	p0 =	seq.s32 s5, $0x0;
	s5 =	sld [smem:$0x3FA4]  }
0x2b: {  	s6 =	sld [smem:$0x3FA5]  }
0x2c: {  	s7 =	sld [smem:$0x3FA6]  }
0x2d: {  	s3 =	simm.s32 $0x108;
	s8 =	sld [smem:$0x3FA7]  }
0x2e: {  	s3 =	simm.s32 @!p0 $0x1082;
	s9 =	sld [smem:$0x3FA8]  }
0x2f: {  	lr =	sadd.s32 s0, s3;
	s0 =	sld [smem:$0x3F9F]  }
0x30: {  	s3 =	sld [smem:$0x3FA2]  }
0x31: {  	[smem:$0x3FAB] =	sst s10  }
0x32: {  	s10 =	sld [smem:$0x3FA9];
	_ =	sdelay $0x3  }
0x33: {  	p0 =	seq.s32 s10, $0x1;
	s10 =	sld [smem:$0x3FAB];
	_ =	sdelay $0x3  }
0x34: {  	[smem:$0x3FAB] =	sst s10  }
0x35: {  	s10 =	sld [smem:$0x3FAA];
	_ =	sdelay $0x3  }
0x36: {  	p1 =	seq.s32 s10, $0x1;
	s10 =	sld [smem:$0x3FAB];
	_ =	sdelay $0x3  }
0x37: {  	[smem:$0x3FAB] =	sst s10  }
0x38: {  	s10 =	sld [smem:$0x3FAC]  }
0x39: {  	_ = 	snop;
	(pc) =	sbr.ind lr, $3  }
0x3a: {  	_ = 	snop  }
0x3b: {  	_ = 	snop  }
0x3c: {  	p2 =	seq.s32 s10, $0x1;
	s10 =	sld [smem:$0x3FAB]  }
0x3d: {  	_ =	shalt  }
0x3e: {  	_ =	shalt  }
0x3f: {  	_ =	shalt  }
0x40: {  	_ =	shalt  }
0x41: {  	_ =	shalt  }
0x42: {  	_ =	shalt  }
0x43: {  	_ =	shalt  }
0x44: {  	_ =	shalt  }
0x45: {  	_ =	shalt  }
0x46: {  	_ =	shalt  }
0x47: {  	_ =	shalt  }
0x48: {  	_ =	shalt  }
0x49: {  	_ =	shalt  }
0x4a: {  	_ =	shalt  }
0x4b: {  	_ =	shalt  }
0x4c: {  	_ =	shalt  }
0x4d: {  	_ =	shalt  }
0x4e: {  	_ =	shalt  }
0x4f: {  	_ =	shalt  }
0x50: {  	_ =	shalt  }
0x51: {  	_ =	shalt  }
0x52: {  	_ =	shalt  }
0x53: {  	_ =	shalt  }
0x54: {  	_ =	shalt  }
0x55: {  	_ =	shalt  }
0x56: {  	_ =	shalt  }
0x57: {  	_ =	shalt  }
0x58: {  	_ =	shalt  }
0x59: {  	_ =	shalt  }
0x5a: {  	_ =	shalt  }
0x5b: {  	_ =	shalt  }
0x5c: {  	_ =	shalt  }
0x5d: {  	_ =	shalt  }
0x5e: {  	_ =	shalt  }
0x5f: {  	_ =	shalt  }
0x60: {  	_ =	shalt  }
0x61: {  	_ =	shalt  }
0x62: {  	_ =	shalt  }
0x63: {  	_ =	shalt  }
0x64: {  	_ =	shalt  }
0x65: {  	_ =	shalt  }
0x66: {  	_ =	shalt  }
0x67: {  	_ =	shalt  }
0x68: {  	_ =	shalt  }
0x69: {  	_ =	shalt  }
0x6a: {  	_ =	shalt  }
0x6b: {  	_ =	shalt  }
0x6c: {  	_ =	shalt  }
0x6d: {  	_ =	shalt  }
0x6e: {  	_ =	shalt  }
0x6f: {  	_ =	shalt  }
0x70: {  	_ =	shalt  }
0x71: {  	_ =	shalt  }
0x72: {  	_ =	shalt  }
0x73: {  	_ =	shalt  }
0x74: {  	_ =	shalt  }
0x75: {  	_ =	shalt  }
0x76: {  	_ =	shalt  }
0x77: {  	_ =	shalt  }
0x78: {  	_ =	shalt  }
0x79: {  	_ =	shalt  }
0x7a: {  	_ =	shalt  }
0x7b: {  	_ =	shalt  }
0x7c: {  	_ =	shalt  }
0x7d: {  	_ =	shalt  }
0x7e: {  	_ =	shalt  }
0x7f: {  	_ =	shalt  }
0x80: {  	_ =	shalt  }
0x81: {  	_ =	shalt  }
0x82: {  	_ =	shalt  }
0x83: {  	_ =	shalt  }
0x84: {  	_ =	shalt  }
0x85: {  	_ =	shalt  }
0x86: {  	_ =	shalt  }
0x87: {  	_ =	shalt  }
.Lfunc_end0:
.L_simem_size_0:
called_computation.2_lowered:
.L_overlay_start_0:
0x88: {  	s2 =	sld [smem:$0x3FD9]  }
0x89: {  	s3 =	sld [smem:$0x3FFE];
	_ =	sdelay $0x1  }
0x8a: {  	s1 =	srdreg.scid  }
0x8b: {  	s0 =	sand.u32 $0x1, s1  }
0x8c: {  	s17 =	sshll.u32 s0, $0xA;
	s2 =	sadd.s32 s3, s2  }
0x8d: {  	s2 =	sadd.s32 s2, s17  }
0x8e: {  	[smem:$0x3FB7] =	sst s2  }
0x8f: {  	_ = 	snop  }
0x90: {  	s2 =	sld [smem:$0x3FD0];
	(tm) =	ssettm $0x1  }
0x91: {  	s18 =	sld [smem:$0x3FFB];
	_ =	sdelay $0x3  }
0x92: {  	_ =	strace s18  }
0x93: {  	s3 =	sld [smem:$0x3FFC];
	_ =	sdelay $0x3  }
0x94: {  	_ =	strace s3  }
0x95: {  	s3 =	sld [smem:$0x3FFD];
	_ =	sdelay $0x3  }
0x96: {  	_ =	strace s3  }
0x97: {  	_ =	strace $0x8FFFFFFF  }
0x98: {  	s19 =	sld [smem:$0x3FDB];
	_ =	sdelay $0x1  }
0x99: {  	s4 =	simm.s32 $_scs_section_size  }
0x9a: {  	s5 =	simm.s32 $_size__tile_overlayer_lowered;
	s6 =	simm.s32 $_tile_overlayer_lowered  }
0x9b: {  	s22 =	simm.s32 $0x1BFF;
	s21 =	sshll.u32 s6, $0x1;
	s3 =	sadd.s32 s4, s19  }
0x9c: {  	s7 =	simm.s32 $0x0;
	s20 =	sshll.u32 s5, $0x1;
	s5 =	sadd.s32 s21, s3  }
0x9d: {  	[timem:s7], [sflag:s22] =	dma.local [hbm:s5], s20  }
0x9e: {  	_ =	swait.ge [sflag:s22], s20  }
0x9f: {  	s4 =	ssub.s32 $0x0, s20;
	[sflag:s22] =	ssyncset.done $0x0  }
0xa0: {  	[sflag:s22] =	ssyncadd.s32 s4;
	_ =	sdelay $0x1  }
0xa1: {  	s23 =	simm.s32 $0x1B8B  }
0xa2: {  	_ =	swait.ge [sflag:s23], $0x1  }
0xa3: {  	[sflag:s23] =	ssyncset.done $0x0  }
0xa4: {  	s25 =	simm.s32 $0x1B8E;
	s24 =	sld [smem:$0x3FFE];
	[sflag:s23] =	ssyncadd.s32 $0xFFFFFFFF  }
0xa5: {  	s26 =	simm.s32 $execute0_lowered;
	[smem:$0x3FD2] =	sst s25  }
0xa6: {  	s5 =	sshll.u32 s26, $0x1;
	_ =	strace $0x8000004C;
	[dreg:$0x1] =	wrdreg $0xFFFFFFFF  }
0xa7: {  	s28 =	simm.s32 $_size_execute0_lowered;
	s3 =	sadd.s32 s3, s5;
	[dreg:$0x0] =	wrdreg $0x0  }
0xa8: {  	s5 =	sshll.u32 s28, $0x1;
	[dreg:$0x2] =	wrdreg s3  }
0xa9: {  	[dreg:$0x3] =	wrdreg s5  }
0xaa: {  	[dreg:$0x4] =	wrdreg $0xC0  }
0xab: {  	_ =	task [dreg:s7], $0x5FFFF  }
0xac: {  	[dreg:$0x1] =	wrdreg $0xFFFFFFFF  }
0xad: {  	[dreg:$0x0] =	wrdreg $0x60  }
0xae: {  	[dreg:$0x2] =	wrdreg s2  }
0xaf: {  	[dreg:$0x3] =	wrdreg s24  }
0xb0: {  	[dreg:$0x4] =	wrdreg $0x9  }
0xb1: {  	_ =	task.clear_ibuf [dreg:s7], $0x5FFFF;
	_ =	strace $0x9000004C  }
0xb2: {  	s29 =	simm.s32 $0x9;
	_ =	strace $0x8000004E  }
0xb3: {  	_ =	swait.ge [sflag:s29], $0x1  }
0xb4: {  	[sflag:s29] =	ssyncadd.s32 $0xFFFFFFFF  }
0xb5: {  	_ =	strace $0x9000004E  }
0xb6: {  	_ =	sfence  }
0xb7: {  	s30 =	sld [smem:$0x0];
	_ =	sdelay $0x2  }
0xb8: {  	s31 =	sshll.u32 s1, $0xD;
	s1 =	sshrl.u32 s1, $0x2  }
0xb9: {  	s3 =	sand.u32 $0x4000, s31;
	s1 =	sadd.s32 s1, s30  }
0xba: {  	s0 =	sor.u32 s3, s0;
	s1 =	sshll.u32 s1, $0x11  }
0xbb: {  	s0 =	sor.u32 s1, s0  }
0xbc: {  	s0 =	sadd.s32 $0x8F2B, s0  }
0xbd: {  	[sflag:s0] =	ssyncadd.remote.s32 $0x1  }
0xbe: {  	_ =	sfence.sel $0xFFFF  }
0xbf: {  	[dreg:$0x0] =	wrdreg $0xFFFFFFFF;
	(pc) =	sbr.abs _section_cstart, $3  }
0xc0: {  	[dreg:$0x1] =	wrdreg $0xFFFFFFFF  }
0xc1: {  	_ =	task.clear_ibuf [dreg:s7], $0x2FFFF;
	_ =	strace $0x9FFFFFFF  }
0xc2: {  	(tm) =	ssettm $0x7FFFFFFF  }
0xc3: {  	_ =	shalt  }
tec
execute0_lowered:
.L_overlay_start_1:
0x0: {  	(tag) =	ssettag $0x1  }
0x1: {  	s1 =	srdreg.scid;
	s0 =	stileid.u32  }
0x2: {  	s19 =	sand.u32 $0x1, s1;
	s31 =	sshll.u32 s0, $0x1  }
0x3: {  	s15 =	sor.u32 s19, s31  }
0x4: {  	s2 =	rddreg [dreg:$0x0];
	s4 =	smul.u32 $0xC4, s15  }
0x5: {  	s14 =	rddreg [dreg:$0x1];
	s3 =	simm.s32 $0x0  }
0x6: {  	s5 =	simm.s32 $0x3;
	[smem:$0x7FF] =	sst s3;
	s4 =	sadd.s32 s4, s14  }
0x7: {  	s1 =	rddreg [dreg:$0x2];
	_ =	strace $0x8000004D;
	s4 =	sadd.s32 $0x3600, s4  }
0x8: {  	[tilespmem:s3], [sflag:$0x3] =	stream.linear.gather [hbm4b:s4+s3], $0x620, $0x38;
	[tilespmem:$0x18E20] =	vst v63  }
0x9: {  	_ =	swait.ge [sflag:s5], $0x620  }
0xa: {  	[sflag:s5] =	ssyncset.done $0x0  }
0xb: {  	s6 =	simm.s32 $0x188;
	s7 =	simm.s32 $0x620;
	[sflag:s5] =	ssyncadd.s32 $0xFFFFF9E0  }
0xc: {  	[tilespmem:s7], [sflag:$0x1] =	stream.indirect.gather [hbm4b:s2+s6], $0x40, s3, s6, $0xb8;
	[tilespmem:$0x18E20] =	vst v63  }
0xd: {  	s8 =	simm.s32 $0x6820  }
0xe: {  	[tilespmem:s8], [sflag:$0x1] =	stream.indirect.gather [hbm4b:s2+s6], $0x40, s6, s6, $0xb8;
	[tilespmem:$0x18E20] =	vst v63  }
0xf: {  	s9 =	simm.s32 $0x310;
	s10 =	simm.s32 $0xCA20  }
0x10: {  	[tilespmem:s10], [sflag:$0x1] =	stream.indirect.gather [hbm4b:s2+s6], $0x40, s9, s6, $0xb8;
	[tilespmem:$0x18E20] =	vst v63  }
0x11: {  	s11 =	simm.s32 $0x498;
	s12 =	simm.s32 $0x12C20;
	s13 =	simm.s32 $0x1  }
0x12: {  	[tilespmem:s12], [sflag:$0x1] =	stream.indirect.gather [hbm4b:s2+s6], $0x40, s11, s6, $0xb8;
	[tilespmem:$0x18E20] =	vst v63  }
0x13: {  	s16 =	smul.u32 $0x3100, s15;
	_ =	swait.ge [sflag:s13], $0x6200  }
0x14: {  	s17 =	sadd.s32 $0x5FA00, s14;
	[sflag:s13] =	ssyncset.done $0x0  }
0x15: {  	s15 =	smul.u32 $0x18800, s15;
	s14 =	sadd.s32 s17, s16;
	[sflag:s13] =	ssyncadd.s32 $0xFFFF9E00  }
0x16: {  	[hbm4b:s14+s3] =	stream.linear.scatter [tilespmem:s7], [sflag:$0x2], $0x6200, $0x38;
	[tilespmem:$0x18E20] =	vst v63  }
0x17: {  	s15 =	sshrl.u32 s15, $0x3;
	_ =	swait.ge [sflag:s13], $0x6200  }
0x18: {  	s17 =	sadd.s32 s17, s15;
	[sflag:s13] =	ssyncset.done $0x0  }
0x19: {  	s15 =	sadd.s32 $0xC40, s17;
	[sflag:s13] =	ssyncadd.s32 $0xFFFF9E00  }
0x1a: {  	[hbm4b:s15+s3] =	stream.linear.scatter [tilespmem:s8], [sflag:$0x2], $0x6200, $0x38;
	[tilespmem:$0x18E20] =	vst v63  }
0x1b: {  	_ =	swait.ge [sflag:s13], $0x6200  }
0x1c: {  	[sflag:s13] =	ssyncset.done $0x0  }
0x1d: {  	s16 =	sadd.s32 $0x1880, s17;
	[sflag:s13] =	ssyncadd.s32 $0xFFFF9E00  }
0x1e: {  	[hbm4b:s16+s3] =	stream.linear.scatter [tilespmem:s10], [sflag:$0x2], $0x6200, $0x38;
	[tilespmem:$0x18E20] =	vst v63  }
0x1f: {  	_ =	swait.ge [sflag:s13], $0x6200  }
0x20: {  	[sflag:s13] =	ssyncset.done $0x0  }
0x21: {  	s18 =	sadd.s32 $0x24C0, s17;
	s17 =	simm.s32 $0x2;
	[sflag:s13] =	ssyncadd.s32 $0xFFFF9E00  }
0x22: {  	[hbm4b:s18+s3] =	stream.linear.scatter [tilespmem:s12], [sflag:$0x2], $0x6200, $0x38;
	[tilespmem:$0x18E20] =	vst v63  }
0x23: {  	_ =	swait.ge [sflag:s17], $0x6200  }
0x24: {  	s19 =	ssub.s32 $0x2, s19;
	[sflag:s17] =	ssyncset.done $0x0  }
0x25: {  	s20 =	sshrl.u32 s19, $0x1;
	[sflag:s17] =	ssyncadd.s32 $0xFFFF9E00  }
0x26: {  	s19 =	ssub.s32 s19, s20;
	_ =	swait.ge [sflag:s17], $0x6200  }
0x27: {  	s19 =	smax.u32 s19, $0x1;
	[sflag:s17] =	ssyncset.done $0x0  }
0x28: {  	p0 =	sne.s32 s19, $0x1;
	[sflag:s17] =	ssyncadd.s32 $0xFFFF9E00  }
.Ltmp0:
0x29: {  	_ =	swait.ge [sflag:s17], $0x6200;
	(pc) =	sbr.rel @!p0 .LBB2_2-.Ltmp0, $4  }
0x2a: {  	[sflag:s17] =	ssyncset.done $0x0  }
0x2b: {  	[sflag:s17] =	ssyncadd.s32 $0xFFFF9E00  }
0x2c: {  	_ =	swait.ge [sflag:s17], $0x6200  }
0x2d: {  	s19 =	sadd.s32 $0xFFFFFFFF, s19;
	[sflag:s17] =	ssyncset.done $0x0  }
.LBB2_1:
0x2e: {  	p0 =	sne.s32 s19, $0x1;
	s19 =	sadd.s32 $0xFFFFFFFF, s19;
	[sflag:s17] =	ssyncadd.s32 $0xFFFF9E00  }
0x2f: {  	[tilespmem:s3], [sflag:$0x3] =	stream.linear.gather [hbm4b:s4+s3], $0x620, $0x38;
	[tilespmem:$0x18E20] =	vst v63  }
0x30: {  	_ =	swait.ge [sflag:s5], $0x620  }
0x31: {  	[sflag:s5] =	ssyncset.done $0x0  }
0x32: {  	[sflag:s5] =	ssyncadd.s32 $0xFFFFF9E0  }
0x33: {  	[tilespmem:s7], [sflag:$0x1] =	stream.indirect.gather [hbm4b:s2+s6], $0x40, s3, s6, $0xb8;
	[tilespmem:$0x18E20] =	vst v63  }
0x34: {  	_ = 	snop  }
0x35: {  	[tilespmem:s8], [sflag:$0x1] =	stream.indirect.gather [hbm4b:s2+s6], $0x40, s6, s6, $0xb8;
	[tilespmem:$0x18E20] =	vst v63  }
0x36: {  	_ = 	snop  }
0x37: {  	[tilespmem:s10], [sflag:$0x1] =	stream.indirect.gather [hbm4b:s2+s6], $0x40, s9, s6, $0xb8;
	[tilespmem:$0x18E20] =	vst v63  }
0x38: {  	_ = 	snop  }
0x39: {  	[tilespmem:s12], [sflag:$0x1] =	stream.indirect.gather [hbm4b:s2+s6], $0x40, s11, s6, $0xb8;
	[tilespmem:$0x18E20] =	vst v63  }
0x3a: {  	_ =	swait.ge [sflag:s13], $0x6200  }
0x3b: {  	[sflag:s13] =	ssyncset.done $0x0  }
0x3c: {  	[sflag:s13] =	ssyncadd.s32 $0xFFFF9E00  }
0x3d: {  	[hbm4b:s14+s3] =	stream.linear.scatter [tilespmem:s7], [sflag:$0x2], $0x6200, $0x38;
	[tilespmem:$0x18E20] =	vst v63  }
0x3e: {  	_ =	swait.ge [sflag:s13], $0x6200  }
0x3f: {  	[sflag:s13] =	ssyncset.done $0x0  }
0x40: {  	[sflag:s13] =	ssyncadd.s32 $0xFFFF9E00  }
0x41: {  	[hbm4b:s15+s3] =	stream.linear.scatter [tilespmem:s8], [sflag:$0x2], $0x6200, $0x38;
	[tilespmem:$0x18E20] =	vst v63  }
0x42: {  	_ =	swait.ge [sflag:s13], $0x6200  }
0x43: {  	[sflag:s13] =	ssyncset.done $0x0  }
0x44: {  	[sflag:s13] =	ssyncadd.s32 $0xFFFF9E00  }
0x45: {  	[hbm4b:s16+s3] =	stream.linear.scatter [tilespmem:s10], [sflag:$0x2], $0x6200, $0x38;
	[tilespmem:$0x18E20] =	vst v63  }
0x46: {  	_ =	swait.ge [sflag:s13], $0x6200  }
0x47: {  	[sflag:s13] =	ssyncset.done $0x0  }
0x48: {  	[sflag:s13] =	ssyncadd.s32 $0xFFFF9E00  }
0x49: {  	[hbm4b:s18+s3] =	stream.linear.scatter [tilespmem:s12], [sflag:$0x2], $0x6200, $0x38;
	[tilespmem:$0x18E20] =	vst v63  }
0x4a: {  	_ =	swait.ge [sflag:s17], $0x6200  }
0x4b: {  	[sflag:s17] =	ssyncset.done $0x0  }
0x4c: {  	[sflag:s17] =	ssyncadd.s32 $0xFFFF9E00  }
0x4d: {  	_ =	swait.ge [sflag:s17], $0x6200  }
0x4e: {  	[sflag:s17] =	ssyncset.done $0x0  }
0x4f: {  	[sflag:s17] =	ssyncadd.s32 $0xFFFF9E00  }
.Ltmp1:
0x50: {  	_ =	swait.ge [sflag:s17], $0x6200;
	(pc) =	sbr.rel @p0 .LBB2_1-.Ltmp1, $4  }
0x51: {  	[sflag:s17] =	ssyncset.done $0x0  }
0x52: {  	[sflag:s17] =	ssyncadd.s32 $0xFFFF9E00  }
0x53: {  	_ =	swait.ge [sflag:s17], $0x6200  }
0x54: {  	[sflag:s17] =	ssyncset.done $0x0  }
.LBB2_2:
0x55: {  	[sflag:s17] =	ssyncadd.s32 $0xFFFF9E00  }
0x56: {  	_ =	sfence.sel $0x180000  }
0x57: {  	[bflag:$0x0] =	sbarrier.arrive $0xFFFF  }
0x58: {  	p0 =	sne.s32 s0, $0x0;
	_ =	strace $0x9000004D  }
0x59: {  	s0 =	sadd.s32 @!p0 $0x100000, s1;
	[bflag:$0x2] =	sbarrier.arrive $0xFFFF  }
0x5a: {  	[sflag:s0] =	ssyncadd.tile.s32 @!p0 $0x1;
	_ =	shalt  }
.Lfunc_end2:
_tile_overlayer_lowered:
.L_overlay_start_2:
0x5b: {  	(tag) =	ssettag $0x2  }
0x5c: {  	s0 =	rddreg [dreg:$0x0];
	s2 =	stileid.u32  }
0x5d: {  	s1 =	rddreg [dreg:$0x1];
	p0 =	sne.s32 s2, $0x0  }
0x5e: {  	s3 =	rddreg [dreg:$0x2];
	[bflag:$0x3] =	sbarrier.arrive $0xFFFF;
	s2 =	simm.s32 @!p0 $0x1C03  }
0x5f: {  	[timem:s3], [sflag:s2] =	dma.local @!p0 [hbm:s0], s1  }
0x60: {  	s0 =	simm.s32 @!p0 $0x3  }
0x61: {  	_ =	swait.ge @!p0 [sflag:s0], s1  }
0x62: {  	s1 =	ssub.s32 @!p0 $0x0, s1;
	[sflag:s0] =	ssyncset.done @!p0 $0x0  }
0x63: {  	[sflag:s0] =	ssyncadd.s32 @!p0 s1  }
0x64: {  	[bflag:$0x3] =	sbarrier.arrive $0xFFFF  }
0x65: {  	_ =	shalt  }

// kernel: kernel.19.cloned.1.call-start
scs
__scs_entry_jumppad:
0x0: {  	(pc) =	sbr.rel $0x88, $3  }
0x1: {  	(tag) =	ssettag $0x0;
	lr =	simm.s32 $0x1  }
0x2: {  	[smem:$0x3F90] =	sst lr;
	_ =	strace $0xD0000000  }
0x3: {  	_ = 	snop  }
0x4: {  	_ = 	snop  }
0x5: {  	_ = 	snop  }
0x6: {  	_ = 	snop  }
0x7: {  	_ = 	snop  }
__scs_overlays_trampoline_lowered:
0x8: {  	[smem:$0x3F9F] =	sst s0  }
0x9: {  	[smem:$0x3FA0] =	sst s1  }
0xa: {  	[smem:$0x3FA1] =	sst s2  }
0xb: {  	[smem:$0x3FA2] =	sst s3  }
0xc: {  	[smem:$0x3FA3] =	sst s4  }
0xd: {  	[smem:$0x3FA4] =	sst s5  }
0xe: {  	[smem:$0x3FA5] =	sst s6  }
0xf: {  	[smem:$0x3FA6] =	sst s7  }
0x10: {  	[smem:$0x3FA7] =	sst s8  }
0x11: {  	[smem:$0x3FA8] =	sst s9;
	s0 =	simm.s32 @!p0 $0x0  }
0x12: {  	s1 =	sld [smem:$0x3F8E];
	s0 =	simm.s32 @p0 $0x1  }
0x13: {  	[smem:$0x3FA9] =	sst s0;
	s0 =	simm.s32 @!p1 $0x0  }
0x14: {  	s2 =	sld [smem:$0x3F8D];
	s0 =	simm.s32 @p1 $0x1  }
0x15: {  	[smem:$0x3FAA] =	sst s0;
	s0 =	simm.s32 @!p2 $0x0  }
0x16: {  	s3 =	sld [smem:$0x3FDB];
	s0 =	simm.s32 @p2 $0x1  }
0x17: {  	s4 =	simm.s32 $0x1BF5;
	[smem:$0x3FAC] =	sst s0  }
0x18: {  	s0 =	sld [smem:$0x3F8F];
	_ =	swait.ge [sflag:s4], $0x0  }
0x19: {  	s7 =	sld [smem:$0x3F90]  }
0x1a: {  	s8 =	sadd.s32 $0xFFFFE003, lr  }
0x1b: {  	s9 =	sadd.s32 $0xFFFFFEF7, lr;
	s5 =	simm.s32 $0xFFFFFFFF;
	p2 =	slt.u32 s8, $0xFFFFF086  }
0x1c: {  	p1 =	slt.u32 s9, $0xF7A;
	s5 =	simm.s32 @!p2 $0x0  }
0x1d: {  	s5 =	simm.s32 @p1 $0x1;
	p0 =	seq.s32 s7, s2  }
0x1e: {  	s7 =	smul.u32 @!p0 $0xF7A, s2;
	p2 =	seq.s32 @!p0 s5, $0x0  }
0x1f: {  	s9 =	smul.u32 $0xF7A, s1;
	s8 =	simm.s32 @!p0 $0x1BF5;
	p2 =	por !p2, p0  }
0x20: {  	[sflag:s8] =	ssyncset.s32 @!p0 $0xFFFFF086;
	s6 =	sadd.s32 @!p0 s3, s7;
	s7 =	simm.s32 @!p0 $0x108  }
0x21: {  	s3 =	sadd.s32 s3, s9;
	s6 =	sadd.s32 @!p0 $0x88, s6;
	s7 =	simm.s32 @p2 $0x1082  }
0x22: {  	[simem:s7], [sflag:s8] =	dma.local @!p0 [hbm:s6], $0xF7A  }
0x23: {  	s9 =	sor.u32 $0xD0000000, s2;
	s6 =	simm.s32 $0x108;
	_ =	swait.ge @!p0 [sflag:s8], $0x0  }
0x24: {  	s3 =	sadd.s32 $0x88, s3;
	s6 =	simm.s32 @!p1 $0x1082;
	[sflag:s4] =	ssyncset.s32 $0xFFFFF086  }
0x25: {  	[simem:s6], [sflag:s4] =	dma.local [hbm:s3], $0xF7A  }
0x26: {  	[smem:$0x3F90] =	sst s1;
	(tag) =	ssettag s2;
	_ =	strace s9  }
0x27: {  	s1 =	sld [smem:$0x3FA0]  }
0x28: {  	s2 =	sld [smem:$0x3FA1]  }
0x29: {  	s4 =	sld [smem:$0x3FA3]  }
0x2a: {  	p0 =	seq.s32 s5, $0x0;
	s5 =	sld [smem:$0x3FA4]  }
0x2b: {  	s6 =	sld [smem:$0x3FA5]  }
0x2c: {  	s7 =	sld [smem:$0x3FA6]  }
0x2d: {  	s3 =	simm.s32 $0x108;
	s8 =	sld [smem:$0x3FA7]  }
0x2e: {  	s3 =	simm.s32 @!p0 $0x1082;
	s9 =	sld [smem:$0x3FA8]  }
0x2f: {  	lr =	sadd.s32 s0, s3;
	s0 =	sld [smem:$0x3F9F]  }
0x30: {  	s3 =	sld [smem:$0x3FA2]  }
0x31: {  	[smem:$0x3FAB] =	sst s10  }
0x32: {  	s10 =	sld [smem:$0x3FA9];
	_ =	sdelay $0x3  }
0x33: {  	p0 =	seq.s32 s10, $0x1;
	s10 =	sld [smem:$0x3FAB];
	_ =	sdelay $0x3  }
0x34: {  	[smem:$0x3FAB] =	sst s10  }
0x35: {  	s10 =	sld [smem:$0x3FAA];
	_ =	sdelay $0x3  }
0x36: {  	p1 =	seq.s32 s10, $0x1;
	s10 =	sld [smem:$0x3FAB];
	_ =	sdelay $0x3  }
0x37: {  	[smem:$0x3FAB] =	sst s10  }
0x38: {  	s10 =	sld [smem:$0x3FAC]  }
0x39: {  	_ = 	snop;
	(pc) =	sbr.ind lr, $3  }
0x3a: {  	_ = 	snop  }
0x3b: {  	_ = 	snop  }
0x3c: {  	p2 =	seq.s32 s10, $0x1;
	s10 =	sld [smem:$0x3FAB]  }
0x3d: {  	_ =	shalt  }
0x3e: {  	_ =	shalt  }
0x3f: {  	_ =	shalt  }
0x40: {  	_ =	shalt  }
0x41: {  	_ =	shalt  }
0x42: {  	_ =	shalt  }
0x43: {  	_ =	shalt  }
0x44: {  	_ =	shalt  }
0x45: {  	_ =	shalt  }
0x46: {  	_ =	shalt  }
0x47: {  	_ =	shalt  }
0x48: {  	_ =	shalt  }
0x49: {  	_ =	shalt  }
0x4a: {  	_ =	shalt  }
0x4b: {  	_ =	shalt  }
0x4c: {  	_ =	shalt  }
0x4d: {  	_ =	shalt  }
0x4e: {  	_ =	shalt  }
0x4f: {  	_ =	shalt  }
0x50: {  	_ =	shalt  }
0x51: {  	_ =	shalt  }
0x52: {  	_ =	shalt  }
0x53: {  	_ =	shalt  }
0x54: {  	_ =	shalt  }
0x55: {  	_ =	shalt  }
0x56: {  	_ =	shalt  }
0x57: {  	_ =	shalt  }
0x58: {  	_ =	shalt  }
0x59: {  	_ =	shalt  }
0x5a: {  	_ =	shalt  }
0x5b: {  	_ =	shalt  }
0x5c: {  	_ =	shalt  }
0x5d: {  	_ =	shalt  }
0x5e: {  	_ =	shalt  }
0x5f: {  	_ =	shalt  }
0x60: {  	_ =	shalt  }
0x61: {  	_ =	shalt  }
0x62: {  	_ =	shalt  }
0x63: {  	_ =	shalt  }
0x64: {  	_ =	shalt  }
0x65: {  	_ =	shalt  }
0x66: {  	_ =	shalt  }
0x67: {  	_ =	shalt  }
0x68: {  	_ =	shalt  }
0x69: {  	_ =	shalt  }
0x6a: {  	_ =	shalt  }
0x6b: {  	_ =	shalt  }
0x6c: {  	_ =	shalt  }
0x6d: {  	_ =	shalt  }
0x6e: {  	_ =	shalt  }
0x6f: {  	_ =	shalt  }
0x70: {  	_ =	shalt  }
0x71: {  	_ =	shalt  }
0x72: {  	_ =	shalt  }
0x73: {  	_ =	shalt  }
0x74: {  	_ =	shalt  }
0x75: {  	_ =	shalt  }
0x76: {  	_ =	shalt  }
0x77: {  	_ =	shalt  }
0x78: {  	_ =	shalt  }
0x79: {  	_ =	shalt  }
0x7a: {  	_ =	shalt  }
0x7b: {  	_ =	shalt  }
0x7c: {  	_ =	shalt  }
0x7d: {  	_ =	shalt  }
0x7e: {  	_ =	shalt  }
0x7f: {  	_ =	shalt  }
0x80: {  	_ =	shalt  }
0x81: {  	_ =	shalt  }
0x82: {  	_ =	shalt  }
0x83: {  	_ =	shalt  }
0x84: {  	_ =	shalt  }
0x85: {  	_ =	shalt  }
0x86: {  	_ =	shalt  }
0x87: {  	_ =	shalt  }
.Lfunc_end0:
.L_simem_size_0:
called_computation.3_lowered:
.L_overlay_start_0:
0x88: {  	s0 =	sld [smem:$0x3FD9]  }
0x89: {  	s1 =	sld [smem:$0x3FFE];
	_ =	sdelay $0x3  }
0x8a: {  	s0 =	sadd.s32 s1, s0  }
0x8b: {  	[smem:$0x3FB7] =	sst s0  }
0x8c: {  	_ = 	snop  }
0x8d: {  	s0 =	sld [smem:$0x3FD0];
	(tm) =	ssettm $0x1  }
0x8e: {  	s16 =	sld [smem:$0x3FFB];
	_ =	sdelay $0x3  }
0x8f: {  	_ =	strace s16  }
0x90: {  	s1 =	sld [smem:$0x3FFC];
	_ =	sdelay $0x3  }
0x91: {  	_ =	strace s1  }
0x92: {  	s1 =	sld [smem:$0x3FFD];
	_ =	sdelay $0x3  }
0x93: {  	_ =	strace s1  }
0x94: {  	_ =	strace $0x8FFFFFFF  }
0x95: {  	s17 =	sld [smem:$0x3FDB];
	_ =	sdelay $0x1  }
0x96: {  	s2 =	simm.s32 $_scs_section_size  }
0x97: {  	s3 =	simm.s32 $_size__tile_overlayer_lowered;
	s4 =	simm.s32 $_tile_overlayer_lowered  }
0x98: {  	s20 =	simm.s32 $0x1BFF;
	s19 =	sshll.u32 s4, $0x1;
	s1 =	sadd.s32 s2, s17  }
0x99: {  	s5 =	simm.s32 $0x0;
	s18 =	sshll.u32 s3, $0x1;
	s3 =	sadd.s32 s19, s1  }
0x9a: {  	[timem:s5], [sflag:s20] =	dma.local [hbm:s3], s18  }
0x9b: {  	_ =	swait.ge [sflag:s20], s18  }
0x9c: {  	s2 =	ssub.s32 $0x0, s18;
	[sflag:s20] =	ssyncset.done $0x0  }
0x9d: {  	[sflag:s20] =	ssyncadd.s32 s2;
	_ =	sdelay $0x1  }
0x9e: {  	s21 =	simm.s32 $0x1B8B  }
0x9f: {  	_ =	swait.ge [sflag:s21], $0x1  }
0xa0: {  	[sflag:s21] =	ssyncset.done $0x0  }
0xa1: {  	s23 =	simm.s32 $0x1B8E;
	s22 =	sld [smem:$0x3FFE];
	[sflag:s21] =	ssyncadd.s32 $0xFFFFFFFF  }
0xa2: {  	s24 =	simm.s32 $execute0_lowered;
	[smem:$0x3FD2] =	sst s23  }
0xa3: {  	s3 =	sshll.u32 s24, $0x1;
	_ =	strace $0x8000004F;
	[dreg:$0x1] =	wrdreg $0xFFFFFFFF  }
0xa4: {  	s25 =	simm.s32 $_size_execute0_lowered;
	s1 =	sadd.s32 s1, s3;
	[dreg:$0x0] =	wrdreg $0x0  }
0xa5: {  	s3 =	sshll.u32 s25, $0x1;
	[dreg:$0x2] =	wrdreg s1  }
0xa6: {  	[dreg:$0x3] =	wrdreg s3  }
0xa7: {  	[dreg:$0x4] =	wrdreg $0xC0  }
0xa8: {  	_ =	task [dreg:s5], $0x5FFFF  }
0xa9: {  	[dreg:$0x1] =	wrdreg $0xFFFFFFFF  }
0xaa: {  	[dreg:$0x0] =	wrdreg $0x60  }
0xab: {  	[dreg:$0x2] =	wrdreg s22  }
0xac: {  	[dreg:$0x3] =	wrdreg s0  }
0xad: {  	[dreg:$0x4] =	wrdreg $0xD0400  }
0xae: {  	[dreg:$0x5] =	wrdreg $0x177400  }
0xaf: {  	[dreg:$0x6] =	wrdreg $0x9  }
0xb0: {  	_ =	task.clear_ibuf [dreg:s5], $0x7FFFF;
	_ =	strace $0x9000004F  }
0xb1: {  	s26 =	simm.s32 $0x9;
	_ =	strace $0x80000051  }
0xb2: {  	_ =	swait.ge [sflag:s26], $0x1  }
0xb3: {  	[sflag:s26] =	ssyncadd.s32 $0xFFFFFFFF  }
0xb4: {  	_ =	strace $0x90000051  }
0xb5: {  	_ =	sfence  }
0xb6: {  	s28 =	sld [smem:$0x0];
	_ =	sdelay $0x1  }
0xb7: {  	s29 =	srdreg.scid  }
0xb8: {  	s30 =	sshll.u32 s29, $0xD;
	s31 =	sshrl.u32 s29, $0x2  }
0xb9: {  	s2 =	sand.u32 $0x4000, s30;
	s1 =	sand.u32 $0x1, s29;
	s0 =	sadd.s32 s31, s28  }
0xba: {  	s1 =	sor.u32 s2, s1;
	s0 =	sshll.u32 s0, $0x11  }
0xbb: {  	s0 =	sor.u32 s0, s1  }
0xbc: {  	s0 =	sadd.s32 $0x8F2B, s0  }
0xbd: {  	[sflag:s0] =	ssyncadd.remote.s32 $0x1  }
0xbe: {  	_ =	sfence.sel $0xFFFF  }
0xbf: {  	[dreg:$0x0] =	wrdreg $0xFFFFFFFF;
	(pc) =	sbr.abs _section_cstart, $3  }
0xc0: {  	[dreg:$0x1] =	wrdreg $0xFFFFFFFF  }
0xc1: {  	_ =	task.clear_ibuf [dreg:s5], $0x2FFFF;
	_ =	strace $0x9FFFFFFF  }
0xc2: {  	(tm) =	ssettm $0x7FFFFFFF  }
0xc3: {  	_ =	shalt  }
tec
execute0_lowered:
.L_overlay_start_1:
0x0: {  	(tag) =	ssettag $0x1  }
0x1: {  	s2 =	rddreg [dreg:$0x0]  }
0x2: {  	s3 =	rddreg [dreg:$0x1]  }
0x3: {  	s8 =	rddreg [dreg:$0x2]  }
0x4: {  	s6 =	rddreg [dreg:$0x3];
	s1 =	stileid.u32  }
0x5: {  	s0 =	rddreg [dreg:$0x4];
	s14 =	simm.s32 $0x0;
	s7 =	smul.u32 $0xA000, s1  }
0x6: {  	[smem:$0x7FF] =	sst s14  }
0x7: {  	s4 =	sshll.u32 s1, $0x6;
	s10 =	sadd.s32 $0x5800, s2;
	s5 =	sadd.s32 s7, s8  }
0x8: {  	_ =	strace $0x80000050;
	s4 =	sor.u32 $0x1C01, s4;
	s9 =	sshrl.u32 s5, $0x3  }
0x9: {  	[spmem:s9], [sflag:s4] =	dma.local [hbm:s10], $0x1400  }
0xa: {  	s5 =	simm.s32 $0x1;
	s10 =	smul.u32 $0x2800, s1  }
0xb: {  	_ =	swait.ge [sflag:s5], $0x1400  }
0xc: {  	s11 =	sadd.s32 s10, s6;
	[sflag:s5] =	ssyncset.done $0x0  }
0xd: {  	s12 =	sadd.s32 $0x5200, s2;
	[sflag:s5] =	ssyncadd.s32 $0xFFFFEC00;
	s11 =	sshrl.u32 s11, $0x3  }
0xe: {  	[spmem:s11], [sflag:s4] =	dma.local [hbm:s12], $0x500  }
0xf: {  	_ =	swait.ge [sflag:s5], $0x500  }
0x10: {  	s13 =	smul.u32 $0x188, s1;
	[sflag:s5] =	ssyncset.done $0x0  }
0x11: {  	s15 =	sadd.s32 $0x5000, s2;
	s12 =	simm.s32 $0x17040;
	[sflag:s5] =	ssyncadd.s32 $0xFFFFFB00  }
0x12: {  	[tilespmem:s12], [sflag:$0x1] =	stream.linear.gather [hbm4b:s15+s14], $0x700, $0x38;
	[tilespmem:$0x19F40] =	vst v63  }
0x13: {  	_ =	swait.ge [sflag:s5], $0x700  }
0x14: {  	s13 =	sadd.s32 s13, s2;
	[sflag:s5] =	ssyncset.done $0x0  }
0x15: {  	s13 =	sadd.s32 $0x36000, s13;
	[sflag:s5] =	ssyncadd.s32 $0xFFFFF900  }
0x16: {  	[tilespmem:s14], [sflag:$0x1] =	stream.linear.gather [hbm4b:s13+s14], $0xC40, $0x38;
	[tilespmem:$0x19F40] =	vst v63  }
0x17: {  	_ =	swait.ge [sflag:s5], $0xC40  }
0x18: {  	s29 =	smul.u32 $0x6200, s1;
	[sflag:s5] =	ssyncset.done $0x0  }
0x19: {  	s22 =	sadd.s32 $0x5FA00, s2;
	[sflag:s5] =	ssyncadd.s32 $0xFFFFF3C0  }
0x1a: {  	s15 =	simm.s32 $0xC40;
	s13 =	sadd.s32 s22, s29;
	[bflag:$0x0] =	sbarrier.arrive $0xFFFF  }
0x1b: {  	[tilespmem:s15], [sflag:$0x1] =	stream.linear.gather [hbm4b:s13+s14], $0xC400, $0x38;
	[tilespmem:$0x19F40] =	vst v63  }
0x1c: {  	_ =	swait.ge [sflag:s5], $0xC400  }
0x1d: {  	[sflag:s5] =	ssyncset.done $0x0  }
0x1e: {  	s13 =	simm.s32 $0x70;
	[sflag:s5] =	ssyncadd.s32 $0xFFFF3C00  }
0x1f: {  	[spmem:s8] =	stream.indirect.scatter.add.f32 [tilespmem:s15], [sflag:$0x1], $0x40, s14, s13, $0xb8;
	[tilespmem:$0x19F40] =	vst v63  }
0x20: {  	_ =	swait.ge [sflag:s5], $0x1C00  }
0x21: {  	[sflag:s5] =	ssyncset.done $0x0  }
0x22: {  	[sflag:s5] =	ssyncadd.s32 $0xFFFFE400  }
0x23: {  	[spmem:s6] =	stream.indirect.scatter.add.f32 [tilespmem:s12], [sflag:$0x1], $0x10, s14, s13, $0xb8;
	[tilespmem:$0x19F40] =	vst v63  }
0x24: {  	_ =	swait.ge [sflag:s5], $0x700  }
0x25: {  	[sflag:s5] =	ssyncset.done $0x0  }
0x26: {  	s16 =	simm.s32 $0x2840;
	[sflag:s5] =	ssyncadd.s32 $0xFFFFF900  }
0x27: {  	[spmem:s8] =	stream.indirect.scatter.add.f32 [tilespmem:s16], [sflag:$0x1], $0x40, s13, s13, $0xb8;
	[tilespmem:$0x19F40] =	vst v63  }
0x28: {  	_ =	swait.ge [sflag:s5], $0x1C00  }
0x29: {  	[sflag:s5] =	ssyncset.done $0x0  }
0x2a: {  	[sflag:s5] =	ssyncadd.s32 $0xFFFFE400  }
0x2b: {  	[spmem:s6] =	stream.indirect.scatter.add.f32 [tilespmem:s12], [sflag:$0x1], $0x10, s13, s13, $0xb8;
	[tilespmem:$0x19F40] =	vst v63  }
0x2c: {  	_ =	swait.ge [sflag:s5], $0x700  }
0x2d: {  	[sflag:s5] =	ssyncset.done $0x0  }
0x2e: {  	s18 =	simm.s32 $0xE0;
	s17 =	simm.s32 $0x4440;
	[sflag:s5] =	ssyncadd.s32 $0xFFFFF900  }
0x2f: {  	[spmem:s8] =	stream.indirect.scatter.add.f32 [tilespmem:s17], [sflag:$0x1], $0x40, s18, s13, $0xb8;
	[tilespmem:$0x19F40] =	vst v63  }
0x30: {  	_ =	swait.ge [sflag:s5], $0x1C00  }
0x31: {  	[sflag:s5] =	ssyncset.done $0x0  }
0x32: {  	[sflag:s5] =	ssyncadd.s32 $0xFFFFE400  }
0x33: {  	[spmem:s6] =	stream.indirect.scatter.add.f32 [tilespmem:s12], [sflag:$0x1], $0x10, s18, s13, $0xb8;
	[tilespmem:$0x19F40] =	vst v63  }
0x34: {  	_ =	swait.ge [sflag:s5], $0x700  }
0x35: {  	[sflag:s5] =	ssyncset.done $0x0  }
0x36: {  	s19 =	simm.s32 $0x150;
	s18 =	simm.s32 $0x6040;
	[sflag:s5] =	ssyncadd.s32 $0xFFFFF900  }
0x37: {  	[spmem:s8] =	stream.indirect.scatter.add.f32 [tilespmem:s18], [sflag:$0x1], $0x40, s19, s13, $0xb8;
	[tilespmem:$0x19F40] =	vst v63  }
0x38: {  	_ =	swait.ge [sflag:s5], $0x1C00  }
0x39: {  	[sflag:s5] =	ssyncset.done $0x0  }
0x3a: {  	[sflag:s5] =	ssyncadd.s32 $0xFFFFE400  }
0x3b: {  	[spmem:s6] =	stream.indirect.scatter.add.f32 [tilespmem:s12], [sflag:$0x1], $0x10, s19, s13, $0xb8;
	[tilespmem:$0x19F40] =	vst v63  }
0x3c: {  	_ =	swait.ge [sflag:s5], $0x700  }
0x3d: {  	[sflag:s5] =	ssyncset.done $0x0  }
0x3e: {  	s20 =	simm.s32 $0x1C0;
	s19 =	simm.s32 $0x7C40;
	[sflag:s5] =	ssyncadd.s32 $0xFFFFF900  }
0x3f: {  	[spmem:s8] =	stream.indirect.scatter.add.f32 [tilespmem:s19], [sflag:$0x1], $0x40, s20, s13, $0xb8;
	[tilespmem:$0x19F40] =	vst v63  }
0x40: {  	_ =	swait.ge [sflag:s5], $0x1C00  }
0x41: {  	[sflag:s5] =	ssyncset.done $0x0  }
0x42: {  	[sflag:s5] =	ssyncadd.s32 $0xFFFFE400  }
0x43: {  	[spmem:s6] =	stream.indirect.scatter.add.f32 [tilespmem:s12], [sflag:$0x1], $0x10, s20, s13, $0xb8;
	[tilespmem:$0x19F40] =	vst v63  }
0x44: {  	_ =	swait.ge [sflag:s5], $0x700  }
0x45: {  	[sflag:s5] =	ssyncset.done $0x0  }
0x46: {  	s21 =	simm.s32 $0x230;
	s20 =	simm.s32 $0x9840;
	[sflag:s5] =	ssyncadd.s32 $0xFFFFF900  }
0x47: {  	[spmem:s8] =	stream.indirect.scatter.add.f32 [tilespmem:s20], [sflag:$0x1], $0x40, s21, s13, $0xb8;
	[tilespmem:$0x19F40] =	vst v63  }
0x48: {  	_ =	swait.ge [sflag:s5], $0x1C00  }
0x49: {  	[sflag:s5] =	ssyncset.done $0x0  }
0x4a: {  	[sflag:s5] =	ssyncadd.s32 $0xFFFFE400  }
0x4b: {  	[spmem:s6] =	stream.indirect.scatter.add.f32 [tilespmem:s12], [sflag:$0x1], $0x10, s21, s13, $0xb8;
	[tilespmem:$0x19F40] =	vst v63  }
0x4c: {  	_ =	swait.ge [sflag:s5], $0x700  }
0x4d: {  	[sflag:s5] =	ssyncset.done $0x0  }
0x4e: {  	s23 =	simm.s32 $0x2A0;
	s21 =	simm.s32 $0xB440;
	[sflag:s5] =	ssyncadd.s32 $0xFFFFF900  }
0x4f: {  	[spmem:s8] =	stream.indirect.scatter.add.f32 [tilespmem:s21], [sflag:$0x1], $0x40, s23, s13, $0xb8;
	[tilespmem:$0x19F40] =	vst v63  }
0x50: {  	_ =	swait.ge [sflag:s5], $0x1C00  }
0x51: {  	[sflag:s5] =	ssyncset.done $0x0  }
0x52: {  	s24 =	smul.u32 $0x31000, s1;
	[sflag:s5] =	ssyncadd.s32 $0xFFFFE400  }
0x53: {  	[spmem:s6] =	stream.indirect.scatter.add.f32 [tilespmem:s12], [sflag:$0x1], $0x10, s23, s13, $0xb8;
	[tilespmem:$0x19F40] =	vst v63  }
0x54: {  	s30 =	sshrl.u32 s24, $0x3;
	_ =	swait.ge [sflag:s5], $0x700  }
0x55: {  	s22 =	sadd.s32 s22, s30;
	[sflag:s5] =	ssyncset.done $0x0  }
0x56: {  	s23 =	sadd.s32 $0x1880, s22;
	[sflag:s5] =	ssyncadd.s32 $0xFFFFF900  }
0x57: {  	[tilespmem:s15], [sflag:$0x1] =	stream.linear.gather [hbm4b:s23+s14], $0xC400, $0x38;
	[tilespmem:$0x19F40] =	vst v63  }
0x58: {  	_ =	swait.ge [sflag:s5], $0xC400  }
0x59: {  	[sflag:s5] =	ssyncset.done $0x0  }
0x5a: {  	s31 =	simm.s32 $0x310;
	[sflag:s5] =	ssyncadd.s32 $0xFFFF3C00  }
0x5b: {  	[spmem:s8] =	stream.indirect.scatter.add.f32 [tilespmem:s15], [sflag:$0x1], $0x40, s31, s13, $0xb8;
	[tilespmem:$0x19F40] =	vst v63  }
0x5c: {  	_ =	swait.ge [sflag:s5], $0x1C00  }
0x5d: {  	[sflag:s5] =	ssyncset.done $0x0  }
0x5e: {  	[sflag:s5] =	ssyncadd.s32 $0xFFFFE400  }
0x5f: {  	[spmem:s6] =	stream.indirect.scatter.add.f32 [tilespmem:s12], [sflag:$0x1], $0x10, s31, s13, $0xb8;
	[tilespmem:$0x19F40] =	vst v63  }
0x60: {  	_ =	swait.ge [sflag:s5], $0x700  }
0x61: {  	[sflag:s5] =	ssyncset.done $0x0  }
0x62: {  	s24 =	simm.s32 $0x380;
	[sflag:s5] =	ssyncadd.s32 $0xFFFFF900  }
0x63: {  	[spmem:s8] =	stream.indirect.scatter.add.f32 [tilespmem:s16], [sflag:$0x1], $0x40, s24, s13, $0xb8;
	[tilespmem:$0x19F40] =	vst v63  }
0x64: {  	_ =	swait.ge [sflag:s5], $0x1C00  }
0x65: {  	[sflag:s5] =	ssyncset.done $0x0  }
0x66: {  	[sflag:s5] =	ssyncadd.s32 $0xFFFFE400  }
0x67: {  	[spmem:s6] =	stream.indirect.scatter.add.f32 [tilespmem:s12], [sflag:$0x1], $0x10, s24, s13, $0xb8;
	[tilespmem:$0x19F40] =	vst v63  }
0x68: {  	_ =	swait.ge [sflag:s5], $0x700  }
0x69: {  	[sflag:s5] =	ssyncset.done $0x0  }
0x6a: {  	s25 =	simm.s32 $0x3F0;
	[sflag:s5] =	ssyncadd.s32 $0xFFFFF900  }
0x6b: {  	[spmem:s8] =	stream.indirect.scatter.add.f32 [tilespmem:s17], [sflag:$0x1], $0x40, s25, s13, $0xb8;
	[tilespmem:$0x19F40] =	vst v63  }
0x6c: {  	_ =	swait.ge [sflag:s5], $0x1C00  }
0x6d: {  	[sflag:s5] =	ssyncset.done $0x0  }
0x6e: {  	[sflag:s5] =	ssyncadd.s32 $0xFFFFE400  }
0x6f: {  	[spmem:s6] =	stream.indirect.scatter.add.f32 [tilespmem:s12], [sflag:$0x1], $0x10, s25, s13, $0xb8;
	[tilespmem:$0x19F40] =	vst v63  }
0x70: {  	_ =	swait.ge [sflag:s5], $0x700  }
0x71: {  	[sflag:s5] =	ssyncset.done $0x0  }
0x72: {  	s26 =	simm.s32 $0x460;
	[sflag:s5] =	ssyncadd.s32 $0xFFFFF900  }
0x73: {  	[spmem:s8] =	stream.indirect.scatter.add.f32 [tilespmem:s18], [sflag:$0x1], $0x40, s26, s13, $0xb8;
	[tilespmem:$0x19F40] =	vst v63  }
0x74: {  	_ =	swait.ge [sflag:s5], $0x1C00  }
0x75: {  	[sflag:s5] =	ssyncset.done $0x0  }
0x76: {  	[sflag:s5] =	ssyncadd.s32 $0xFFFFE400  }
0x77: {  	[spmem:s6] =	stream.indirect.scatter.add.f32 [tilespmem:s12], [sflag:$0x1], $0x10, s26, s13, $0xb8;
	[tilespmem:$0x19F40] =	vst v63  }
0x78: {  	_ =	swait.ge [sflag:s5], $0x700  }
0x79: {  	[sflag:s5] =	ssyncset.done $0x0  }
0x7a: {  	s28 =	simm.s32 $0x4D0;
	[sflag:s5] =	ssyncadd.s32 $0xFFFFF900  }
0x7b: {  	[spmem:s8] =	stream.indirect.scatter.add.f32 [tilespmem:s19], [sflag:$0x1], $0x40, s28, s13, $0xb8;
	[tilespmem:$0x19F40] =	vst v63  }
0x7c: {  	_ =	swait.ge [sflag:s5], $0x1C00  }
0x7d: {  	[sflag:s5] =	ssyncset.done $0x0  }
0x7e: {  	[sflag:s5] =	ssyncadd.s32 $0xFFFFE400  }
0x7f: {  	[spmem:s6] =	stream.indirect.scatter.add.f32 [tilespmem:s12], [sflag:$0x1], $0x10, s28, s13, $0xb8;
	[tilespmem:$0x19F40] =	vst v63  }
0x80: {  	_ =	swait.ge [sflag:s5], $0x700  }
0x81: {  	[sflag:s5] =	ssyncset.done $0x0  }
0x82: {  	s29 =	simm.s32 $0x540;
	[sflag:s5] =	ssyncadd.s32 $0xFFFFF900  }
0x83: {  	[spmem:s8] =	stream.indirect.scatter.add.f32 [tilespmem:s20], [sflag:$0x1], $0x40, s29, s13, $0xb8;
	[tilespmem:$0x19F40] =	vst v63  }
0x84: {  	_ =	swait.ge [sflag:s5], $0x1C00  }
0x85: {  	[sflag:s5] =	ssyncset.done $0x0  }
0x86: {  	[sflag:s5] =	ssyncadd.s32 $0xFFFFE400  }
0x87: {  	[spmem:s6] =	stream.indirect.scatter.add.f32 [tilespmem:s12], [sflag:$0x1], $0x10, s29, s13, $0xb8;
	[tilespmem:$0x19F40] =	vst v63  }
0x88: {  	_ =	swait.ge [sflag:s5], $0x700  }
0x89: {  	[sflag:s5] =	ssyncset.done $0x0  }
0x8a: {  	s30 =	simm.s32 $0x5B0;
	[sflag:s5] =	ssyncadd.s32 $0xFFFFF900  }
0x8b: {  	[spmem:s8] =	stream.indirect.scatter.add.f32 [tilespmem:s21], [sflag:$0x1], $0x40, s30, s13, $0xb8;
	[tilespmem:$0x19F40] =	vst v63  }
0x8c: {  	_ =	swait.ge [sflag:s5], $0x1C00  }
0x8d: {  	[sflag:s5] =	ssyncset.done $0x0  }
0x8e: {  	[sflag:s5] =	ssyncadd.s32 $0xFFFFE400  }
0x8f: {  	[spmem:s6] =	stream.indirect.scatter.add.f32 [tilespmem:s12], [sflag:$0x1], $0x10, s30, s13, $0xb8;
	[tilespmem:$0x19F40] =	vst v63  }
0x90: {  	_ =	swait.ge [sflag:s5], $0x700  }
0x91: {  	[sflag:s5] =	ssyncset.done $0x0  }
0x92: {  	s31 =	sadd.s32 $0x3100, s22;
	[sflag:s5] =	ssyncadd.s32 $0xFFFFF900  }
0x93: {  	[tilespmem:s15], [sflag:$0x1] =	stream.linear.gather [hbm4b:s31+s14], $0xC400, $0x38;
	[tilespmem:$0x19F40] =	vst v63  }
0x94: {  	_ =	swait.ge [sflag:s5], $0xC400  }
0x95: {  	[sflag:s5] =	ssyncset.done $0x0  }
0x96: {  	s24 =	simm.s32 $0x620;
	[sflag:s5] =	ssyncadd.s32 $0xFFFF3C00  }
0x97: {  	[spmem:s8] =	stream.indirect.scatter.add.f32 [tilespmem:s15], [sflag:$0x1], $0x40, s24, s13, $0xb8;
	[tilespmem:$0x19F40] =	vst v63  }
0x98: {  	_ =	swait.ge [sflag:s5], $0x1C00  }
0x99: {  	[sflag:s5] =	ssyncset.done $0x0  }
0x9a: {  	[sflag:s5] =	ssyncadd.s32 $0xFFFFE400  }
0x9b: {  	[spmem:s6] =	stream.indirect.scatter.add.f32 [tilespmem:s12], [sflag:$0x1], $0x10, s24, s13, $0xb8;
	[tilespmem:$0x19F40] =	vst v63  }
0x9c: {  	_ =	swait.ge [sflag:s5], $0x700  }
0x9d: {  	[sflag:s5] =	ssyncset.done $0x0  }
0x9e: {  	s25 =	simm.s32 $0x690;
	[sflag:s5] =	ssyncadd.s32 $0xFFFFF900  }
0x9f: {  	[spmem:s8] =	stream.indirect.scatter.add.f32 [tilespmem:s16], [sflag:$0x1], $0x40, s25, s13, $0xb8;
	[tilespmem:$0x19F40] =	vst v63  }
0xa0: {  	_ =	swait.ge [sflag:s5], $0x1C00  }
0xa1: {  	[sflag:s5] =	ssyncset.done $0x0  }
0xa2: {  	[sflag:s5] =	ssyncadd.s32 $0xFFFFE400  }
0xa3: {  	[spmem:s6] =	stream.indirect.scatter.add.f32 [tilespmem:s12], [sflag:$0x1], $0x10, s25, s13, $0xb8;
	[tilespmem:$0x19F40] =	vst v63  }
0xa4: {  	_ =	swait.ge [sflag:s5], $0x700  }
0xa5: {  	[sflag:s5] =	ssyncset.done $0x0  }
0xa6: {  	s26 =	simm.s32 $0x700;
	[sflag:s5] =	ssyncadd.s32 $0xFFFFF900  }
0xa7: {  	[spmem:s8] =	stream.indirect.scatter.add.f32 [tilespmem:s17], [sflag:$0x1], $0x40, s26, s13, $0xb8;
	[tilespmem:$0x19F40] =	vst v63  }
0xa8: {  	_ =	swait.ge [sflag:s5], $0x1C00  }
0xa9: {  	[sflag:s5] =	ssyncset.done $0x0  }
0xaa: {  	[sflag:s5] =	ssyncadd.s32 $0xFFFFE400  }
0xab: {  	[spmem:s6] =	stream.indirect.scatter.add.f32 [tilespmem:s12], [sflag:$0x1], $0x10, s26, s13, $0xb8;
	[tilespmem:$0x19F40] =	vst v63  }
0xac: {  	_ =	swait.ge [sflag:s5], $0x700  }
0xad: {  	[sflag:s5] =	ssyncset.done $0x0  }
0xae: {  	s28 =	simm.s32 $0x770;
	[sflag:s5] =	ssyncadd.s32 $0xFFFFF900  }
0xaf: {  	[spmem:s8] =	stream.indirect.scatter.add.f32 [tilespmem:s18], [sflag:$0x1], $0x40, s28, s13, $0xb8;
	[tilespmem:$0x19F40] =	vst v63  }
0xb0: {  	_ =	swait.ge [sflag:s5], $0x1C00  }
0xb1: {  	[sflag:s5] =	ssyncset.done $0x0  }
0xb2: {  	[sflag:s5] =	ssyncadd.s32 $0xFFFFE400  }
0xb3: {  	[spmem:s6] =	stream.indirect.scatter.add.f32 [tilespmem:s12], [sflag:$0x1], $0x10, s28, s13, $0xb8;
	[tilespmem:$0x19F40] =	vst v63  }
0xb4: {  	_ =	swait.ge [sflag:s5], $0x700  }
0xb5: {  	[sflag:s5] =	ssyncset.done $0x0  }
0xb6: {  	s29 =	simm.s32 $0x7E0;
	[sflag:s5] =	ssyncadd.s32 $0xFFFFF900  }
0xb7: {  	[spmem:s8] =	stream.indirect.scatter.add.f32 [tilespmem:s19], [sflag:$0x1], $0x40, s29, s13, $0xb8;
	[tilespmem:$0x19F40] =	vst v63  }
0xb8: {  	_ =	swait.ge [sflag:s5], $0x1C00  }
0xb9: {  	[sflag:s5] =	ssyncset.done $0x0  }
0xba: {  	[sflag:s5] =	ssyncadd.s32 $0xFFFFE400  }
0xbb: {  	[spmem:s6] =	stream.indirect.scatter.add.f32 [tilespmem:s12], [sflag:$0x1], $0x10, s29, s13, $0xb8;
	[tilespmem:$0x19F40] =	vst v63  }
0xbc: {  	_ =	swait.ge [sflag:s5], $0x700  }
0xbd: {  	[sflag:s5] =	ssyncset.done $0x0  }
0xbe: {  	s30 =	simm.s32 $0x850;
	[sflag:s5] =	ssyncadd.s32 $0xFFFFF900  }
0xbf: {  	[spmem:s8] =	stream.indirect.scatter.add.f32 [tilespmem:s20], [sflag:$0x1], $0x40, s30, s13, $0xb8;
	[tilespmem:$0x19F40] =	vst v63  }
0xc0: {  	_ =	swait.ge [sflag:s5], $0x1C00  }
0xc1: {  	[sflag:s5] =	ssyncset.done $0x0  }
0xc2: {  	[sflag:s5] =	ssyncadd.s32 $0xFFFFE400  }
0xc3: {  	[spmem:s6] =	stream.indirect.scatter.add.f32 [tilespmem:s12], [sflag:$0x1], $0x10, s30, s13, $0xb8;
	[tilespmem:$0x19F40] =	vst v63  }
0xc4: {  	_ =	swait.ge [sflag:s5], $0x700  }
0xc5: {  	[sflag:s5] =	ssyncset.done $0x0  }
0xc6: {  	s31 =	simm.s32 $0x8C0;
	[sflag:s5] =	ssyncadd.s32 $0xFFFFF900  }
0xc7: {  	[spmem:s8] =	stream.indirect.scatter.add.f32 [tilespmem:s21], [sflag:$0x1], $0x40, s31, s13, $0xb8;
	[tilespmem:$0x19F40] =	vst v63  }
0xc8: {  	_ =	swait.ge [sflag:s5], $0x1C00  }
0xc9: {  	[sflag:s5] =	ssyncset.done $0x0  }
0xca: {  	[sflag:s5] =	ssyncadd.s32 $0xFFFFE400  }
0xcb: {  	[spmem:s6] =	stream.indirect.scatter.add.f32 [tilespmem:s12], [sflag:$0x1], $0x10, s31, s13, $0xb8;
	[tilespmem:$0x19F40] =	vst v63  }
0xcc: {  	_ =	swait.ge [sflag:s5], $0x700  }
0xcd: {  	[sflag:s5] =	ssyncset.done $0x0  }
0xce: {  	s22 =	sadd.s32 $0x4980, s22;
	[sflag:s5] =	ssyncadd.s32 $0xFFFFF900  }
0xcf: {  	[tilespmem:s15], [sflag:$0x1] =	stream.linear.gather [hbm4b:s22+s14], $0xC400, $0x38;
	[tilespmem:$0x19F40] =	vst v63  }
0xd0: {  	_ =	swait.ge [sflag:s5], $0xC400  }
0xd1: {  	[sflag:s5] =	ssyncset.done $0x0  }
0xd2: {  	s22 =	simm.s32 $0x930;
	[sflag:s5] =	ssyncadd.s32 $0xFFFF3C00  }
0xd3: {  	[spmem:s8] =	stream.indirect.scatter.add.f32 [tilespmem:s15], [sflag:$0x1], $0x40, s22, s13, $0xb8;
	[tilespmem:$0x19F40] =	vst v63  }
0xd4: {  	_ =	swait.ge [sflag:s5], $0x1C00  }
0xd5: {  	[sflag:s5] =	ssyncset.done $0x0  }
0xd6: {  	[sflag:s5] =	ssyncadd.s32 $0xFFFFE400  }
0xd7: {  	[spmem:s6] =	stream.indirect.scatter.add.f32 [tilespmem:s12], [sflag:$0x1], $0x10, s22, s13, $0xb8;
	[tilespmem:$0x19F40] =	vst v63  }
0xd8: {  	_ =	swait.ge [sflag:s5], $0x700  }
0xd9: {  	[sflag:s5] =	ssyncset.done $0x0  }
0xda: {  	s23 =	simm.s32 $0x9A0;
	[sflag:s5] =	ssyncadd.s32 $0xFFFFF900  }
0xdb: {  	[spmem:s8] =	stream.indirect.scatter.add.f32 [tilespmem:s16], [sflag:$0x1], $0x40, s23, s13, $0xb8;
	[tilespmem:$0x19F40] =	vst v63  }
0xdc: {  	_ =	swait.ge [sflag:s5], $0x1C00  }
0xdd: {  	[sflag:s5] =	ssyncset.done $0x0  }
0xde: {  	[sflag:s5] =	ssyncadd.s32 $0xFFFFE400  }
0xdf: {  	[spmem:s6] =	stream.indirect.scatter.add.f32 [tilespmem:s12], [sflag:$0x1], $0x10, s23, s13, $0xb8;
	[tilespmem:$0x19F40] =	vst v63  }
0xe0: {  	_ =	swait.ge [sflag:s5], $0x700  }
0xe1: {  	[sflag:s5] =	ssyncset.done $0x0  }
0xe2: {  	s24 =	simm.s32 $0xA10;
	[sflag:s5] =	ssyncadd.s32 $0xFFFFF900  }
0xe3: {  	[spmem:s8] =	stream.indirect.scatter.add.f32 [tilespmem:s17], [sflag:$0x1], $0x40, s24, s13, $0xb8;
	[tilespmem:$0x19F40] =	vst v63  }
0xe4: {  	_ =	swait.ge [sflag:s5], $0x1C00  }
0xe5: {  	[sflag:s5] =	ssyncset.done $0x0  }
0xe6: {  	[sflag:s5] =	ssyncadd.s32 $0xFFFFE400  }
0xe7: {  	[spmem:s6] =	stream.indirect.scatter.add.f32 [tilespmem:s12], [sflag:$0x1], $0x10, s24, s13, $0xb8;
	[tilespmem:$0x19F40] =	vst v63  }
0xe8: {  	_ =	swait.ge [sflag:s5], $0x700  }
0xe9: {  	[sflag:s5] =	ssyncset.done $0x0  }
0xea: {  	s25 =	simm.s32 $0xA80;
	[sflag:s5] =	ssyncadd.s32 $0xFFFFF900  }
0xeb: {  	[spmem:s8] =	stream.indirect.scatter.add.f32 [tilespmem:s18], [sflag:$0x1], $0x40, s25, s13, $0xb8;
	[tilespmem:$0x19F40] =	vst v63  }
0xec: {  	_ =	swait.ge [sflag:s5], $0x1C00  }
0xed: {  	[sflag:s5] =	ssyncset.done $0x0  }
0xee: {  	[sflag:s5] =	ssyncadd.s32 $0xFFFFE400  }
0xef: {  	[spmem:s6] =	stream.indirect.scatter.add.f32 [tilespmem:s12], [sflag:$0x1], $0x10, s25, s13, $0xb8;
	[tilespmem:$0x19F40] =	vst v63  }
0xf0: {  	_ =	swait.ge [sflag:s5], $0x700  }
0xf1: {  	[sflag:s5] =	ssyncset.done $0x0  }
0xf2: {  	s26 =	simm.s32 $0xAF0;
	[sflag:s5] =	ssyncadd.s32 $0xFFFFF900  }
0xf3: {  	[spmem:s8] =	stream.indirect.scatter.add.f32 [tilespmem:s19], [sflag:$0x1], $0x40, s26, s13, $0xb8;
	[tilespmem:$0x19F40] =	vst v63  }
0xf4: {  	_ =	swait.ge [sflag:s5], $0x1C00  }
0xf5: {  	[sflag:s5] =	ssyncset.done $0x0  }
0xf6: {  	[sflag:s5] =	ssyncadd.s32 $0xFFFFE400  }
0xf7: {  	[spmem:s6] =	stream.indirect.scatter.add.f32 [tilespmem:s12], [sflag:$0x1], $0x10, s26, s13, $0xb8;
	[tilespmem:$0x19F40] =	vst v63  }
0xf8: {  	_ =	swait.ge [sflag:s5], $0x700  }
0xf9: {  	[sflag:s5] =	ssyncset.done $0x0  }
0xfa: {  	s28 =	simm.s32 $0xB60;
	[sflag:s5] =	ssyncadd.s32 $0xFFFFF900  }
0xfb: {  	[spmem:s8] =	stream.indirect.scatter.add.f32 [tilespmem:s20], [sflag:$0x1], $0x40, s28, s13, $0xb8;
	[tilespmem:$0x19F40] =	vst v63  }
0xfc: {  	_ =	swait.ge [sflag:s5], $0x1C00  }
0xfd: {  	[sflag:s5] =	ssyncset.done $0x0  }
0xfe: {  	[sflag:s5] =	ssyncadd.s32 $0xFFFFE400  }
0xff: {  	[spmem:s6] =	stream.indirect.scatter.add.f32 [tilespmem:s12], [sflag:$0x1], $0x10, s28, s13, $0xb8;
	[tilespmem:$0x19F40] =	vst v63  }
0x100: {  	_ =	swait.ge [sflag:s5], $0x700  }
0x101: {  	[sflag:s5] =	ssyncset.done $0x0  }
0x102: {  	s29 =	simm.s32 $0xBD0;
	[sflag:s5] =	ssyncadd.s32 $0xFFFFF900  }
0x103: {  	[spmem:s8] =	stream.indirect.scatter.add.f32 [tilespmem:s21], [sflag:$0x1], $0x40, s29, s13, $0xb8;
	[tilespmem:$0x19F40] =	vst v63  }
0x104: {  	_ =	swait.ge [sflag:s5], $0x1C00  }
0x105: {  	[sflag:s5] =	ssyncset.done $0x0  }
0x106: {  	[sflag:s5] =	ssyncadd.s32 $0xFFFFE400  }
0x107: {  	[spmem:s6] =	stream.indirect.scatter.add.f32 [tilespmem:s12], [sflag:$0x1], $0x10, s29, s13, $0xb8;
	[tilespmem:$0x19F40] =	vst v63  }
0x108: {  	_ =	swait.ge [sflag:s5], $0x700  }
0x109: {  	[sflag:s5] =	ssyncset.done $0x0  }
0x10a: {  	s30 =	sshrl.u32 s7, $0x3;
	[sflag:s5] =	ssyncadd.s32 $0xFFFFF900  }
0x10b: {  	s3 =	sadd.s32 s3, s30;
	[bflag:$0x0] =	sbarrier.arrive $0xFFFF  }
0x10c: {  	[hbm:s3], [sflag:s4] =	dma.local [spmem:s9], $0x1400  }
0x10d: {  	s31 =	sshrl.u32 s10, $0x3;
	_ =	swait.ge [sflag:s5], $0x1400  }
0x10e: {  	s2 =	sadd.s32 s31, s2;
	[sflag:s5] =	ssyncset.done $0x0  }
0x10f: {  	s2 =	sadd.s32 $0x6C00, s2;
	[sflag:s5] =	ssyncadd.s32 $0xFFFFEC00  }
0x110: {  	[hbm:s2], [sflag:s4] =	dma.local [spmem:s11], $0x500  }
0x111: {  	_ =	swait.ge [sflag:s5], $0x500  }
0x112: {  	[sflag:s5] =	ssyncset.done $0x0  }
0x113: {  	[sflag:s5] =	ssyncadd.s32 $0xFFFFFB00  }
0x114: {  	_ =	sfence.sel $0x180000  }
0x115: {  	[bflag:$0x0] =	sbarrier.arrive $0xFFFF  }
0x116: {  	p0 =	sne.s32 s1, $0x0;
	_ =	strace $0x90000050  }
0x117: {  	s0 =	sadd.s32 @!p0 $0x100000, s0;
	[bflag:$0x2] =	sbarrier.arrive $0xFFFF  }
0x118: {  	[sflag:s0] =	ssyncadd.tile.s32 @!p0 $0x1;
	_ =	shalt  }
.Lfunc_end2:
_tile_overlayer_lowered:
.L_overlay_start_2:
0x119: {  	(tag) =	ssettag $0x2  }
0x11a: {  	s0 =	rddreg [dreg:$0x0];
	s2 =	stileid.u32  }
0x11b: {  	s1 =	rddreg [dreg:$0x1];
	p0 =	sne.s32 s2, $0x0  }
0x11c: {  	s3 =	rddreg [dreg:$0x2];
	[bflag:$0x3] =	sbarrier.arrive $0xFFFF;
	s2 =	simm.s32 @!p0 $0x1C01  }
0x11d: {  	[timem:s3], [sflag:s2] =	dma.local @!p0 [hbm:s0], s1  }
0x11e: {  	s0 =	simm.s32 @!p0 $0x1  }
0x11f: {  	_ =	swait.ge @!p0 [sflag:s0], s1  }
0x120: {  	s1 =	ssub.s32 @!p0 $0x0, s1;
	[sflag:s0] =	ssyncset.done @!p0 $0x0  }
0x121: {  	[sflag:s0] =	ssyncadd.s32 @!p0 s1  }
0x122: {  	[bflag:$0x3] =	sbarrier.arrive $0xFFFF  }
0x123: {  	_ =	shalt  }

</sc_bundles>
